<compile_context>
chip_gen: v7x
topology: tpu7x:2x2x1
jax: 0.10.2.dev20260603
libtpu: 0.0.44.dev20260713+nightly
codegen_flags: <defaults>
</compile_context>

<pallas_src>
import functools

import jax
import jax.numpy as jnp
from jax import lax
from jax.experimental import pallas as pl
from jax.experimental.pallas import tpu as pltpu
from jax.experimental.pallas import tpu_sc as plsc

_R = 100000
_D = 512
_NC = 2
_NS = 16
_NW = _NC * _NS
_RPW = _R // _NW
_MCHUNK = 3136
_NGRP = _MCHUNK // 16
_IDXCAP = 3168
_G = 16
_NBUF = 8


def _body(x_hbm, mask_hbm, zrows_hbm, out_hbm,
          maskv, midx, zidx, buf, zbuf, gsem, ssem, zsem):
    wid = lax.axis_index("s") * _NC + lax.axis_index("c")
    base = wid * _RPW
    abase = jnp.minimum((base // 8) * 8, _R - _MCHUNK)

    pltpu.sync_copy(mask_hbm.at[pl.ds(abase, _MCHUNK)], maskv)
    pltpu.sync_copy(zrows_hbm, zbuf)

    lanes = lax.iota(jnp.int32, 16)

    def grp(g, carry):
        mc, zc = carry
        v = maskv[pl.ds(g * 16, 16)]
        rowid = lanes + (abase + g * 16)
        valid = (rowid >= base) & (rowid < base + _RPW)
        mm = (v != 0) & valid
        mz = (v == 0) & valid
        mi = mm.astype(jnp.int32)
        zi = mz.astype(jnp.int32)
        csm = plsc.cumsum(mi)
        csz = plsc.cumsum(zi)
        trash = jnp.full((16,), _IDXCAP - 1, jnp.int32)
        dstm = jnp.where(mm, mc + csm - 1, trash)
        dstz = jnp.where(mz, zc + csz - 1, trash)
        plsc.store_scatter(midx, [dstm], rowid)
        plsc.store_scatter(zidx, [dstz], rowid)
        return (mc + jnp.sum(mi), zc + jnp.sum(zi))

    mcnt, zcnt = lax.fori_loop(0, _NGRP, grp,
                               (jnp.int32(0), jnp.int32(0)))

    @pl.when(mcnt > 0)
    def _():
        last = plsc.load_gather(midx, [jnp.full((16,), mcnt - 1, jnp.int32)])
        midx[pl.ds(mcnt, 16)] = last

    @pl.when(zcnt > 0)
    def _():
        last = plsc.load_gather(zidx, [jnp.full((16,), zcnt - 1, jnp.int32)])
        zidx[pl.ds(zcnt, 16)] = last

    nm = (mcnt + _G - 1) // _G
    nz = (zcnt + _G - 1) // _G

    nouter = (nm + _NBUF - 1) // _NBUF

    def outer(jj, c):
        j0 = jj * _NBUF
        for s in range(_NBUF):
            j = j0 + s

            @pl.when(j < nm)
            def _():
                idx = midx[pl.ds(j * _G, _G)]

                @pl.when(j >= _NBUF)
                def _():
                    pltpu.make_async_copy(
                        buf.at[s], out_hbm.at[idx], ssem.at[s]).wait()

                pltpu.async_copy(x_hbm.at[idx], buf.at[s], gsem.at[s])
        for s in range(_NBUF):
            j = j0 + s

            @pl.when(j < nm)
            def _():
                idx = midx[pl.ds(j * _G, _G)]
                pltpu.make_async_copy(
                    x_hbm.at[idx], buf.at[s], gsem.at[s]).wait()
                pltpu.async_copy(buf.at[s], out_hbm.at[idx], ssem.at[s])
        return c

    lax.fori_loop(0, nouter, outer, jnp.int32(0))

    nzouter = (nz + _NBUF - 1) // _NBUF

    def zouter(jj, c):
        j0 = jj * _NBUF
        for s in range(_NBUF):
            j = j0 + s

            @pl.when(j < nz)
            def _():
                idx = zidx[pl.ds(j * _G, _G)]

                @pl.when(j >= _NBUF)
                def _():
                    pltpu.make_async_copy(
                        zbuf, out_hbm.at[idx], zsem.at[s]).wait()

                pltpu.async_copy(zbuf, out_hbm.at[idx], zsem.at[s])
        return c

    lax.fori_loop(0, nzouter, zouter, jnp.int32(0))

    for s in range(_NBUF):
        @pl.when(s < nm)
        def _():
            idx = midx[pl.ds(0, _G)]
            pltpu.make_async_copy(
                buf.at[s], out_hbm.at[idx], ssem.at[s]).wait()

        @pl.when(s < nz)
        def _():
            idx = zidx[pl.ds(0, _G)]
            pltpu.make_async_copy(zbuf, out_hbm.at[idx], zsem.at[s]).wait()


_sc_call_cache = []


def _sc_call(*args):
    if not _sc_call_cache:
        _sc_call_cache.append(functools.partial(
            pl.kernel,
            out_type=jax.ShapeDtypeStruct((_R, _D), jnp.float32),
            mesh=plsc.VectorSubcoreMesh(core_axis_name="c", subcore_axis_name="s"),
            compiler_params=pltpu.CompilerParams(
                needs_layout_passes=False,
                skip_device_barrier=True,
                disable_bounds_checks=True,
                disable_semaphore_checks=True,
            ),
            scratch_types=[
                pltpu.VMEM((_MCHUNK,), jnp.int32),
                pltpu.VMEM((_IDXCAP,), jnp.int32),
                pltpu.VMEM((_IDXCAP,), jnp.int32),
                pltpu.VMEM((_NBUF, _G, _D), jnp.float32),
                pltpu.VMEM((_G, _D), jnp.float32),
                pltpu.SemaphoreType.DMA((_NBUF,)),
                pltpu.SemaphoreType.DMA((_NBUF,)),
                pltpu.SemaphoreType.DMA((_NBUF,)),
            ],
        )(_body))
    return _sc_call_cache[0](*args)


def kernel(x, mask):
    mask_i32 = mask.astype(jnp.int32)
    zrows = jnp.zeros((_G, _D), jnp.float32)
    return _sc_call(x, mask_i32, zrows)

# --- scband reference (transcript-rebuilt; emitter-appended) ---
"""Pipeline reference for scband-mask-feature-36146444763487 (READ-ONLY COPY).

The authoritative reference and input builder live on the scoring server;
editing this copy changes nothing except your own understanding.
"""

import jax, jax.numpy as jnp
import numpy as np


def setup_inputs(seed: int = 0) -> dict:
    key = jax.random.key(seed)
    k1, k2 = jax.random.split(key)
    x = jax.random.normal(k1, (100000, 512), dtype=jnp.float32)
    mask = jax.random.randint(k2, (100000,), 0, 2).astype(jnp.bool_)
    return {"x": x, "mask": mask}


def reference(x, mask):
    # Faithful translation of:
    #   out = torch.zeros_like(x); out[mask] = x[mask]
    # Boolean row mask selects which rows of x are copied into a zero tensor.
    out = jnp.where(mask[:, None], x, jnp.zeros_like(x))
    return out

if __name__ == "__main__":
    import jax
    _d = setup_inputs()
    print(jax.jit(kernel)(*tuple(_d.values())))

</pallas_src>

<mosaic_0001>
#map = affine_map<(d0, d1) -> (0, 0)>
#map1 = affine_map<(d0, d1) -> (0)>
module attributes {stable_mosaic.version = 14 : i64} {
  func.func @_body(%arg0: i32, %arg1: i32, %arg2: memref<100000x512xf32, #tpu.memory_space<hbm>>, %arg3: memref<100000xi32, #tpu.memory_space<hbm>>, %arg4: memref<16x512xf32, #tpu.memory_space<hbm>>, %arg5: memref<100000x512xf32, #tpu.memory_space<hbm>>, %arg6: memref<3136xi32, #tpu.memory_space<vmem>>, %arg7: memref<3168xi32, #tpu.memory_space<vmem>>, %arg8: memref<3168xi32, #tpu.memory_space<vmem>>, %arg9: memref<8x16x512xf32, #tpu.memory_space<vmem>>, %arg10: memref<16x512xf32, #tpu.memory_space<vmem>>, %arg11: memref<8x!tpu.dma_semaphore, #tpu.memory_space<semaphore_mem>>, %arg12: memref<8x!tpu.dma_semaphore, #tpu.memory_space<semaphore_mem>>, %arg13: memref<8x!tpu.dma_semaphore, #tpu.memory_space<semaphore_mem>>) attributes {dimension_semantics = [#tpu.dimension_semantics<core_parallel>, #tpu.dimension_semantics<subcore_parallel>], iteration_bounds = array<i64: 2, 16>, scalar_prefetch = 0 : i64, scratch_operands = 8 : i64, tpu.core_type = #tpu.core_type<sc_vector_subcore>, window_params = [{transform_indices = #map}, {transform_indices = #map1}, {transform_indices = #map}, {transform_indices = #map}]} {
    %mul3A = arith.constant 2 : i32
    %mul3A_0 = arith.muli %arg1, %mul3A : i32
    %add3A = arith.addi %mul3A_0, %arg0 : i32
    %mul3A_1 = arith.constant 3125 : i32
    %mul3A_2 = arith.muli %add3A, %mul3A_1 : i32
    %jit3A = arith.constant 8 : i32
    %div3A = arith.divsi %mul3A_2, %jit3A : i32
    %sign3A = arith.constant 0 : i32
    %sign3A_3 = arith.cmpi sgt, %mul3A_2, %sign3A : i32
    %sign3A_4 = arith.extui %sign3A_3 : i1 to i32
    %sign3A_5 = arith.constant 0 : i32
    %sign3A_6 = arith.cmpi slt, %mul3A_2, %sign3A_5 : i32
    %sign3A_7 = arith.extui %sign3A_6 : i1 to i32
    %sign3A_8 = arith.subi %sign3A_4, %sign3A_7 : i32
    %sign3A_9 = arith.constant 0 : i32
    %sign3A_10 = arith.cmpi sgt, %jit3A, %sign3A_9 : i32
    %sign3A_11 = arith.extui %sign3A_10 : i1 to i32
    %sign3A_12 = arith.constant 0 : i32
    %sign3A_13 = arith.cmpi slt, %jit3A, %sign3A_12 : i32
    %sign3A_14 = arith.extui %sign3A_13 : i1 to i32
    %sign3A_15 = arith.subi %sign3A_11, %sign3A_14 : i32
    %ne3A = arith.cmpi ne, %sign3A_8, %sign3A_15 : i32
    %rem3A = arith.remsi %mul3A_2, %jit3A : i32
    %ne3A_16 = arith.constant 0 : i32
    %ne3A_17 = arith.cmpi ne, %rem3A, %ne3A_16 : i32
    %and3A = arith.andi %ne3A, %ne3A_17 : i1
    %sub3A = arith.constant 1 : i32
    %sub3A_18 = arith.subi %div3A, %sub3A : i32
    %select_n3A = arith.select %and3A, %sub3A_18, %div3A : i32
    %mul3A_19 = arith.constant 8 : i32
    %mul3A_20 = arith.muli %select_n3A, %mul3A_19 : i32
    %min3A = arith.constant 96864 : i32
    %min3A_21 = arith.minsi %mul3A_20, %min3A : i32
    "tpu.region"() ({
      %run_scoped3A = tpu.sem_alloc : memref<!tpu.dma_semaphore, #tpu.memory_space<semaphore_mem>>
      %dma_start3A = tpu.memref_slice %arg3[%min3A_21] : memref<100000xi32, #tpu.memory_space<hbm>> -> memref<3136xi32, #tpu.memory_space<hbm>>
      %dma_start3A_247 = tpu.memref_slice %arg3[%min3A_21] : memref<100000xi32, #tpu.memory_space<hbm>> -> memref<3136xi32, #tpu.memory_space<hbm>>
      tpu.enqueue_dma source(%dma_start3A_247 : memref<3136xi32, #tpu.memory_space<hbm>>) target(%arg6 : memref<3136xi32, #tpu.memory_space<vmem>>) target_semaphore(%run_scoped3A : memref<!tpu.dma_semaphore, #tpu.memory_space<semaphore_mem>>)
      %dma_wait3A = tpu.memref_slice %arg3[%min3A_21] : memref<100000xi32, #tpu.memory_space<hbm>> -> memref<3136xi32, #tpu.memory_space<hbm>>
      %dma_wait3A_248 = tpu.memref_slice %arg3[%min3A_21] : memref<100000xi32, #tpu.memory_space<hbm>> -> memref<3136xi32, #tpu.memory_space<hbm>>
      tpu.wait_dma2 semaphore(%run_scoped3A : memref<!tpu.dma_semaphore, #tpu.memory_space<semaphore_mem>>) src(%dma_wait3A_248 : memref<3136xi32, #tpu.memory_space<hbm>>) dst(%arg6 : memref<3136xi32, #tpu.memory_space<vmem>>)
      tpu.yield
    }) : () -> ()
    "tpu.region"() ({
      %run_scoped3A = tpu.sem_alloc : memref<!tpu.dma_semaphore, #tpu.memory_space<semaphore_mem>>
      tpu.enqueue_dma source(%arg4 : memref<16x512xf32, #tpu.memory_space<hbm>>) target(%arg10 : memref<16x512xf32, #tpu.memory_space<vmem>>) target_semaphore(%run_scoped3A : memref<!tpu.dma_semaphore, #tpu.memory_space<semaphore_mem>>)
      tpu.wait_dma2 semaphore(%run_scoped3A : memref<!tpu.dma_semaphore, #tpu.memory_space<semaphore_mem>>) src(%arg4 : memref<16x512xf32, #tpu.memory_space<hbm>>) dst(%arg10 : memref<16x512xf32, #tpu.memory_space<vmem>>)
      tpu.yield
    }) : () -> ()
    %iota3A = tpu.iota {dimensions = array<i32: 0>} : vector<16xi32>
    %scan3A = arith.constant 0 : i32
    %scan3A_22 = arith.constant 0 : i32
    %scan3A_23 = arith.constant 0 : i32
    %scan3A_24 = arith.constant 196 : i32
    %scan3A_25 = arith.addi %scan3A_23, %scan3A_24 : i32
    %scan3A_26 = arith.constant 1 : i32
    %scan3A_27:2 = scf.for %scan3A_247 = %scan3A_23 to %scan3A_25 step %scan3A_26 iter_args(%scan3A_248 = %scan3A, %scan3A_249 = %scan3A_22) -> (i32, i32)  : i32 {
      %mul3A_250 = arith.constant 16 : i32
      %mul3A_251 = arith.muli %scan3A_247, %mul3A_250 : i32
      %get3A = arith.index_cast %mul3A_251 : i32 to index
      %get3A_252 = tpu.vector_load %arg6[%get3A] {strides = array<i32>} : memref<3136xi32, #tpu.memory_space<vmem>>, vector<16xi32>,
      %mul3A_253 = arith.constant 16 : i32
      %mul3A_254 = arith.muli %scan3A_247, %mul3A_253 : i32
      %add3A_255 = arith.addi %min3A_21, %mul3A_254 : i32
      %add3A_256 = vector.broadcast %add3A_255 : i32 to vector<16xi32>
      %add3A_257 = arith.addi %iota3A, %add3A_256 : vector<16xi32>
      %ge3A = vector.broadcast %mul3A_2 : i32 to vector<16xi32>
      %ge3A_258 = arith.cmpi sge, %add3A_257, %ge3A : vector<16xi32>
      %add3A_259 = arith.constant 3125 : i32
      %add3A_260 = arith.addi %mul3A_2, %add3A_259 : i32
      %lt3A = vector.broadcast %add3A_260 : i32 to vector<16xi32>
      %lt3A_261 = arith.cmpi slt, %add3A_257, %lt3A : vector<16xi32>
      %and3A_262 = arith.andi %ge3A_258, %lt3A_261 : vector<16xi1>
      %ne3A_263 = arith.constant 0 : i32
      %ne3A_264 = vector.broadcast %ne3A_263 : i32 to vector<16xi32>
      %ne3A_265 = arith.cmpi ne, %get3A_252, %ne3A_264 : vector<16xi32>
      %and3A_266 = arith.andi %ne3A_265, %and3A_262 : vector<16xi1>
      %eq3A = arith.constant 0 : i32
      %eq3A_267 = vector.broadcast %eq3A : i32 to vector<16xi32>
      %eq3A_268 = arith.cmpi eq, %get3A_252, %eq3A_267 : vector<16xi32>
      %and3A_269 = arith.andi %eq3A_268, %and3A_262 : vector<16xi1>
      %convert_element_type3A_270 = arith.extui %and3A_266 : vector<16xi1> to vector<16xi32>
      %convert_element_type3A_271 = arith.extui %and3A_269 : vector<16xi1> to vector<16xi32>
      %broadcast_in_dim3A = arith.constant true
      %broadcast_in_dim3A_272 = vector.broadcast %broadcast_in_dim3A : i1 to vector<16xi1>
      %masked_cumsum3A = tpu.scan <sum>, %convert_element_type3A_270 masked %broadcast_in_dim3A_272 : vector<16xi32>, vector<16xi1> -> vector<16xi32>
      %broadcast_in_dim3A_273 = arith.constant true
      %broadcast_in_dim3A_274 = vector.broadcast %broadcast_in_dim3A_273 : i1 to vector<16xi1>
      %masked_cumsum3A_275 = tpu.scan <sum>, %convert_element_type3A_271 masked %broadcast_in_dim3A_274 : vector<16xi32>, vector<16xi1> -> vector<16xi32>
      %broadcast_in_dim3A_276 = arith.constant 3167 : i32
      %broadcast_in_dim3A_277 = vector.broadcast %broadcast_in_dim3A_276 : i32 to vector<16xi32>
      %add3A_278 = vector.broadcast %scan3A_248 : i32 to vector<16xi32>
      %add3A_279 = arith.addi %add3A_278, %masked_cumsum3A : vector<16xi32>
      %sub3A_280 = arith.constant 1 : i32
      %sub3A_281 = vector.broadcast %sub3A_280 : i32 to vector<16xi32>
      %sub3A_282 = arith.subi %add3A_279, %sub3A_281 : vector<16xi32>
      %select_n3A_283 = arith.select %and3A_266, %sub3A_282, %broadcast_in_dim3A_277 : vector<16xi1>, vector<16xi32>
      %add3A_284 = vector.broadcast %scan3A_249 : i32 to vector<16xi32>
      %add3A_285 = arith.addi %add3A_284, %masked_cumsum3A_275 : vector<16xi32>
      %sub3A_286 = arith.constant 1 : i32
      %sub3A_287 = vector.broadcast %sub3A_286 : i32 to vector<16xi32>
      %sub3A_288 = arith.subi %add3A_285, %sub3A_287 : vector<16xi32>
      %select_n3A_289 = arith.select %and3A_269, %sub3A_288, %broadcast_in_dim3A_277 : vector<16xi1>, vector<16xi32>
      tpu.vector_store_idx %arg7[%select_n3A_283], %add3A_257 : memref<3168xi32, #tpu.memory_space<vmem>>[vector<16xi32>], vector<16xi32>,
      tpu.vector_store_idx %arg8[%select_n3A_289], %add3A_257 : memref<3168xi32, #tpu.memory_space<vmem>>[vector<16xi32>], vector<16xi32>,
      %reduce_sum3A = arith.constant true
      %reduce_sum3A_290 = vector.broadcast %reduce_sum3A : i1 to vector<16xi1>
      %reduce_sum3A_291 = tpu.scan <sum>, %convert_element_type3A_270 masked %reduce_sum3A_290 : vector<16xi32>, vector<16xi1> -> vector<16xi32>
      %reduce_sum3A_292 = vector.extract %reduce_sum3A_291[15] : i32 from vector<16xi32>
      %add3A_293 = arith.addi %scan3A_248, %reduce_sum3A_292 : i32
      %reduce_sum3A_294 = arith.constant true
      %reduce_sum3A_295 = vector.broadcast %reduce_sum3A_294 : i1 to vector<16xi1>
      %reduce_sum3A_296 = tpu.scan <sum>, %convert_element_type3A_271 masked %reduce_sum3A_295 : vector<16xi32>, vector<16xi1> -> vector<16xi32>
      %reduce_sum3A_297 = vector.extract %reduce_sum3A_296[15] : i32 from vector<16xi32>
      %add3A_298 = arith.addi %scan3A_249, %reduce_sum3A_297 : i32
      scf.yield %add3A_293, %add3A_298 : i32, i32
    }
    %scan3A_28 = arith.constant 196 : i32
    %gt3A = arith.constant 0 : i32
    %gt3A_29 = arith.cmpi sgt, %scan3A_27#0, %gt3A : i32
    %convert_element_type3A = arith.extui %gt3A_29 : i1 to i32
    %cond3A = arith.constant 0 : i32
    %cond3A_30 = arith.cmpi ne, %convert_element_type3A, %cond3A : i32
    scf.if %cond3A_30 {
      %sub3A_247 = arith.constant 1 : i32
      %sub3A_248 = arith.subi %scan3A_27#0, %sub3A_247 : i32
      %broadcast_in_dim3A = vector.broadcast %sub3A_248 : i32 to vector<16xi32>
      %gather3A = tpu.vector_load_idx %arg7[%broadcast_in_dim3A] : memref<3168xi32, #tpu.memory_space<vmem>>[vector<16xi32>], vector<16xi32>,
      %swap3A = arith.index_cast %scan3A_27#0 : i32 to index
      %swap3A_249 = tpu.vector_load %arg7[%swap3A] {strides = array<i32>} : memref<3168xi32, #tpu.memory_space<vmem>>, vector<16xi32>,
      tpu.vector_store %arg7[%swap3A], %gather3A {strides = array<i32>} : memref<3168xi32, #tpu.memory_space<vmem>>, vector<16xi32>,
    } else {
    }
    %gt3A_31 = arith.constant 0 : i32
    %gt3A_32 = arith.cmpi sgt, %scan3A_27#1, %gt3A_31 : i32
    %convert_element_type3A_33 = arith.extui %gt3A_32 : i1 to i32
    %cond3A_34 = arith.constant 0 : i32
    %cond3A_35 = arith.cmpi ne, %convert_element_type3A_33, %cond3A_34 : i32
    scf.if %cond3A_35 {
      %sub3A_247 = arith.constant 1 : i32
      %sub3A_248 = arith.subi %scan3A_27#1, %sub3A_247 : i32
      %broadcast_in_dim3A = vector.broadcast %sub3A_248 : i32 to vector<16xi32>
      %gather3A = tpu.vector_load_idx %arg8[%broadcast_in_dim3A] : memref<3168xi32, #tpu.memory_space<vmem>>[vector<16xi32>], vector<16xi32>,
      %swap3A = arith.index_cast %scan3A_27#1 : i32 to index
      %swap3A_249 = tpu.vector_load %arg8[%swap3A] {strides = array<i32>} : memref<3168xi32, #tpu.memory_space<vmem>>, vector<16xi32>,
      tpu.vector_store %arg8[%swap3A], %gather3A {strides = array<i32>} : memref<3168xi32, #tpu.memory_space<vmem>>, vector<16xi32>,
    } else {
    }
    %add3A_36 = arith.constant 16 : i32
    %add3A_37 = arith.addi %scan3A_27#0, %add3A_36 : i32
    %sub3A_38 = arith.constant 1 : i32
    %sub3A_39 = arith.subi %add3A_37, %sub3A_38 : i32
    %jit3A_40 = arith.constant 16 : i32
    %div3A_41 = arith.divsi %sub3A_39, %jit3A_40 : i32
    %sign3A_42 = arith.constant 0 : i32
    %sign3A_43 = arith.cmpi sgt, %sub3A_39, %sign3A_42 : i32
    %sign3A_44 = arith.extui %sign3A_43 : i1 to i32
    %sign3A_45 = arith.constant 0 : i32
    %sign3A_46 = arith.cmpi slt, %sub3A_39, %sign3A_45 : i32
    %sign3A_47 = arith.extui %sign3A_46 : i1 to i32
    %sign3A_48 = arith.subi %sign3A_44, %sign3A_47 : i32
    %sign3A_49 = arith.constant 0 : i32
    %sign3A_50 = arith.cmpi sgt, %jit3A_40, %sign3A_49 : i32
    %sign3A_51 = arith.extui %sign3A_50 : i1 to i32
    %sign3A_52 = arith.constant 0 : i32
    %sign3A_53 = arith.cmpi slt, %jit3A_40, %sign3A_52 : i32
    %sign3A_54 = arith.extui %sign3A_53 : i1 to i32
    %sign3A_55 = arith.subi %sign3A_51, %sign3A_54 : i32
    %ne3A_56 = arith.cmpi ne, %sign3A_48, %sign3A_55 : i32
    %rem3A_57 = arith.remsi %sub3A_39, %jit3A_40 : i32
    %ne3A_58 = arith.constant 0 : i32
    %ne3A_59 = arith.cmpi ne, %rem3A_57, %ne3A_58 : i32
    %and3A_60 = arith.andi %ne3A_56, %ne3A_59 : i1
    %sub3A_61 = arith.constant 1 : i32
    %sub3A_62 = arith.subi %div3A_41, %sub3A_61 : i32
    %select_n3A_63 = arith.select %and3A_60, %sub3A_62, %div3A_41 : i32
    %add3A_64 = arith.constant 16 : i32
    %add3A_65 = arith.addi %scan3A_27#1, %add3A_64 : i32
    %sub3A_66 = arith.constant 1 : i32
    %sub3A_67 = arith.subi %add3A_65, %sub3A_66 : i32
    %jit3A_68 = arith.constant 16 : i32
    %div3A_69 = arith.divsi %sub3A_67, %jit3A_68 : i32
    %sign3A_70 = arith.constant 0 : i32
    %sign3A_71 = arith.cmpi sgt, %sub3A_67, %sign3A_70 : i32
    %sign3A_72 = arith.extui %sign3A_71 : i1 to i32
    %sign3A_73 = arith.constant 0 : i32
    %sign3A_74 = arith.cmpi slt, %sub3A_67, %sign3A_73 : i32
    %sign3A_75 = arith.extui %sign3A_74 : i1 to i32
    %sign3A_76 = arith.subi %sign3A_72, %sign3A_75 : i32
    %sign3A_77 = arith.constant 0 : i32
    %sign3A_78 = arith.cmpi sgt, %jit3A_68, %sign3A_77 : i32
    %sign3A_79 = arith.extui %sign3A_78 : i1 to i32
    %sign3A_80 = arith.constant 0 : i32
    %sign3A_81 = arith.cmpi slt, %jit3A_68, %sign3A_80 : i32
    %sign3A_82 = arith.extui %sign3A_81 : i1 to i32
    %sign3A_83 = arith.subi %sign3A_79, %sign3A_82 : i32
    %ne3A_84 = arith.cmpi ne, %sign3A_76, %sign3A_83 : i32
    %rem3A_85 = arith.remsi %sub3A_67, %jit3A_68 : i32
    %ne3A_86 = arith.constant 0 : i32
    %ne3A_87 = arith.cmpi ne, %rem3A_85, %ne3A_86 : i32
    %and3A_88 = arith.andi %ne3A_84, %ne3A_87 : i1
    %sub3A_89 = arith.constant 1 : i32
    %sub3A_90 = arith.subi %div3A_69, %sub3A_89 : i32
    %select_n3A_91 = arith.select %and3A_88, %sub3A_90, %div3A_69 : i32
    %add3A_92 = arith.constant 8 : i32
    %add3A_93 = arith.addi %select_n3A_63, %add3A_92 : i32
    %sub3A_94 = arith.constant 1 : i32
    %sub3A_95 = arith.subi %add3A_93, %sub3A_94 : i32
    %jit3A_96 = arith.constant 8 : i32
    %div3A_97 = arith.divsi %sub3A_95, %jit3A_96 : i32
    %sign3A_98 = arith.constant 0 : i32
    %sign3A_99 = arith.cmpi sgt, %sub3A_95, %sign3A_98 : i32
    %sign3A_100 = arith.extui %sign3A_99 : i1 to i32
    %sign3A_101 = arith.constant 0 : i32
    %sign3A_102 = arith.cmpi slt, %sub3A_95, %sign3A_101 : i32
    %sign3A_103 = arith.extui %sign3A_102 : i1 to i32
    %sign3A_104 = arith.subi %sign3A_100, %sign3A_103 : i32
    %sign3A_105 = arith.constant 0 : i32
    %sign3A_106 = arith.cmpi sgt, %jit3A_96, %sign3A_105 : i32
    %sign3A_107 = arith.extui %sign3A_106 : i1 to i32
    %sign3A_108 = arith.constant 0 : i32
    %sign3A_109 = arith.cmpi slt, %jit3A_96, %sign3A_108 : i32
    %sign3A_110 = arith.extui %sign3A_109 : i1 to i32
    %sign3A_111 = arith.subi %sign3A_107, %sign3A_110 : i32
    %ne3A_112 = arith.cmpi ne, %sign3A_104, %sign3A_111 : i32
    %rem3A_113 = arith.remsi %sub3A_95, %jit3A_96 : i32
    %ne3A_114 = arith.constant 0 : i32
    %ne3A_115 = arith.cmpi ne, %rem3A_113, %ne3A_114 : i32
    %and3A_116 = arith.andi %ne3A_112, %ne3A_115 : i1
    %sub3A_117 = arith.constant 1 : i32
    %sub3A_118 = arith.subi %div3A_97, %sub3A_117 : i32
    %select_n3A_119 = arith.select %and3A_116, %sub3A_118, %div3A_97 : i32
    %while3A = arith.constant 0 : i32
    %while3A_120 = arith.constant 0 : i32
    %while3A_121 = arith.subi %select_n3A_119, %while3A_120 : i32
    %while3A_122 = arith.addi %while3A_120, %while3A_121 : i32
    %while3A_123 = arith.constant 1 : i32
    %while3A_124 = arith.divsi %while3A_121, %while3A_123 : i32
    %while3A_125 = arith.muli %while3A_124, %while3A_123 : i32
    %while3A_126 = arith.addi %while3A_120, %while3A_125 : i32
    %while3A_127 = arith.constant 1 : i32
    scf.for %while3A_247 = %while3A_120 to %while3A_126 step %while3A_127  : i32 {
      %mul3A_248 = arith.constant 8 : i32
      %mul3A_249 = arith.muli %while3A_247, %mul3A_248 : i32
      %add3A_250 = arith.constant 0 : i32
      %add3A_251 = arith.addi %mul3A_249, %add3A_250 : i32
      %lt3A = arith.cmpi slt, %add3A_251, %select_n3A_63 : i32
      %convert_element_type3A_252 = arith.extui %lt3A : i1 to i32
      %cond3A_253 = arith.constant 0 : i32
      %cond3A_254 = arith.cmpi ne, %convert_element_type3A_252, %cond3A_253 : i32
      scf.if %cond3A_254 {
        %mul3A_345 = arith.constant 16 : i32
        %mul3A_346 = arith.muli %add3A_251, %mul3A_345 : i32
        %get3A = arith.index_cast %mul3A_346 : i32 to index
        %get3A_347 = tpu.vector_load %arg7[%get3A] {strides = array<i32>} : memref<3168xi32, #tpu.memory_space<vmem>>, vector<16xi32>,
        %ge3A = arith.constant 8 : i32
        %ge3A_348 = arith.cmpi sge, %add3A_251, %ge3A : i32
        %convert_element_type3A_349 = arith.extui %ge3A_348 : i1 to i32
        %cond3A_350 = arith.constant 0 : i32
        %cond3A_351 = arith.cmpi ne, %convert_element_type3A_349, %cond3A_350 : i32
        scf.if %cond3A_351 {
          %dma_wait3A = arith.constant 0 : i32
          %dma_wait3A_362 = arith.constant 0 : i32
          %dma_wait3A_363 = arith.constant 0 : i32
          %dma_wait3A_364 = arith.constant 0 : i32
          %dma_wait3A_365 = tpu.memref_slice %arg9[%dma_wait3A, %dma_wait3A_363, %dma_wait3A_364] : memref<8x16x512xf32, #tpu.memory_space<vmem>> -> memref<1x16x512xf32, #tpu.memory_space<vmem>>
          %dma_wait3A_366 = tpu.memref_squeeze %dma_wait3A_365 : memref<1x16x512xf32, #tpu.memory_space<vmem>> -> memref<16x512xf32, #tpu.memory_space<vmem>>
          %dma_wait3A_367 = arith.constant 0 : i32
          %dma_wait3A_368 = arith.constant 0 : i32
          %dma_wait3A_369 = tpu.memref_slice %arg5[%dma_wait3A_367, %dma_wait3A_368] : memref<100000x512xf32, #tpu.memory_space<hbm>> -> memref<100000x512xf32, #tpu.memory_space<hbm>>
          %dma_wait3A_370 = tpu.memref_slice %arg12[%dma_wait3A_362] : memref<8x!tpu.dma_semaphore, #tpu.memory_space<semaphore_mem>> -> memref<1x!tpu.dma_semaphore, #tpu.memory_space<semaphore_mem>>
          %dma_wait3A_371 = tpu.memref_squeeze %dma_wait3A_370 : memref<1x!tpu.dma_semaphore, #tpu.memory_space<semaphore_mem>> -> memref<!tpu.dma_semaphore, #tpu.memory_space<semaphore_mem>>
          tpu.wait_indirect_dma semaphore(%dma_wait3A_371 : memref<!tpu.dma_semaphore, #tpu.memory_space<semaphore_mem>>) src(%dma_wait3A_366 : memref<16x512xf32, #tpu.memory_space<vmem>>) dst(%dma_wait3A_369 : memref<100000x512xf32, #tpu.memory_space<hbm>>)
        } else {
        }
        %dma_start3A = arith.constant 0 : i32
        %dma_start3A_352 = arith.constant 0 : i32
        %dma_start3A_353 = arith.constant 0 : i32
        %dma_start3A_354 = arith.constant 0 : i32
        %dma_start3A_355 = tpu.memref_slice %arg9[%dma_start3A, %dma_start3A_353, %dma_start3A_354] : memref<8x16x512xf32, #tpu.memory_space<vmem>> -> memref<1x16x512xf32, #tpu.memory_space<vmem>>
        %dma_start3A_356 = tpu.memref_squeeze %dma_start3A_355 : memref<1x16x512xf32, #tpu.memory_space<vmem>> -> memref<16x512xf32, #tpu.memory_space<vmem>>
        %dma_start3A_357 = arith.constant 0 : i32
        %dma_start3A_358 = arith.constant 0 : i32
        %dma_start3A_359 = tpu.memref_slice %arg2[%dma_start3A_357, %dma_start3A_358] : memref<100000x512xf32, #tpu.memory_space<hbm>> -> memref<100000x512xf32, #tpu.memory_space<hbm>>
        %dma_start3A_360 = tpu.memref_slice %arg11[%dma_start3A_352] : memref<8x!tpu.dma_semaphore, #tpu.memory_space<semaphore_mem>> -> memref<1x!tpu.dma_semaphore, #tpu.memory_space<semaphore_mem>>
        %dma_start3A_361 = tpu.memref_squeeze %dma_start3A_360 : memref<1x!tpu.dma_semaphore, #tpu.memory_space<semaphore_mem>> -> memref<!tpu.dma_semaphore, #tpu.memory_space<semaphore_mem>>
        tpu.enqueue_indirect_dma source(%dma_start3A_359 : memref<100000x512xf32, #tpu.memory_space<hbm>>) target(%dma_start3A_356 : memref<16x512xf32, #tpu.memory_space<vmem>>) offsets(%get3A_347 : vector<16xi32>) semaphore(%dma_start3A_361 : memref<!tpu.dma_semaphore, #tpu.memory_space<semaphore_mem>>)
      } else {
      }
      %add3A_255 = arith.constant 1 : i32
      %add3A_256 = arith.addi %mul3A_249, %add3A_255 : i32
      %lt3A_257 = arith.cmpi slt, %add3A_256, %select_n3A_63 : i32
      %convert_element_type3A_258 = arith.extui %lt3A_257 : i1 to i32
      %cond3A_259 = arith.constant 0 : i32
      %cond3A_260 = arith.cmpi ne, %convert_element_type3A_258, %cond3A_259 : i32
      scf.if %cond3A_260 {
        %mul3A_345 = arith.constant 16 : i32
        %mul3A_346 = arith.muli %add3A_256, %mul3A_345 : i32
        %get3A = arith.index_cast %mul3A_346 : i32 to index
        %get3A_347 = tpu.vector_load %arg7[%get3A] {strides = array<i32>} : memref<3168xi32, #tpu.memory_space<vmem>>, vector<16xi32>,
        %ge3A = arith.constant 8 : i32
        %ge3A_348 = arith.cmpi sge, %add3A_256, %ge3A : i32
        %convert_element_type3A_349 = arith.extui %ge3A_348 : i1 to i32
        %cond3A_350 = arith.constant 0 : i32
        %cond3A_351 = arith.cmpi ne, %convert_element_type3A_349, %cond3A_350 : i32
        scf.if %cond3A_351 {
          %dma_wait3A = arith.constant 1 : i32
          %dma_wait3A_362 = arith.constant 1 : i32
          %dma_wait3A_363 = arith.constant 0 : i32
          %dma_wait3A_364 = arith.constant 0 : i32
          %dma_wait3A_365 = tpu.memref_slice %arg9[%dma_wait3A, %dma_wait3A_363, %dma_wait3A_364] : memref<8x16x512xf32, #tpu.memory_space<vmem>> -> memref<1x16x512xf32, #tpu.memory_space<vmem>>
          %dma_wait3A_366 = tpu.memref_squeeze %dma_wait3A_365 : memref<1x16x512xf32, #tpu.memory_space<vmem>> -> memref<16x512xf32, #tpu.memory_space<vmem>>
          %dma_wait3A_367 = arith.constant 0 : i32
          %dma_wait3A_368 = arith.constant 0 : i32
          %dma_wait3A_369 = tpu.memref_slice %arg5[%dma_wait3A_367, %dma_wait3A_368] : memref<100000x512xf32, #tpu.memory_space<hbm>> -> memref<100000x512xf32, #tpu.memory_space<hbm>>
          %dma_wait3A_370 = tpu.memref_slice %arg12[%dma_wait3A_362] : memref<8x!tpu.dma_semaphore, #tpu.memory_space<semaphore_mem>> -> memref<1x!tpu.dma_semaphore, #tpu.memory_space<semaphore_mem>>
          %dma_wait3A_371 = tpu.memref_squeeze %dma_wait3A_370 : memref<1x!tpu.dma_semaphore, #tpu.memory_space<semaphore_mem>> -> memref<!tpu.dma_semaphore, #tpu.memory_space<semaphore_mem>>
          tpu.wait_indirect_dma semaphore(%dma_wait3A_371 : memref<!tpu.dma_semaphore, #tpu.memory_space<semaphore_mem>>) src(%dma_wait3A_366 : memref<16x512xf32, #tpu.memory_space<vmem>>) dst(%dma_wait3A_369 : memref<100000x512xf32, #tpu.memory_space<hbm>>)
        } else {
        }
        %dma_start3A = arith.constant 1 : i32
        %dma_start3A_352 = arith.constant 1 : i32
        %dma_start3A_353 = arith.constant 0 : i32
        %dma_start3A_354 = arith.constant 0 : i32
        %dma_start3A_355 = tpu.memref_slice %arg9[%dma_start3A, %dma_start3A_353, %dma_start3A_354] : memref<8x16x512xf32, #tpu.memory_space<vmem>> -> memref<1x16x512xf32, #tpu.memory_space<vmem>>
        %dma_start3A_356 = tpu.memref_squeeze %dma_start3A_355 : memref<1x16x512xf32, #tpu.memory_space<vmem>> -> memref<16x512xf32, #tpu.memory_space<vmem>>
        %dma_start3A_357 = arith.constant 0 : i32
        %dma_start3A_358 = arith.constant 0 : i32
        %dma_start3A_359 = tpu.memref_slice %arg2[%dma_start3A_357, %dma_start3A_358] : memref<100000x512xf32, #tpu.memory_space<hbm>> -> memref<100000x512xf32, #tpu.memory_space<hbm>>
        %dma_start3A_360 = tpu.memref_slice %arg11[%dma_start3A_352] : memref<8x!tpu.dma_semaphore, #tpu.memory_space<semaphore_mem>> -> memref<1x!tpu.dma_semaphore, #tpu.memory_space<semaphore_mem>>
        %dma_start3A_361 = tpu.memref_squeeze %dma_start3A_360 : memref<1x!tpu.dma_semaphore, #tpu.memory_space<semaphore_mem>> -> memref<!tpu.dma_semaphore, #tpu.memory_space<semaphore_mem>>
        tpu.enqueue_indirect_dma source(%dma_start3A_359 : memref<100000x512xf32, #tpu.memory_space<hbm>>) target(%dma_start3A_356 : memref<16x512xf32, #tpu.memory_space<vmem>>) offsets(%get3A_347 : vector<16xi32>) semaphore(%dma_start3A_361 : memref<!tpu.dma_semaphore, #tpu.memory_space<semaphore_mem>>)
      } else {
      }
      %add3A_261 = arith.constant 2 : i32
      %add3A_262 = arith.addi %mul3A_249, %add3A_261 : i32
      %lt3A_263 = arith.cmpi slt, %add3A_262, %select_n3A_63 : i32
      %convert_element_type3A_264 = arith.extui %lt3A_263 : i1 to i32
      %cond3A_265 = arith.constant 0 : i32
      %cond3A_266 = arith.cmpi ne, %convert_element_type3A_264, %cond3A_265 : i32
      scf.if %cond3A_266 {
        %mul3A_345 = arith.constant 16 : i32
        %mul3A_346 = arith.muli %add3A_262, %mul3A_345 : i32
        %get3A = arith.index_cast %mul3A_346 : i32 to index
        %get3A_347 = tpu.vector_load %arg7[%get3A] {strides = array<i32>} : memref<3168xi32, #tpu.memory_space<vmem>>, vector<16xi32>,
        %ge3A = arith.constant 8 : i32
        %ge3A_348 = arith.cmpi sge, %add3A_262, %ge3A : i32
        %convert_element_type3A_349 = arith.extui %ge3A_348 : i1 to i32
        %cond3A_350 = arith.constant 0 : i32
        %cond3A_351 = arith.cmpi ne, %convert_element_type3A_349, %cond3A_350 : i32
        scf.if %cond3A_351 {
          %dma_wait3A = arith.constant 2 : i32
          %dma_wait3A_362 = arith.constant 2 : i32
          %dma_wait3A_363 = arith.constant 0 : i32
          %dma_wait3A_364 = arith.constant 0 : i32
          %dma_wait3A_365 = tpu.memref_slice %arg9[%dma_wait3A, %dma_wait3A_363, %dma_wait3A_364] : memref<8x16x512xf32, #tpu.memory_space<vmem>> -> memref<1x16x512xf32, #tpu.memory_space<vmem>>
          %dma_wait3A_366 = tpu.memref_squeeze %dma_wait3A_365 : memref<1x16x512xf32, #tpu.memory_space<vmem>> -> memref<16x512xf32, #tpu.memory_space<vmem>>
          %dma_wait3A_367 = arith.constant 0 : i32
          %dma_wait3A_368 = arith.constant 0 : i32
          %dma_wait3A_369 = tpu.memref_slice %arg5[%dma_wait3A_367, %dma_wait3A_368] : memref<100000x512xf32, #tpu.memory_space<hbm>> -> memref<100000x512xf32, #tpu.memory_space<hbm>>
          %dma_wait3A_370 = tpu.memref_slice %arg12[%dma_wait3A_362] : memref<8x!tpu.dma_semaphore, #tpu.memory_space<semaphore_mem>> -> memref<1x!tpu.dma_semaphore, #tpu.memory_space<semaphore_mem>>
          %dma_wait3A_371 = tpu.memref_squeeze %dma_wait3A_370 : memref<1x!tpu.dma_semaphore, #tpu.memory_space<semaphore_mem>> -> memref<!tpu.dma_semaphore, #tpu.memory_space<semaphore_mem>>
          tpu.wait_indirect_dma semaphore(%dma_wait3A_371 : memref<!tpu.dma_semaphore, #tpu.memory_space<semaphore_mem>>) src(%dma_wait3A_366 : memref<16x512xf32, #tpu.memory_space<vmem>>) dst(%dma_wait3A_369 : memref<100000x512xf32, #tpu.memory_space<hbm>>)
        } else {
        }
        %dma_start3A = arith.constant 2 : i32
        %dma_start3A_352 = arith.constant 2 : i32
        %dma_start3A_353 = arith.constant 0 : i32
        %dma_start3A_354 = arith.constant 0 : i32
        %dma_start3A_355 = tpu.memref_slice %arg9[%dma_start3A, %dma_start3A_353, %dma_start3A_354] : memref<8x16x512xf32, #tpu.memory_space<vmem>> -> memref<1x16x512xf32, #tpu.memory_space<vmem>>
        %dma_start3A_356 = tpu.memref_squeeze %dma_start3A_355 : memref<1x16x512xf32, #tpu.memory_space<vmem>> -> memref<16x512xf32, #tpu.memory_space<vmem>>
        %dma_start3A_357 = arith.constant 0 : i32
        %dma_start3A_358 = arith.constant 0 : i32
        %dma_start3A_359 = tpu.memref_slice %arg2[%dma_start3A_357, %dma_start3A_358] : memref<100000x512xf32, #tpu.memory_space<hbm>> -> memref<100000x512xf32, #tpu.memory_space<hbm>>
        %dma_start3A_360 = tpu.memref_slice %arg11[%dma_start3A_352] : memref<8x!tpu.dma_semaphore, #tpu.memory_space<semaphore_mem>> -> memref<1x!tpu.dma_semaphore, #tpu.memory_space<semaphore_mem>>
        %dma_start3A_361 = tpu.memref_squeeze %dma_start3A_360 : memref<1x!tpu.dma_semaphore, #tpu.memory_space<semaphore_mem>> -> memref<!tpu.dma_semaphore, #tpu.memory_space<semaphore_mem>>
        tpu.enqueue_indirect_dma source(%dma_start3A_359 : memref<100000x512xf32, #tpu.memory_space<hbm>>) target(%dma_start3A_356 : memref<16x512xf32, #tpu.memory_space<vmem>>) offsets(%get3A_347 : vector<16xi32>) semaphore(%dma_start3A_361 : memref<!tpu.dma_semaphore, #tpu.memory_space<semaphore_mem>>)
      } else {
      }
      %add3A_267 = arith.constant 3 : i32
      %add3A_268 = arith.addi %mul3A_249, %add3A_267 : i32
      %lt3A_269 = arith.cmpi slt, %add3A_268, %select_n3A_63 : i32
      %convert_element_type3A_270 = arith.extui %lt3A_269 : i1 to i32
      %cond3A_271 = arith.constant 0 : i32
      %cond3A_272 = arith.cmpi ne, %convert_element_type3A_270, %cond3A_271 : i32
      scf.if %cond3A_272 {
        %mul3A_345 = arith.constant 16 : i32
        %mul3A_346 = arith.muli %add3A_268, %mul3A_345 : i32
        %get3A = arith.index_cast %mul3A_346 : i32 to index
        %get3A_347 = tpu.vector_load %arg7[%get3A] {strides = array<i32>} : memref<3168xi32, #tpu.memory_space<vmem>>, vector<16xi32>,
        %ge3A = arith.constant 8 : i32
        %ge3A_348 = arith.cmpi sge, %add3A_268, %ge3A : i32
        %convert_element_type3A_349 = arith.extui %ge3A_348 : i1 to i32
        %cond3A_350 = arith.constant 0 : i32
        %cond3A_351 = arith.cmpi ne, %convert_element_type3A_349, %cond3A_350 : i32
        scf.if %cond3A_351 {
          %dma_wait3A = arith.constant 3 : i32
          %dma_wait3A_362 = arith.constant 3 : i32
          %dma_wait3A_363 = arith.constant 0 : i32
          %dma_wait3A_364 = arith.constant 0 : i32
          %dma_wait3A_365 = tpu.memref_slice %arg9[%dma_wait3A, %dma_wait3A_363, %dma_wait3A_364] : memref<8x16x512xf32, #tpu.memory_space<vmem>> -> memref<1x16x512xf32, #tpu.memory_space<vmem>>
          %dma_wait3A_366 = tpu.memref_squeeze %dma_wait3A_365 : memref<1x16x512xf32, #tpu.memory_space<vmem>> -> memref<16x512xf32, #tpu.memory_space<vmem>>
          %dma_wait3A_367 = arith.constant 0 : i32
          %dma_wait3A_368 = arith.constant 0 : i32
          %dma_wait3A_369 = tpu.memref_slice %arg5[%dma_wait3A_367, %dma_wait3A_368] : memref<100000x512xf32, #tpu.memory_space<hbm>> -> memref<100000x512xf32, #tpu.memory_space<hbm>>
          %dma_wait3A_370 = tpu.memref_slice %arg12[%dma_wait3A_362] : memref<8x!tpu.dma_semaphore, #tpu.memory_space<semaphore_mem>> -> memref<1x!tpu.dma_semaphore, #tpu.memory_space<semaphore_mem>>
          %dma_wait3A_371 = tpu.memref_squeeze %dma_wait3A_370 : memref<1x!tpu.dma_semaphore, #tpu.memory_space<semaphore_mem>> -> memref<!tpu.dma_semaphore, #tpu.memory_space<semaphore_mem>>
          tpu.wait_indirect_dma semaphore(%dma_wait3A_371 : memref<!tpu.dma_semaphore, #tpu.memory_space<semaphore_mem>>) src(%dma_wait3A_366 : memref<16x512xf32, #tpu.memory_space<vmem>>) dst(%dma_wait3A_369 : memref<100000x512xf32, #tpu.memory_space<hbm>>)
        } else {
        }
        %dma_start3A = arith.constant 3 : i32
        %dma_start3A_352 = arith.constant 3 : i32
        %dma_start3A_353 = arith.constant 0 : i32
        %dma_start3A_354 = arith.constant 0 : i32
        %dma_start3A_355 = tpu.memref_slice %arg9[%dma_start3A, %dma_start3A_353, %dma_start3A_354] : memref<8x16x512xf32, #tpu.memory_space<vmem>> -> memref<1x16x512xf32, #tpu.memory_space<vmem>>
        %dma_start3A_356 = tpu.memref_squeeze %dma_start3A_355 : memref<1x16x512xf32, #tpu.memory_space<vmem>> -> memref<16x512xf32, #tpu.memory_space<vmem>>
        %dma_start3A_357 = arith.constant 0 : i32
        %dma_start3A_358 = arith.constant 0 : i32
        %dma_start3A_359 = tpu.memref_slice %arg2[%dma_start3A_357, %dma_start3A_358] : memref<100000x512xf32, #tpu.memory_space<hbm>> -> memref<100000x512xf32, #tpu.memory_space<hbm>>
        %dma_start3A_360 = tpu.memref_slice %arg11[%dma_start3A_352] : memref<8x!tpu.dma_semaphore, #tpu.memory_space<semaphore_mem>> -> memref<1x!tpu.dma_semaphore, #tpu.memory_space<semaphore_mem>>
        %dma_start3A_361 = tpu.memref_squeeze %dma_start3A_360 : memref<1x!tpu.dma_semaphore, #tpu.memory_space<semaphore_mem>> -> memref<!tpu.dma_semaphore, #tpu.memory_space<semaphore_mem>>
        tpu.enqueue_indirect_dma source(%dma_start3A_359 : memref<100000x512xf32, #tpu.memory_space<hbm>>) target(%dma_start3A_356 : memref<16x512xf32, #tpu.memory_space<vmem>>) offsets(%get3A_347 : vector<16xi32>) semaphore(%dma_start3A_361 : memref<!tpu.dma_semaphore, #tpu.memory_space<semaphore_mem>>)
      } else {
      }
      %add3A_273 = arith.constant 4 : i32
      %add3A_274 = arith.addi %mul3A_249, %add3A_273 : i32
      %lt3A_275 = arith.cmpi slt, %add3A_274, %select_n3A_63 : i32
      %convert_element_type3A_276 = arith.extui %lt3A_275 : i1 to i32
      %cond3A_277 = arith.constant 0 : i32
      %cond3A_278 = arith.cmpi ne, %convert_element_type3A_276, %cond3A_277 : i32
      scf.if %cond3A_278 {
        %mul3A_345 = arith.constant 16 : i32
        %mul3A_346 = arith.muli %add3A_274, %mul3A_345 : i32
        %get3A = arith.index_cast %mul3A_346 : i32 to index
        %get3A_347 = tpu.vector_load %arg7[%get3A] {strides = array<i32>} : memref<3168xi32, #tpu.memory_space<vmem>>, vector<16xi32>,
        %ge3A = arith.constant 8 : i32
        %ge3A_348 = arith.cmpi sge, %add3A_274, %ge3A : i32
        %convert_element_type3A_349 = arith.extui %ge3A_348 : i1 to i32
        %cond3A_350 = arith.constant 0 : i32
        %cond3A_351 = arith.cmpi ne, %convert_element_type3A_349, %cond3A_350 : i32
        scf.if %cond3A_351 {
          %dma_wait3A = arith.constant 4 : i32
          %dma_wait3A_362 = arith.constant 4 : i32
          %dma_wait3A_363 = arith.constant 0 : i32
          %dma_wait3A_364 = arith.constant 0 : i32
          %dma_wait3A_365 = tpu.memref_slice %arg9[%dma_wait3A, %dma_wait3A_363, %dma_wait3A_364] : memref<8x16x512xf32, #tpu.memory_space<vmem>> -> memref<1x16x512xf32, #tpu.memory_space<vmem>>
          %dma_wait3A_366 = tpu.memref_squeeze %dma_wait3A_365 : memref<1x16x512xf32, #tpu.memory_space<vmem>> -> memref<16x512xf32, #tpu.memory_space<vmem>>
          %dma_wait3A_367 = arith.constant 0 : i32
          %dma_wait3A_368 = arith.constant 0 : i32
          %dma_wait3A_369 = tpu.memref_slice %arg5[%dma_wait3A_367, %dma_wait3A_368] : memref<100000x512xf32, #tpu.memory_space<hbm>> -> memref<100000x512xf32, #tpu.memory_space<hbm>>
          %dma_wait3A_370 = tpu.memref_slice %arg12[%dma_wait3A_362] : memref<8x!tpu.dma_semaphore, #tpu.memory_space<semaphore_mem>> -> memref<1x!tpu.dma_semaphore, #tpu.memory_space<semaphore_mem>>
          %dma_wait3A_371 = tpu.memref_squeeze %dma_wait3A_370 : memref<1x!tpu.dma_semaphore, #tpu.memory_space<semaphore_mem>> -> memref<!tpu.dma_semaphore, #tpu.memory_space<semaphore_mem>>
          tpu.wait_indirect_dma semaphore(%dma_wait3A_371 : memref<!tpu.dma_semaphore, #tpu.memory_space<semaphore_mem>>) src(%dma_wait3A_366 : memref<16x512xf32, #tpu.memory_space<vmem>>) dst(%dma_wait3A_369 : memref<100000x512xf32, #tpu.memory_space<hbm>>)
        } else {
        }
        %dma_start3A = arith.constant 4 : i32
        %dma_start3A_352 = arith.constant 4 : i32
        %dma_start3A_353 = arith.constant 0 : i32
        %dma_start3A_354 = arith.constant 0 : i32
        %dma_start3A_355 = tpu.memref_slice %arg9[%dma_start3A, %dma_start3A_353, %dma_start3A_354] : memref<8x16x512xf32, #tpu.memory_space<vmem>> -> memref<1x16x512xf32, #tpu.memory_space<vmem>>
        %dma_start3A_356 = tpu.memref_squeeze %dma_start3A_355 : memref<1x16x512xf32, #tpu.memory_space<vmem>> -> memref<16x512xf32, #tpu.memory_space<vmem>>
        %dma_start3A_357 = arith.constant 0 : i32
        %dma_start3A_358 = arith.constant 0 : i32
        %dma_start3A_359 = tpu.memref_slice %arg2[%dma_start3A_357, %dma_start3A_358] : memref<100000x512xf32, #tpu.memory_space<hbm>> -> memref<100000x512xf32, #tpu.memory_space<hbm>>
        %dma_start3A_360 = tpu.memref_slice %arg11[%dma_start3A_352] : memref<8x!tpu.dma_semaphore, #tpu.memory_space<semaphore_mem>> -> memref<1x!tpu.dma_semaphore, #tpu.memory_space<semaphore_mem>>
        %dma_start3A_361 = tpu.memref_squeeze %dma_start3A_360 : memref<1x!tpu.dma_semaphore, #tpu.memory_space<semaphore_mem>> -> memref<!tpu.dma_semaphore, #tpu.memory_space<semaphore_mem>>
        tpu.enqueue_indirect_dma source(%dma_start3A_359 : memref<100000x512xf32, #tpu.memory_space<hbm>>) target(%dma_start3A_356 : memref<16x512xf32, #tpu.memory_space<vmem>>) offsets(%get3A_347 : vector<16xi32>) semaphore(%dma_start3A_361 : memref<!tpu.dma_semaphore, #tpu.memory_space<semaphore_mem>>)
      } else {
      }
      %add3A_279 = arith.constant 5 : i32
      %add3A_280 = arith.addi %mul3A_249, %add3A_279 : i32
      %lt3A_281 = arith.cmpi slt, %add3A_280, %select_n3A_63 : i32
      %convert_element_type3A_282 = arith.extui %lt3A_281 : i1 to i32
      %cond3A_283 = arith.constant 0 : i32
      %cond3A_284 = arith.cmpi ne, %convert_element_type3A_282, %cond3A_283 : i32
      scf.if %cond3A_284 {
        %mul3A_345 = arith.constant 16 : i32
        %mul3A_346 = arith.muli %add3A_280, %mul3A_345 : i32
        %get3A = arith.index_cast %mul3A_346 : i32 to index
        %get3A_347 = tpu.vector_load %arg7[%get3A] {strides = array<i32>} : memref<3168xi32, #tpu.memory_space<vmem>>, vector<16xi32>,
        %ge3A = arith.constant 8 : i32
        %ge3A_348 = arith.cmpi sge, %add3A_280, %ge3A : i32
        %convert_element_type3A_349 = arith.extui %ge3A_348 : i1 to i32
        %cond3A_350 = arith.constant 0 : i32
        %cond3A_351 = arith.cmpi ne, %convert_element_type3A_349, %cond3A_350 : i32
        scf.if %cond3A_351 {
          %dma_wait3A = arith.constant 5 : i32
          %dma_wait3A_362 = arith.constant 5 : i32
          %dma_wait3A_363 = arith.constant 0 : i32
          %dma_wait3A_364 = arith.constant 0 : i32
          %dma_wait3A_365 = tpu.memref_slice %arg9[%dma_wait3A, %dma_wait3A_363, %dma_wait3A_364] : memref<8x16x512xf32, #tpu.memory_space<vmem>> -> memref<1x16x512xf32, #tpu.memory_space<vmem>>
          %dma_wait3A_366 = tpu.memref_squeeze %dma_wait3A_365 : memref<1x16x512xf32, #tpu.memory_space<vmem>> -> memref<16x512xf32, #tpu.memory_space<vmem>>
          %dma_wait3A_367 = arith.constant 0 : i32
          %dma_wait3A_368 = arith.constant 0 : i32
          %dma_wait3A_369 = tpu.memref_slice %arg5[%dma_wait3A_367, %dma_wait3A_368] : memref<100000x512xf32, #tpu.memory_space<hbm>> -> memref<100000x512xf32, #tpu.memory_space<hbm>>
          %dma_wait3A_370 = tpu.memref_slice %arg12[%dma_wait3A_362] : memref<8x!tpu.dma_semaphore, #tpu.memory_space<semaphore_mem>> -> memref<1x!tpu.dma_semaphore, #tpu.memory_space<semaphore_mem>>
          %dma_wait3A_371 = tpu.memref_squeeze %dma_wait3A_370 : memref<1x!tpu.dma_semaphore, #tpu.memory_space<semaphore_mem>> -> memref<!tpu.dma_semaphore, #tpu.memory_space<semaphore_mem>>
          tpu.wait_indirect_dma semaphore(%dma_wait3A_371 : memref<!tpu.dma_semaphore, #tpu.memory_space<semaphore_mem>>) src(%dma_wait3A_366 : memref<16x512xf32, #tpu.memory_space<vmem>>) dst(%dma_wait3A_369 : memref<100000x512xf32, #tpu.memory_space<hbm>>)
        } else {
        }
        %dma_start3A = arith.constant 5 : i32
        %dma_start3A_352 = arith.constant 5 : i32
        %dma_start3A_353 = arith.constant 0 : i32
        %dma_start3A_354 = arith.constant 0 : i32
        %dma_start3A_355 = tpu.memref_slice %arg9[%dma_start3A, %dma_start3A_353, %dma_start3A_354] : memref<8x16x512xf32, #tpu.memory_space<vmem>> -> memref<1x16x512xf32, #tpu.memory_space<vmem>>
        %dma_start3A_356 = tpu.memref_squeeze %dma_start3A_355 : memref<1x16x512xf32, #tpu.memory_space<vmem>> -> memref<16x512xf32, #tpu.memory_space<vmem>>
        %dma_start3A_357 = arith.constant 0 : i32
        %dma_start3A_358 = arith.constant 0 : i32
        %dma_start3A_359 = tpu.memref_slice %arg2[%dma_start3A_357, %dma_start3A_358] : memref<100000x512xf32, #tpu.memory_space<hbm>> -> memref<100000x512xf32, #tpu.memory_space<hbm>>
        %dma_start3A_360 = tpu.memref_slice %arg11[%dma_start3A_352] : memref<8x!tpu.dma_semaphore, #tpu.memory_space<semaphore_mem>> -> memref<1x!tpu.dma_semaphore, #tpu.memory_space<semaphore_mem>>
        %dma_start3A_361 = tpu.memref_squeeze %dma_start3A_360 : memref<1x!tpu.dma_semaphore, #tpu.memory_space<semaphore_mem>> -> memref<!tpu.dma_semaphore, #tpu.memory_space<semaphore_mem>>
        tpu.enqueue_indirect_dma source(%dma_start3A_359 : memref<100000x512xf32, #tpu.memory_space<hbm>>) target(%dma_start3A_356 : memref<16x512xf32, #tpu.memory_space<vmem>>) offsets(%get3A_347 : vector<16xi32>) semaphore(%dma_start3A_361 : memref<!tpu.dma_semaphore, #tpu.memory_space<semaphore_mem>>)
      } else {
      }
      %add3A_285 = arith.constant 6 : i32
      %add3A_286 = arith.addi %mul3A_249, %add3A_285 : i32
      %lt3A_287 = arith.cmpi slt, %add3A_286, %select_n3A_63 : i32
      %convert_element_type3A_288 = arith.extui %lt3A_287 : i1 to i32
      %cond3A_289 = arith.constant 0 : i32
      %cond3A_290 = arith.cmpi ne, %convert_element_type3A_288, %cond3A_289 : i32
      scf.if %cond3A_290 {
        %mul3A_345 = arith.constant 16 : i32
        %mul3A_346 = arith.muli %add3A_286, %mul3A_345 : i32
        %get3A = arith.index_cast %mul3A_346 : i32 to index
        %get3A_347 = tpu.vector_load %arg7[%get3A] {strides = array<i32>} : memref<3168xi32, #tpu.memory_space<vmem>>, vector<16xi32>,
        %ge3A = arith.constant 8 : i32
        %ge3A_348 = arith.cmpi sge, %add3A_286, %ge3A : i32
        %convert_element_type3A_349 = arith.extui %ge3A_348 : i1 to i32
        %cond3A_350 = arith.constant 0 : i32
        %cond3A_351 = arith.cmpi ne, %convert_element_type3A_349, %cond3A_350 : i32
        scf.if %cond3A_351 {
          %dma_wait3A = arith.constant 6 : i32
          %dma_wait3A_362 = arith.constant 6 : i32
          %dma_wait3A_363 = arith.constant 0 : i32
          %dma_wait3A_364 = arith.constant 0 : i32
          %dma_wait3A_365 = tpu.memref_slice %arg9[%dma_wait3A, %dma_wait3A_363, %dma_wait3A_364] : memref<8x16x512xf32, #tpu.memory_space<vmem>> -> memref<1x16x512xf32, #tpu.memory_space<vmem>>
          %dma_wait3A_366 = tpu.memref_squeeze %dma_wait3A_365 : memref<1x16x512xf32, #tpu.memory_space<vmem>> -> memref<16x512xf32, #tpu.memory_space<vmem>>
          %dma_wait3A_367 = arith.constant 0 : i32
          %dma_wait3A_368 = arith.constant 0 : i32
          %dma_wait3A_369 = tpu.memref_slice %arg5[%dma_wait3A_367, %dma_wait3A_368] : memref<100000x512xf32, #tpu.memory_space<hbm>> -> memref<100000x512xf32, #tpu.memory_space<hbm>>
          %dma_wait3A_370 = tpu.memref_slice %arg12[%dma_wait3A_362] : memref<8x!tpu.dma_semaphore, #tpu.memory_space<semaphore_mem>> -> memref<1x!tpu.dma_semaphore, #tpu.memory_space<semaphore_mem>>
          %dma_wait3A_371 = tpu.memref_squeeze %dma_wait3A_370 : memref<1x!tpu.dma_semaphore, #tpu.memory_space<semaphore_mem>> -> memref<!tpu.dma_semaphore, #tpu.memory_space<semaphore_mem>>
          tpu.wait_indirect_dma semaphore(%dma_wait3A_371 : memref<!tpu.dma_semaphore, #tpu.memory_space<semaphore_mem>>) src(%dma_wait3A_366 : memref<16x512xf32, #tpu.memory_space<vmem>>) dst(%dma_wait3A_369 : memref<100000x512xf32, #tpu.memory_space<hbm>>)
        } else {
        }
        %dma_start3A = arith.constant 6 : i32
        %dma_start3A_352 = arith.constant 6 : i32
        %dma_start3A_353 = arith.constant 0 : i32
        %dma_start3A_354 = arith.constant 0 : i32
        %dma_start3A_355 = tpu.memref_slice %arg9[%dma_start3A, %dma_start3A_353, %dma_start3A_354] : memref<8x16x512xf32, #tpu.memory_space<vmem>> -> memref<1x16x512xf32, #tpu.memory_space<vmem>>
        %dma_start3A_356 = tpu.memref_squeeze %dma_start3A_355 : memref<1x16x512xf32, #tpu.memory_space<vmem>> -> memref<16x512xf32, #tpu.memory_space<vmem>>
        %dma_start3A_357 = arith.constant 0 : i32
        %dma_start3A_358 = arith.constant 0 : i32
        %dma_start3A_359 = tpu.memref_slice %arg2[%dma_start3A_357, %dma_start3A_358] : memref<100000x512xf32, #tpu.memory_space<hbm>> -> memref<100000x512xf32, #tpu.memory_space<hbm>>
        %dma_start3A_360 = tpu.memref_slice %arg11[%dma_start3A_352] : memref<8x!tpu.dma_semaphore, #tpu.memory_space<semaphore_mem>> -> memref<1x!tpu.dma_semaphore, #tpu.memory_space<semaphore_mem>>
        %dma_start3A_361 = tpu.memref_squeeze %dma_start3A_360 : memref<1x!tpu.dma_semaphore, #tpu.memory_space<semaphore_mem>> -> memref<!tpu.dma_semaphore, #tpu.memory_space<semaphore_mem>>
        tpu.enqueue_indirect_dma source(%dma_start3A_359 : memref<100000x512xf32, #tpu.memory_space<hbm>>) target(%dma_start3A_356 : memref<16x512xf32, #tpu.memory_space<vmem>>) offsets(%get3A_347 : vector<16xi32>) semaphore(%dma_start3A_361 : memref<!tpu.dma_semaphore, #tpu.memory_space<semaphore_mem>>)
      } else {
      }
      %add3A_291 = arith.constant 7 : i32
      %add3A_292 = arith.addi %mul3A_249, %add3A_291 : i32
      %lt3A_293 = arith.cmpi slt, %add3A_292, %select_n3A_63 : i32
      %convert_element_type3A_294 = arith.extui %lt3A_293 : i1 to i32
      %cond3A_295 = arith.constant 0 : i32
      %cond3A_296 = arith.cmpi ne, %convert_element_type3A_294, %cond3A_295 : i32
      scf.if %cond3A_296 {
        %mul3A_345 = arith.constant 16 : i32
        %mul3A_346 = arith.muli %add3A_292, %mul3A_345 : i32
        %get3A = arith.index_cast %mul3A_346 : i32 to index
        %get3A_347 = tpu.vector_load %arg7[%get3A] {strides = array<i32>} : memref<3168xi32, #tpu.memory_space<vmem>>, vector<16xi32>,
        %ge3A = arith.constant 8 : i32
        %ge3A_348 = arith.cmpi sge, %add3A_292, %ge3A : i32
        %convert_element_type3A_349 = arith.extui %ge3A_348 : i1 to i32
        %cond3A_350 = arith.constant 0 : i32
        %cond3A_351 = arith.cmpi ne, %convert_element_type3A_349, %cond3A_350 : i32
        scf.if %cond3A_351 {
          %dma_wait3A = arith.constant 7 : i32
          %dma_wait3A_362 = arith.constant 7 : i32
          %dma_wait3A_363 = arith.constant 0 : i32
          %dma_wait3A_364 = arith.constant 0 : i32
          %dma_wait3A_365 = tpu.memref_slice %arg9[%dma_wait3A, %dma_wait3A_363, %dma_wait3A_364] : memref<8x16x512xf32, #tpu.memory_space<vmem>> -> memref<1x16x512xf32, #tpu.memory_space<vmem>>
          %dma_wait3A_366 = tpu.memref_squeeze %dma_wait3A_365 : memref<1x16x512xf32, #tpu.memory_space<vmem>> -> memref<16x512xf32, #tpu.memory_space<vmem>>
          %dma_wait3A_367 = arith.constant 0 : i32
          %dma_wait3A_368 = arith.constant 0 : i32
          %dma_wait3A_369 = tpu.memref_slice %arg5[%dma_wait3A_367, %dma_wait3A_368] : memref<100000x512xf32, #tpu.memory_space<hbm>> -> memref<100000x512xf32, #tpu.memory_space<hbm>>
          %dma_wait3A_370 = tpu.memref_slice %arg12[%dma_wait3A_362] : memref<8x!tpu.dma_semaphore, #tpu.memory_space<semaphore_mem>> -> memref<1x!tpu.dma_semaphore, #tpu.memory_space<semaphore_mem>>
          %dma_wait3A_371 = tpu.memref_squeeze %dma_wait3A_370 : memref<1x!tpu.dma_semaphore, #tpu.memory_space<semaphore_mem>> -> memref<!tpu.dma_semaphore, #tpu.memory_space<semaphore_mem>>
          tpu.wait_indirect_dma semaphore(%dma_wait3A_371 : memref<!tpu.dma_semaphore, #tpu.memory_space<semaphore_mem>>) src(%dma_wait3A_366 : memref<16x512xf32, #tpu.memory_space<vmem>>) dst(%dma_wait3A_369 : memref<100000x512xf32, #tpu.memory_space<hbm>>)
        } else {
        }
        %dma_start3A = arith.constant 7 : i32
        %dma_start3A_352 = arith.constant 7 : i32
        %dma_start3A_353 = arith.constant 0 : i32
        %dma_start3A_354 = arith.constant 0 : i32
        %dma_start3A_355 = tpu.memref_slice %arg9[%dma_start3A, %dma_start3A_353, %dma_start3A_354] : memref<8x16x512xf32, #tpu.memory_space<vmem>> -> memref<1x16x512xf32, #tpu.memory_space<vmem>>
        %dma_start3A_356 = tpu.memref_squeeze %dma_start3A_355 : memref<1x16x512xf32, #tpu.memory_space<vmem>> -> memref<16x512xf32, #tpu.memory_space<vmem>>
        %dma_start3A_357 = arith.constant 0 : i32
        %dma_start3A_358 = arith.constant 0 : i32
        %dma_start3A_359 = tpu.memref_slice %arg2[%dma_start3A_357, %dma_start3A_358] : memref<100000x512xf32, #tpu.memory_space<hbm>> -> memref<100000x512xf32, #tpu.memory_space<hbm>>
        %dma_start3A_360 = tpu.memref_slice %arg11[%dma_start3A_352] : memref<8x!tpu.dma_semaphore, #tpu.memory_space<semaphore_mem>> -> memref<1x!tpu.dma_semaphore, #tpu.memory_space<semaphore_mem>>
        %dma_start3A_361 = tpu.memref_squeeze %dma_start3A_360 : memref<1x!tpu.dma_semaphore, #tpu.memory_space<semaphore_mem>> -> memref<!tpu.dma_semaphore, #tpu.memory_space<semaphore_mem>>
        tpu.enqueue_indirect_dma source(%dma_start3A_359 : memref<100000x512xf32, #tpu.memory_space<hbm>>) target(%dma_start3A_356 : memref<16x512xf32, #tpu.memory_space<vmem>>) offsets(%get3A_347 : vector<16xi32>) semaphore(%dma_start3A_361 : memref<!tpu.dma_semaphore, #tpu.memory_space<semaphore_mem>>)
      } else {
      }
      %add3A_297 = arith.constant 0 : i32
      %add3A_298 = arith.addi %mul3A_249, %add3A_297 : i32
      %lt3A_299 = arith.cmpi slt, %add3A_298, %select_n3A_63 : i32
      %convert_element_type3A_300 = arith.extui %lt3A_299 : i1 to i32
      %cond3A_301 = arith.constant 0 : i32
      %cond3A_302 = arith.cmpi ne, %convert_element_type3A_300, %cond3A_301 : i32
      scf.if %cond3A_302 {
        %mul3A_345 = arith.constant 16 : i32
        %mul3A_346 = arith.muli %add3A_298, %mul3A_345 : i32
        %get3A = arith.index_cast %mul3A_346 : i32 to index
        %get3A_347 = tpu.vector_load %arg7[%get3A] {strides = array<i32>} : memref<3168xi32, #tpu.memory_space<vmem>>, vector<16xi32>,
        %dma_wait3A = arith.constant 0 : i32
        %dma_wait3A_348 = arith.constant 0 : i32
        %dma_wait3A_349 = arith.constant 0 : i32
        %dma_wait3A_350 = arith.constant 0 : i32
        %dma_wait3A_351 = tpu.memref_slice %arg9[%dma_wait3A, %dma_wait3A_349, %dma_wait3A_350] : memref<8x16x512xf32, #tpu.memory_space<vmem>> -> memref<1x16x512xf32, #tpu.memory_space<vmem>>
        %dma_wait3A_352 = tpu.memref_squeeze %dma_wait3A_351 : memref<1x16x512xf32, #tpu.memory_space<vmem>> -> memref<16x512xf32, #tpu.memory_space<vmem>>
        %dma_wait3A_353 = arith.constant 0 : i32
        %dma_wait3A_354 = arith.constant 0 : i32
        %dma_wait3A_355 = tpu.memref_slice %arg2[%dma_wait3A_353, %dma_wait3A_354] : memref<100000x512xf32, #tpu.memory_space<hbm>> -> memref<100000x512xf32, #tpu.memory_space<hbm>>
        %dma_wait3A_356 = tpu.memref_slice %arg11[%dma_wait3A_348] : memref<8x!tpu.dma_semaphore, #tpu.memory_space<semaphore_mem>> -> memref<1x!tpu.dma_semaphore, #tpu.memory_space<semaphore_mem>>
        %dma_wait3A_357 = tpu.memref_squeeze %dma_wait3A_356 : memref<1x!tpu.dma_semaphore, #tpu.memory_space<semaphore_mem>> -> memref<!tpu.dma_semaphore, #tpu.memory_space<semaphore_mem>>
        tpu.wait_indirect_dma semaphore(%dma_wait3A_357 : memref<!tpu.dma_semaphore, #tpu.memory_space<semaphore_mem>>) src(%dma_wait3A_355 : memref<100000x512xf32, #tpu.memory_space<hbm>>) dst(%dma_wait3A_352 : memref<16x512xf32, #tpu.memory_space<vmem>>)
        %dma_start3A = arith.constant 0 : i32
        %dma_start3A_358 = arith.constant 0 : i32
        %dma_start3A_359 = arith.constant 0 : i32
        %dma_start3A_360 = arith.constant 0 : i32
        %dma_start3A_361 = tpu.memref_slice %arg9[%dma_start3A, %dma_start3A_359, %dma_start3A_360] : memref<8x16x512xf32, #tpu.memory_space<vmem>> -> memref<1x16x512xf32, #tpu.memory_space<vmem>>
        %dma_start3A_362 = tpu.memref_squeeze %dma_start3A_361 : memref<1x16x512xf32, #tpu.memory_space<vmem>> -> memref<16x512xf32, #tpu.memory_space<vmem>>
        %dma_start3A_363 = arith.constant 0 : i32
        %dma_start3A_364 = arith.constant 0 : i32
        %dma_start3A_365 = tpu.memref_slice %arg5[%dma_start3A_363, %dma_start3A_364] : memref<100000x512xf32, #tpu.memory_space<hbm>> -> memref<100000x512xf32, #tpu.memory_space<hbm>>
        %dma_start3A_366 = tpu.memref_slice %arg12[%dma_start3A_358] : memref<8x!tpu.dma_semaphore, #tpu.memory_space<semaphore_mem>> -> memref<1x!tpu.dma_semaphore, #tpu.memory_space<semaphore_mem>>
        %dma_start3A_367 = tpu.memref_squeeze %dma_start3A_366 : memref<1x!tpu.dma_semaphore, #tpu.memory_space<semaphore_mem>> -> memref<!tpu.dma_semaphore, #tpu.memory_space<semaphore_mem>>
        tpu.enqueue_indirect_dma source(%dma_start3A_362 : memref<16x512xf32, #tpu.memory_space<vmem>>) target(%dma_start3A_365 : memref<100000x512xf32, #tpu.memory_space<hbm>>) offsets(%get3A_347 : vector<16xi32>) semaphore(%dma_start3A_367 : memref<!tpu.dma_semaphore, #tpu.memory_space<semaphore_mem>>)
      } else {
      }
      %add3A_303 = arith.constant 1 : i32
      %add3A_304 = arith.addi %mul3A_249, %add3A_303 : i32
      %lt3A_305 = arith.cmpi slt, %add3A_304, %select_n3A_63 : i32
      %convert_element_type3A_306 = arith.extui %lt3A_305 : i1 to i32
      %cond3A_307 = arith.constant 0 : i32
      %cond3A_308 = arith.cmpi ne, %convert_element_type3A_306, %cond3A_307 : i32
      scf.if %cond3A_308 {
        %mul3A_345 = arith.constant 16 : i32
        %mul3A_346 = arith.muli %add3A_304, %mul3A_345 : i32
        %get3A = arith.index_cast %mul3A_346 : i32 to index
        %get3A_347 = tpu.vector_load %arg7[%get3A] {strides = array<i32>} : memref<3168xi32, #tpu.memory_space<vmem>>, vector<16xi32>,
        %dma_wait3A = arith.constant 1 : i32
        %dma_wait3A_348 = arith.constant 1 : i32
        %dma_wait3A_349 = arith.constant 0 : i32
        %dma_wait3A_350 = arith.constant 0 : i32
        %dma_wait3A_351 = tpu.memref_slice %arg9[%dma_wait3A, %dma_wait3A_349, %dma_wait3A_350] : memref<8x16x512xf32, #tpu.memory_space<vmem>> -> memref<1x16x512xf32, #tpu.memory_space<vmem>>
        %dma_wait3A_352 = tpu.memref_squeeze %dma_wait3A_351 : memref<1x16x512xf32, #tpu.memory_space<vmem>> -> memref<16x512xf32, #tpu.memory_space<vmem>>
        %dma_wait3A_353 = arith.constant 0 : i32
        %dma_wait3A_354 = arith.constant 0 : i32
        %dma_wait3A_355 = tpu.memref_slice %arg2[%dma_wait3A_353, %dma_wait3A_354] : memref<100000x512xf32, #tpu.memory_space<hbm>> -> memref<100000x512xf32, #tpu.memory_space<hbm>>
        %dma_wait3A_356 = tpu.memref_slice %arg11[%dma_wait3A_348] : memref<8x!tpu.dma_semaphore, #tpu.memory_space<semaphore_mem>> -> memref<1x!tpu.dma_semaphore, #tpu.memory_space<semaphore_mem>>
        %dma_wait3A_357 = tpu.memref_squeeze %dma_wait3A_356 : memref<1x!tpu.dma_semaphore, #tpu.memory_space<semaphore_mem>> -> memref<!tpu.dma_semaphore, #tpu.memory_space<semaphore_mem>>
        tpu.wait_indirect_dma semaphore(%dma_wait3A_357 : memref<!tpu.dma_semaphore, #tpu.memory_space<semaphore_mem>>) src(%dma_wait3A_355 : memref<100000x512xf32, #tpu.memory_space<hbm>>) dst(%dma_wait3A_352 : memref<16x512xf32, #tpu.memory_space<vmem>>)
        %dma_start3A = arith.constant 1 : i32
        %dma_start3A_358 = arith.constant 1 : i32
        %dma_start3A_359 = arith.constant 0 : i32
        %dma_start3A_360 = arith.constant 0 : i32
        %dma_start3A_361 = tpu.memref_slice %arg9[%dma_start3A, %dma_start3A_359, %dma_start3A_360] : memref<8x16x512xf32, #tpu.memory_space<vmem>> -> memref<1x16x512xf32, #tpu.memory_space<vmem>>
        %dma_start3A_362 = tpu.memref_squeeze %dma_start3A_361 : memref<1x16x512xf32, #tpu.memory_space<vmem>> -> memref<16x512xf32, #tpu.memory_space<vmem>>
        %dma_start3A_363 = arith.constant 0 : i32
        %dma_start3A_364 = arith.constant 0 : i32
        %dma_start3A_365 = tpu.memref_slice %arg5[%dma_start3A_363, %dma_start3A_364] : memref<100000x512xf32, #tpu.memory_space<hbm>> -> memref<100000x512xf32, #tpu.memory_space<hbm>>
        %dma_start3A_366 = tpu.memref_slice %arg12[%dma_start3A_358] : memref<8x!tpu.dma_semaphore, #tpu.memory_space<semaphore_mem>> -> memref<1x!tpu.dma_semaphore, #tpu.memory_space<semaphore_mem>>
        %dma_start3A_367 = tpu.memref_squeeze %dma_start3A_366 : memref<1x!tpu.dma_semaphore, #tpu.memory_space<semaphore_mem>> -> memref<!tpu.dma_semaphore, #tpu.memory_space<semaphore_mem>>
        tpu.enqueue_indirect_dma source(%dma_start3A_362 : memref<16x512xf32, #tpu.memory_space<vmem>>) target(%dma_start3A_365 : memref<100000x512xf32, #tpu.memory_space<hbm>>) offsets(%get3A_347 : vector<16xi32>) semaphore(%dma_start3A_367 : memref<!tpu.dma_semaphore, #tpu.memory_space<semaphore_mem>>)
      } else {
      }
      %add3A_309 = arith.constant 2 : i32
      %add3A_310 = arith.addi %mul3A_249, %add3A_309 : i32
      %lt3A_311 = arith.cmpi slt, %add3A_310, %select_n3A_63 : i32
      %convert_element_type3A_312 = arith.extui %lt3A_311 : i1 to i32
      %cond3A_313 = arith.constant 0 : i32
      %cond3A_314 = arith.cmpi ne, %convert_element_type3A_312, %cond3A_313 : i32
      scf.if %cond3A_314 {
        %mul3A_345 = arith.constant 16 : i32
        %mul3A_346 = arith.muli %add3A_310, %mul3A_345 : i32
        %get3A = arith.index_cast %mul3A_346 : i32 to index
        %get3A_347 = tpu.vector_load %arg7[%get3A] {strides = array<i32>} : memref<3168xi32, #tpu.memory_space<vmem>>, vector<16xi32>,
        %dma_wait3A = arith.constant 2 : i32
        %dma_wait3A_348 = arith.constant 2 : i32
        %dma_wait3A_349 = arith.constant 0 : i32
        %dma_wait3A_350 = arith.constant 0 : i32
        %dma_wait3A_351 = tpu.memref_slice %arg9[%dma_wait3A, %dma_wait3A_349, %dma_wait3A_350] : memref<8x16x512xf32, #tpu.memory_space<vmem>> -> memref<1x16x512xf32, #tpu.memory_space<vmem>>
        %dma_wait3A_352 = tpu.memref_squeeze %dma_wait3A_351 : memref<1x16x512xf32, #tpu.memory_space<vmem>> -> memref<16x512xf32, #tpu.memory_space<vmem>>
        %dma_wait3A_353 = arith.constant 0 : i32
        %dma_wait3A_354 = arith.constant 0 : i32
        %dma_wait3A_355 = tpu.memref_slice %arg2[%dma_wait3A_353, %dma_wait3A_354] : memref<100000x512xf32, #tpu.memory_space<hbm>> -> memref<100000x512xf32, #tpu.memory_space<hbm>>
        %dma_wait3A_356 = tpu.memref_slice %arg11[%dma_wait3A_348] : memref<8x!tpu.dma_semaphore, #tpu.memory_space<semaphore_mem>> -> memref<1x!tpu.dma_semaphore, #tpu.memory_space<semaphore_mem>>
        %dma_wait3A_357 = tpu.memref_squeeze %dma_wait3A_356 : memref<1x!tpu.dma_semaphore, #tpu.memory_space<semaphore_mem>> -> memref<!tpu.dma_semaphore, #tpu.memory_space<semaphore_mem>>
        tpu.wait_indirect_dma semaphore(%dma_wait3A_357 : memref<!tpu.dma_semaphore, #tpu.memory_space<semaphore_mem>>) src(%dma_wait3A_355 : memref<100000x512xf32, #tpu.memory_space<hbm>>) dst(%dma_wait3A_352 : memref<16x512xf32, #tpu.memory_space<vmem>>)
        %dma_start3A = arith.constant 2 : i32
        %dma_start3A_358 = arith.constant 2 : i32
        %dma_start3A_359 = arith.constant 0 : i32
        %dma_start3A_360 = arith.constant 0 : i32
        %dma_start3A_361 = tpu.memref_slice %arg9[%dma_start3A, %dma_start3A_359, %dma_start3A_360] : memref<8x16x512xf32, #tpu.memory_space<vmem>> -> memref<1x16x512xf32, #tpu.memory_space<vmem>>
        %dma_start3A_362 = tpu.memref_squeeze %dma_start3A_361 : memref<1x16x512xf32, #tpu.memory_space<vmem>> -> memref<16x512xf32, #tpu.memory_space<vmem>>
        %dma_start3A_363 = arith.constant 0 : i32
        %dma_start3A_364 = arith.constant 0 : i32
        %dma_start3A_365 = tpu.memref_slice %arg5[%dma_start3A_363, %dma_start3A_364] : memref<100000x512xf32, #tpu.memory_space<hbm>> -> memref<100000x512xf32, #tpu.memory_space<hbm>>
        %dma_start3A_366 = tpu.memref_slice %arg12[%dma_start3A_358] : memref<8x!tpu.dma_semaphore, #tpu.memory_space<semaphore_mem>> -> memref<1x!tpu.dma_semaphore, #tpu.memory_space<semaphore_mem>>
        %dma_start3A_367 = tpu.memref_squeeze %dma_start3A_366 : memref<1x!tpu.dma_semaphore, #tpu.memory_space<semaphore_mem>> -> memref<!tpu.dma_semaphore, #tpu.memory_space<semaphore_mem>>
        tpu.enqueue_indirect_dma source(%dma_start3A_362 : memref<16x512xf32, #tpu.memory_space<vmem>>) target(%dma_start3A_365 : memref<100000x512xf32, #tpu.memory_space<hbm>>) offsets(%get3A_347 : vector<16xi32>) semaphore(%dma_start3A_367 : memref<!tpu.dma_semaphore, #tpu.memory_space<semaphore_mem>>)
      } else {
      }
      %add3A_315 = arith.constant 3 : i32
      %add3A_316 = arith.addi %mul3A_249, %add3A_315 : i32
      %lt3A_317 = arith.cmpi slt, %add3A_316, %select_n3A_63 : i32
      %convert_element_type3A_318 = arith.extui %lt3A_317 : i1 to i32
      %cond3A_319 = arith.constant 0 : i32
      %cond3A_320 = arith.cmpi ne, %convert_element_type3A_318, %cond3A_319 : i32
      scf.if %cond3A_320 {
        %mul3A_345 = arith.constant 16 : i32
        %mul3A_346 = arith.muli %add3A_316, %mul3A_345 : i32
        %get3A = arith.index_cast %mul3A_346 : i32 to index
        %get3A_347 = tpu.vector_load %arg7[%get3A] {strides = array<i32>} : memref<3168xi32, #tpu.memory_space<vmem>>, vector<16xi32>,
        %dma_wait3A = arith.constant 3 : i32
        %dma_wait3A_348 = arith.constant 3 : i32
        %dma_wait3A_349 = arith.constant 0 : i32
        %dma_wait3A_350 = arith.constant 0 : i32
        %dma_wait3A_351 = tpu.memref_slice %arg9[%dma_wait3A, %dma_wait3A_349, %dma_wait3A_350] : memref<8x16x512xf32, #tpu.memory_space<vmem>> -> memref<1x16x512xf32, #tpu.memory_space<vmem>>
        %dma_wait3A_352 = tpu.memref_squeeze %dma_wait3A_351 : memref<1x16x512xf32, #tpu.memory_space<vmem>> -> memref<16x512xf32, #tpu.memory_space<vmem>>
        %dma_wait3A_353 = arith.constant 0 : i32
        %dma_wait3A_354 = arith.constant 0 : i32
        %dma_wait3A_355 = tpu.memref_slice %arg2[%dma_wait3A_353, %dma_wait3A_354] : memref<100000x512xf32, #tpu.memory_space<hbm>> -> memref<100000x512xf32, #tpu.memory_space<hbm>>
        %dma_wait3A_356 = tpu.memref_slice %arg11[%dma_wait3A_348] : memref<8x!tpu.dma_semaphore, #tpu.memory_space<semaphore_mem>> -> memref<1x!tpu.dma_semaphore, #tpu.memory_space<semaphore_mem>>
        %dma_wait3A_357 = tpu.memref_squeeze %dma_wait3A_356 : memref<1x!tpu.dma_semaphore, #tpu.memory_space<semaphore_mem>> -> memref<!tpu.dma_semaphore, #tpu.memory_space<semaphore_mem>>
        tpu.wait_indirect_dma semaphore(%dma_wait3A_357 : memref<!tpu.dma_semaphore, #tpu.memory_space<semaphore_mem>>) src(%dma_wait3A_355 : memref<100000x512xf32, #tpu.memory_space<hbm>>) dst(%dma_wait3A_352 : memref<16x512xf32, #tpu.memory_space<vmem>>)
        %dma_start3A = arith.constant 3 : i32
        %dma_start3A_358 = arith.constant 3 : i32
        %dma_start3A_359 = arith.constant 0 : i32
        %dma_start3A_360 = arith.constant 0 : i32
        %dma_start3A_361 = tpu.memref_slice %arg9[%dma_start3A, %dma_start3A_359, %dma_start3A_360] : memref<8x16x512xf32, #tpu.memory_space<vmem>> -> memref<1x16x512xf32, #tpu.memory_space<vmem>>
        %dma_start3A_362 = tpu.memref_squeeze %dma_start3A_361 : memref<1x16x512xf32, #tpu.memory_space<vmem>> -> memref<16x512xf32, #tpu.memory_space<vmem>>
        %dma_start3A_363 = arith.constant 0 : i32
        %dma_start3A_364 = arith.constant 0 : i32
        %dma_start3A_365 = tpu.memref_slice %arg5[%dma_start3A_363, %dma_start3A_364] : memref<100000x512xf32, #tpu.memory_space<hbm>> -> memref<100000x512xf32, #tpu.memory_space<hbm>>
        %dma_start3A_366 = tpu.memref_slice %arg12[%dma_start3A_358] : memref<8x!tpu.dma_semaphore, #tpu.memory_space<semaphore_mem>> -> memref<1x!tpu.dma_semaphore, #tpu.memory_space<semaphore_mem>>
        %dma_start3A_367 = tpu.memref_squeeze %dma_start3A_366 : memref<1x!tpu.dma_semaphore, #tpu.memory_space<semaphore_mem>> -> memref<!tpu.dma_semaphore, #tpu.memory_space<semaphore_mem>>
        tpu.enqueue_indirect_dma source(%dma_start3A_362 : memref<16x512xf32, #tpu.memory_space<vmem>>) target(%dma_start3A_365 : memref<100000x512xf32, #tpu.memory_space<hbm>>) offsets(%get3A_347 : vector<16xi32>) semaphore(%dma_start3A_367 : memref<!tpu.dma_semaphore, #tpu.memory_space<semaphore_mem>>)
      } else {
      }
      %add3A_321 = arith.constant 4 : i32
      %add3A_322 = arith.addi %mul3A_249, %add3A_321 : i32
      %lt3A_323 = arith.cmpi slt, %add3A_322, %select_n3A_63 : i32
      %convert_element_type3A_324 = arith.extui %lt3A_323 : i1 to i32
      %cond3A_325 = arith.constant 0 : i32
      %cond3A_326 = arith.cmpi ne, %convert_element_type3A_324, %cond3A_325 : i32
      scf.if %cond3A_326 {
        %mul3A_345 = arith.constant 16 : i32
        %mul3A_346 = arith.muli %add3A_322, %mul3A_345 : i32
        %get3A = arith.index_cast %mul3A_346 : i32 to index
        %get3A_347 = tpu.vector_load %arg7[%get3A] {strides = array<i32>} : memref<3168xi32, #tpu.memory_space<vmem>>, vector<16xi32>,
        %dma_wait3A = arith.constant 4 : i32
        %dma_wait3A_348 = arith.constant 4 : i32
        %dma_wait3A_349 = arith.constant 0 : i32
        %dma_wait3A_350 = arith.constant 0 : i32
        %dma_wait3A_351 = tpu.memref_slice %arg9[%dma_wait3A, %dma_wait3A_349, %dma_wait3A_350] : memref<8x16x512xf32, #tpu.memory_space<vmem>> -> memref<1x16x512xf32, #tpu.memory_space<vmem>>
        %dma_wait3A_352 = tpu.memref_squeeze %dma_wait3A_351 : memref<1x16x512xf32, #tpu.memory_space<vmem>> -> memref<16x512xf32, #tpu.memory_space<vmem>>
        %dma_wait3A_353 = arith.constant 0 : i32
        %dma_wait3A_354 = arith.constant 0 : i32
        %dma_wait3A_355 = tpu.memref_slice %arg2[%dma_wait3A_353, %dma_wait3A_354] : memref<100000x512xf32, #tpu.memory_space<hbm>> -> memref<100000x512xf32, #tpu.memory_space<hbm>>
        %dma_wait3A_356 = tpu.memref_slice %arg11[%dma_wait3A_348] : memref<8x!tpu.dma_semaphore, #tpu.memory_space<semaphore_mem>> -> memref<1x!tpu.dma_semaphore, #tpu.memory_space<semaphore_mem>>
        %dma_wait3A_357 = tpu.memref_squeeze %dma_wait3A_356 : memref<1x!tpu.dma_semaphore, #tpu.memory_space<semaphore_mem>> -> memref<!tpu.dma_semaphore, #tpu.memory_space<semaphore_mem>>
        tpu.wait_indirect_dma semaphore(%dma_wait3A_357 : memref<!tpu.dma_semaphore, #tpu.memory_space<semaphore_mem>>) src(%dma_wait3A_355 : memref<100000x512xf32, #tpu.memory_space<hbm>>) dst(%dma_wait3A_352 : memref<16x512xf32, #tpu.memory_space<vmem>>)
        %dma_start3A = arith.constant 4 : i32
        %dma_start3A_358 = arith.constant 4 : i32
        %dma_start3A_359 = arith.constant 0 : i32
        %dma_start3A_360 = arith.constant 0 : i32
        %dma_start3A_361 = tpu.memref_slice %arg9[%dma_start3A, %dma_start3A_359, %dma_start3A_360] : memref<8x16x512xf32, #tpu.memory_space<vmem>> -> memref<1x16x512xf32, #tpu.memory_space<vmem>>
        %dma_start3A_362 = tpu.memref_squeeze %dma_start3A_361 : memref<1x16x512xf32, #tpu.memory_space<vmem>> -> memref<16x512xf32, #tpu.memory_space<vmem>>
        %dma_start3A_363 = arith.constant 0 : i32
        %dma_start3A_364 = arith.constant 0 : i32
        %dma_start3A_365 = tpu.memref_slice %arg5[%dma_start3A_363, %dma_start3A_364] : memref<100000x512xf32, #tpu.memory_space<hbm>> -> memref<100000x512xf32, #tpu.memory_space<hbm>>
        %dma_start3A_366 = tpu.memref_slice %arg12[%dma_start3A_358] : memref<8x!tpu.dma_semaphore, #tpu.memory_space<semaphore_mem>> -> memref<1x!tpu.dma_semaphore, #tpu.memory_space<semaphore_mem>>
        %dma_start3A_367 = tpu.memref_squeeze %dma_start3A_366 : memref<1x!tpu.dma_semaphore, #tpu.memory_space<semaphore_mem>> -> memref<!tpu.dma_semaphore, #tpu.memory_space<semaphore_mem>>
        tpu.enqueue_indirect_dma source(%dma_start3A_362 : memref<16x512xf32, #tpu.memory_space<vmem>>) target(%dma_start3A_365 : memref<100000x512xf32, #tpu.memory_space<hbm>>) offsets(%get3A_347 : vector<16xi32>) semaphore(%dma_start3A_367 : memref<!tpu.dma_semaphore, #tpu.memory_space<semaphore_mem>>)
      } else {
      }
      %add3A_327 = arith.constant 5 : i32
      %add3A_328 = arith.addi %mul3A_249, %add3A_327 : i32
      %lt3A_329 = arith.cmpi slt, %add3A_328, %select_n3A_63 : i32
      %convert_element_type3A_330 = arith.extui %lt3A_329 : i1 to i32
      %cond3A_331 = arith.constant 0 : i32
      %cond3A_332 = arith.cmpi ne, %convert_element_type3A_330, %cond3A_331 : i32
      scf.if %cond3A_332 {
        %mul3A_345 = arith.constant 16 : i32
        %mul3A_346 = arith.muli %add3A_328, %mul3A_345 : i32
        %get3A = arith.index_cast %mul3A_346 : i32 to index
        %get3A_347 = tpu.vector_load %arg7[%get3A] {strides = array<i32>} : memref<3168xi32, #tpu.memory_space<vmem>>, vector<16xi32>,
        %dma_wait3A = arith.constant 5 : i32
        %dma_wait3A_348 = arith.constant 5 : i32
        %dma_wait3A_349 = arith.constant 0 : i32
        %dma_wait3A_350 = arith.constant 0 : i32
        %dma_wait3A_351 = tpu.memref_slice %arg9[%dma_wait3A, %dma_wait3A_349, %dma_wait3A_350] : memref<8x16x512xf32, #tpu.memory_space<vmem>> -> memref<1x16x512xf32, #tpu.memory_space<vmem>>
        %dma_wait3A_352 = tpu.memref_squeeze %dma_wait3A_351 : memref<1x16x512xf32, #tpu.memory_space<vmem>> -> memref<16x512xf32, #tpu.memory_space<vmem>>
        %dma_wait3A_353 = arith.constant 0 : i32
        %dma_wait3A_354 = arith.constant 0 : i32
        %dma_wait3A_355 = tpu.memref_slice %arg2[%dma_wait3A_353, %dma_wait3A_354] : memref<100000x512xf32, #tpu.memory_space<hbm>> -> memref<100000x512xf32, #tpu.memory_space<hbm>>
        %dma_wait3A_356 = tpu.memref_slice %arg11[%dma_wait3A_348] : memref<8x!tpu.dma_semaphore, #tpu.memory_space<semaphore_mem>> -> memref<1x!tpu.dma_semaphore, #tpu.memory_space<semaphore_mem>>
        %dma_wait3A_357 = tpu.memref_squeeze %dma_wait3A_356 : memref<1x!tpu.dma_semaphore, #tpu.memory_space<semaphore_mem>> -> memref<!tpu.dma_semaphore, #tpu.memory_space<semaphore_mem>>
        tpu.wait_indirect_dma semaphore(%dma_wait3A_357 : memref<!tpu.dma_semaphore, #tpu.memory_space<semaphore_mem>>) src(%dma_wait3A_355 : memref<100000x512xf32, #tpu.memory_space<hbm>>) dst(%dma_wait3A_352 : memref<16x512xf32, #tpu.memory_space<vmem>>)
        %dma_start3A = arith.constant 5 : i32
        %dma_start3A_358 = arith.constant 5 : i32
        %dma_start3A_359 = arith.constant 0 : i32
        %dma_start3A_360 = arith.constant 0 : i32
        %dma_start3A_361 = tpu.memref_slice %arg9[%dma_start3A, %dma_start3A_359, %dma_start3A_360] : memref<8x16x512xf32, #tpu.memory_space<vmem>> -> memref<1x16x512xf32, #tpu.memory_space<vmem>>
        %dma_start3A_362 = tpu.memref_squeeze %dma_start3A_361 : memref<1x16x512xf32, #tpu.memory_space<vmem>> -> memref<16x512xf32, #tpu.memory_space<vmem>>
        %dma_start3A_363 = arith.constant 0 : i32
        %dma_start3A_364 = arith.constant 0 : i32
        %dma_start3A_365 = tpu.memref_slice %arg5[%dma_start3A_363, %dma_start3A_364] : memref<100000x512xf32, #tpu.memory_space<hbm>> -> memref<100000x512xf32, #tpu.memory_space<hbm>>
        %dma_start3A_366 = tpu.memref_slice %arg12[%dma_start3A_358] : memref<8x!tpu.dma_semaphore, #tpu.memory_space<semaphore_mem>> -> memref<1x!tpu.dma_semaphore, #tpu.memory_space<semaphore_mem>>
        %dma_start3A_367 = tpu.memref_squeeze %dma_start3A_366 : memref<1x!tpu.dma_semaphore, #tpu.memory_space<semaphore_mem>> -> memref<!tpu.dma_semaphore, #tpu.memory_space<semaphore_mem>>
        tpu.enqueue_indirect_dma source(%dma_start3A_362 : memref<16x512xf32, #tpu.memory_space<vmem>>) target(%dma_start3A_365 : memref<100000x512xf32, #tpu.memory_space<hbm>>) offsets(%get3A_347 : vector<16xi32>) semaphore(%dma_start3A_367 : memref<!tpu.dma_semaphore, #tpu.memory_space<semaphore_mem>>)
      } else {
      }
      %add3A_333 = arith.constant 6 : i32
      %add3A_334 = arith.addi %mul3A_249, %add3A_333 : i32
      %lt3A_335 = arith.cmpi slt, %add3A_334, %select_n3A_63 : i32
      %convert_element_type3A_336 = arith.extui %lt3A_335 : i1 to i32
      %cond3A_337 = arith.constant 0 : i32
      %cond3A_338 = arith.cmpi ne, %convert_element_type3A_336, %cond3A_337 : i32
      scf.if %cond3A_338 {
        %mul3A_345 = arith.constant 16 : i32
        %mul3A_346 = arith.muli %add3A_334, %mul3A_345 : i32
        %get3A = arith.index_cast %mul3A_346 : i32 to index
        %get3A_347 = tpu.vector_load %arg7[%get3A] {strides = array<i32>} : memref<3168xi32, #tpu.memory_space<vmem>>, vector<16xi32>,
        %dma_wait3A = arith.constant 6 : i32
        %dma_wait3A_348 = arith.constant 6 : i32
        %dma_wait3A_349 = arith.constant 0 : i32
        %dma_wait3A_350 = arith.constant 0 : i32
        %dma_wait3A_351 = tpu.memref_slice %arg9[%dma_wait3A, %dma_wait3A_349, %dma_wait3A_350] : memref<8x16x512xf32, #tpu.memory_space<vmem>> -> memref<1x16x512xf32, #tpu.memory_space<vmem>>
        %dma_wait3A_352 = tpu.memref_squeeze %dma_wait3A_351 : memref<1x16x512xf32, #tpu.memory_space<vmem>> -> memref<16x512xf32, #tpu.memory_space<vmem>>
        %dma_wait3A_353 = arith.constant 0 : i32
        %dma_wait3A_354 = arith.constant 0 : i32
        %dma_wait3A_355 = tpu.memref_slice %arg2[%dma_wait3A_353, %dma_wait3A_354] : memref<100000x512xf32, #tpu.memory_space<hbm>> -> memref<100000x512xf32, #tpu.memory_space<hbm>>
        %dma_wait3A_356 = tpu.memref_slice %arg11[%dma_wait3A_348] : memref<8x!tpu.dma_semaphore, #tpu.memory_space<semaphore_mem>> -> memref<1x!tpu.dma_semaphore, #tpu.memory_space<semaphore_mem>>
        %dma_wait3A_357 = tpu.memref_squeeze %dma_wait3A_356 : memref<1x!tpu.dma_semaphore, #tpu.memory_space<semaphore_mem>> -> memref<!tpu.dma_semaphore, #tpu.memory_space<semaphore_mem>>
        tpu.wait_indirect_dma semaphore(%dma_wait3A_357 : memref<!tpu.dma_semaphore, #tpu.memory_space<semaphore_mem>>) src(%dma_wait3A_355 : memref<100000x512xf32, #tpu.memory_space<hbm>>) dst(%dma_wait3A_352 : memref<16x512xf32, #tpu.memory_space<vmem>>)
        %dma_start3A = arith.constant 6 : i32
        %dma_start3A_358 = arith.constant 6 : i32
        %dma_start3A_359 = arith.constant 0 : i32
        %dma_start3A_360 = arith.constant 0 : i32
        %dma_start3A_361 = tpu.memref_slice %arg9[%dma_start3A, %dma_start3A_359, %dma_start3A_360] : memref<8x16x512xf32, #tpu.memory_space<vmem>> -> memref<1x16x512xf32, #tpu.memory_space<vmem>>
        %dma_start3A_362 = tpu.memref_squeeze %dma_start3A_361 : memref<1x16x512xf32, #tpu.memory_space<vmem>> -> memref<16x512xf32, #tpu.memory_space<vmem>>
        %dma_start3A_363 = arith.constant 0 : i32
        %dma_start3A_364 = arith.constant 0 : i32
        %dma_start3A_365 = tpu.memref_slice %arg5[%dma_start3A_363, %dma_start3A_364] : memref<100000x512xf32, #tpu.memory_space<hbm>> -> memref<100000x512xf32, #tpu.memory_space<hbm>>
        %dma_start3A_366 = tpu.memref_slice %arg12[%dma_start3A_358] : memref<8x!tpu.dma_semaphore, #tpu.memory_space<semaphore_mem>> -> memref<1x!tpu.dma_semaphore, #tpu.memory_space<semaphore_mem>>
        %dma_start3A_367 = tpu.memref_squeeze %dma_start3A_366 : memref<1x!tpu.dma_semaphore, #tpu.memory_space<semaphore_mem>> -> memref<!tpu.dma_semaphore, #tpu.memory_space<semaphore_mem>>
        tpu.enqueue_indirect_dma source(%dma_start3A_362 : memref<16x512xf32, #tpu.memory_space<vmem>>) target(%dma_start3A_365 : memref<100000x512xf32, #tpu.memory_space<hbm>>) offsets(%get3A_347 : vector<16xi32>) semaphore(%dma_start3A_367 : memref<!tpu.dma_semaphore, #tpu.memory_space<semaphore_mem>>)
      } else {
      }
      %add3A_339 = arith.constant 7 : i32
      %add3A_340 = arith.addi %mul3A_249, %add3A_339 : i32
      %lt3A_341 = arith.cmpi slt, %add3A_340, %select_n3A_63 : i32
      %convert_element_type3A_342 = arith.extui %lt3A_341 : i1 to i32
      %cond3A_343 = arith.constant 0 : i32
      %cond3A_344 = arith.cmpi ne, %convert_element_type3A_342, %cond3A_343 : i32
      scf.if %cond3A_344 {
        %mul3A_345 = arith.constant 16 : i32
        %mul3A_346 = arith.muli %add3A_340, %mul3A_345 : i32
        %get3A = arith.index_cast %mul3A_346 : i32 to index
        %get3A_347 = tpu.vector_load %arg7[%get3A] {strides = array<i32>} : memref<3168xi32, #tpu.memory_space<vmem>>, vector<16xi32>,
        %dma_wait3A = arith.constant 7 : i32
        %dma_wait3A_348 = arith.constant 7 : i32
        %dma_wait3A_349 = arith.constant 0 : i32
        %dma_wait3A_350 = arith.constant 0 : i32
        %dma_wait3A_351 = tpu.memref_slice %arg9[%dma_wait3A, %dma_wait3A_349, %dma_wait3A_350] : memref<8x16x512xf32, #tpu.memory_space<vmem>> -> memref<1x16x512xf32, #tpu.memory_space<vmem>>
        %dma_wait3A_352 = tpu.memref_squeeze %dma_wait3A_351 : memref<1x16x512xf32, #tpu.memory_space<vmem>> -> memref<16x512xf32, #tpu.memory_space<vmem>>
        %dma_wait3A_353 = arith.constant 0 : i32
        %dma_wait3A_354 = arith.constant 0 : i32
        %dma_wait3A_355 = tpu.memref_slice %arg2[%dma_wait3A_353, %dma_wait3A_354] : memref<100000x512xf32, #tpu.memory_space<hbm>> -> memref<100000x512xf32, #tpu.memory_space<hbm>>
        %dma_wait3A_356 = tpu.memref_slice %arg11[%dma_wait3A_348] : memref<8x!tpu.dma_semaphore, #tpu.memory_space<semaphore_mem>> -> memref<1x!tpu.dma_semaphore, #tpu.memory_space<semaphore_mem>>
        %dma_wait3A_357 = tpu.memref_squeeze %dma_wait3A_356 : memref<1x!tpu.dma_semaphore, #tpu.memory_space<semaphore_mem>> -> memref<!tpu.dma_semaphore, #tpu.memory_space<semaphore_mem>>
        tpu.wait_indirect_dma semaphore(%dma_wait3A_357 : memref<!tpu.dma_semaphore, #tpu.memory_space<semaphore_mem>>) src(%dma_wait3A_355 : memref<100000x512xf32, #tpu.memory_space<hbm>>) dst(%dma_wait3A_352 : memref<16x512xf32, #tpu.memory_space<vmem>>)
        %dma_start3A = arith.constant 7 : i32
        %dma_start3A_358 = arith.constant 7 : i32
        %dma_start3A_359 = arith.constant 0 : i32
        %dma_start3A_360 = arith.constant 0 : i32
        %dma_start3A_361 = tpu.memref_slice %arg9[%dma_start3A, %dma_start3A_359, %dma_start3A_360] : memref<8x16x512xf32, #tpu.memory_space<vmem>> -> memref<1x16x512xf32, #tpu.memory_space<vmem>>
        %dma_start3A_362 = tpu.memref_squeeze %dma_start3A_361 : memref<1x16x512xf32, #tpu.memory_space<vmem>> -> memref<16x512xf32, #tpu.memory_space<vmem>>
        %dma_start3A_363 = arith.constant 0 : i32
        %dma_start3A_364 = arith.constant 0 : i32
        %dma_start3A_365 = tpu.memref_slice %arg5[%dma_start3A_363, %dma_start3A_364] : memref<100000x512xf32, #tpu.memory_space<hbm>> -> memref<100000x512xf32, #tpu.memory_space<hbm>>
        %dma_start3A_366 = tpu.memref_slice %arg12[%dma_start3A_358] : memref<8x!tpu.dma_semaphore, #tpu.memory_space<semaphore_mem>> -> memref<1x!tpu.dma_semaphore, #tpu.memory_space<semaphore_mem>>
        %dma_start3A_367 = tpu.memref_squeeze %dma_start3A_366 : memref<1x!tpu.dma_semaphore, #tpu.memory_space<semaphore_mem>> -> memref<!tpu.dma_semaphore, #tpu.memory_space<semaphore_mem>>
        tpu.enqueue_indirect_dma source(%dma_start3A_362 : memref<16x512xf32, #tpu.memory_space<vmem>>) target(%dma_start3A_365 : memref<100000x512xf32, #tpu.memory_space<hbm>>) offsets(%get3A_347 : vector<16xi32>) semaphore(%dma_start3A_367 : memref<!tpu.dma_semaphore, #tpu.memory_space<semaphore_mem>>)
      } else {
      }
    }
    %while3A_128 = arith.constant 1 : i32
    scf.for %while3A_247 = %while3A_126 to %while3A_122 step %while3A_128  : i32 {
      %mul3A_248 = arith.constant 8 : i32
      %mul3A_249 = arith.muli %while3A_247, %mul3A_248 : i32
      %add3A_250 = arith.constant 0 : i32
      %add3A_251 = arith.addi %mul3A_249, %add3A_250 : i32
      %lt3A = arith.cmpi slt, %add3A_251, %select_n3A_63 : i32
      %convert_element_type3A_252 = arith.extui %lt3A : i1 to i32
      %cond3A_253 = arith.constant 0 : i32
      %cond3A_254 = arith.cmpi ne, %convert_element_type3A_252, %cond3A_253 : i32
      scf.if %cond3A_254 {
        %mul3A_345 = arith.constant 16 : i32
        %mul3A_346 = arith.muli %add3A_251, %mul3A_345 : i32
        %get3A = arith.index_cast %mul3A_346 : i32 to index
        %get3A_347 = tpu.vector_load %arg7[%get3A] {strides = array<i32>} : memref<3168xi32, #tpu.memory_space<vmem>>, vector<16xi32>,
        %ge3A = arith.constant 8 : i32
        %ge3A_348 = arith.cmpi sge, %add3A_251, %ge3A : i32
        %convert_element_type3A_349 = arith.extui %ge3A_348 : i1 to i32
        %cond3A_350 = arith.constant 0 : i32
        %cond3A_351 = arith.cmpi ne, %convert_element_type3A_349, %cond3A_350 : i32
        scf.if %cond3A_351 {
          %dma_wait3A = arith.constant 0 : i32
          %dma_wait3A_362 = arith.constant 0 : i32
          %dma_wait3A_363 = arith.constant 0 : i32
          %dma_wait3A_364 = arith.constant 0 : i32
          %dma_wait3A_365 = tpu.memref_slice %arg9[%dma_wait3A, %dma_wait3A_363, %dma_wait3A_364] : memref<8x16x512xf32, #tpu.memory_space<vmem>> -> memref<1x16x512xf32, #tpu.memory_space<vmem>>
          %dma_wait3A_366 = tpu.memref_squeeze %dma_wait3A_365 : memref<1x16x512xf32, #tpu.memory_space<vmem>> -> memref<16x512xf32, #tpu.memory_space<vmem>>
          %dma_wait3A_367 = arith.constant 0 : i32
          %dma_wait3A_368 = arith.constant 0 : i32
          %dma_wait3A_369 = tpu.memref_slice %arg5[%dma_wait3A_367, %dma_wait3A_368] : memref<100000x512xf32, #tpu.memory_space<hbm>> -> memref<100000x512xf32, #tpu.memory_space<hbm>>
          %dma_wait3A_370 = tpu.memref_slice %arg12[%dma_wait3A_362] : memref<8x!tpu.dma_semaphore, #tpu.memory_space<semaphore_mem>> -> memref<1x!tpu.dma_semaphore, #tpu.memory_space<semaphore_mem>>
          %dma_wait3A_371 = tpu.memref_squeeze %dma_wait3A_370 : memref<1x!tpu.dma_semaphore, #tpu.memory_space<semaphore_mem>> -> memref<!tpu.dma_semaphore, #tpu.memory_space<semaphore_mem>>
          tpu.wait_indirect_dma semaphore(%dma_wait3A_371 : memref<!tpu.dma_semaphore, #tpu.memory_space<semaphore_mem>>) src(%dma_wait3A_366 : memref<16x512xf32, #tpu.memory_space<vmem>>) dst(%dma_wait3A_369 : memref<100000x512xf32, #tpu.memory_space<hbm>>)
        } else {
        }
        %dma_start3A = arith.constant 0 : i32
        %dma_start3A_352 = arith.constant 0 : i32
        %dma_start3A_353 = arith.constant 0 : i32
        %dma_start3A_354 = arith.constant 0 : i32
        %dma_start3A_355 = tpu.memref_slice %arg9[%dma_start3A, %dma_start3A_353, %dma_start3A_354] : memref<8x16x512xf32, #tpu.memory_space<vmem>> -> memref<1x16x512xf32, #tpu.memory_space<vmem>>
        %dma_start3A_356 = tpu.memref_squeeze %dma_start3A_355 : memref<1x16x512xf32, #tpu.memory_space<vmem>> -> memref<16x512xf32, #tpu.memory_space<vmem>>
        %dma_start3A_357 = arith.constant 0 : i32
        %dma_start3A_358 = arith.constant 0 : i32
        %dma_start3A_359 = tpu.memref_slice %arg2[%dma_start3A_357, %dma_start3A_358] : memref<100000x512xf32, #tpu.memory_space<hbm>> -> memref<100000x512xf32, #tpu.memory_space<hbm>>
        %dma_start3A_360 = tpu.memref_slice %arg11[%dma_start3A_352] : memref<8x!tpu.dma_semaphore, #tpu.memory_space<semaphore_mem>> -> memref<1x!tpu.dma_semaphore, #tpu.memory_space<semaphore_mem>>
        %dma_start3A_361 = tpu.memref_squeeze %dma_start3A_360 : memref<1x!tpu.dma_semaphore, #tpu.memory_space<semaphore_mem>> -> memref<!tpu.dma_semaphore, #tpu.memory_space<semaphore_mem>>
        tpu.enqueue_indirect_dma source(%dma_start3A_359 : memref<100000x512xf32, #tpu.memory_space<hbm>>) target(%dma_start3A_356 : memref<16x512xf32, #tpu.memory_space<vmem>>) offsets(%get3A_347 : vector<16xi32>) semaphore(%dma_start3A_361 : memref<!tpu.dma_semaphore, #tpu.memory_space<semaphore_mem>>)
      } else {
      }
      %add3A_255 = arith.constant 1 : i32
      %add3A_256 = arith.addi %mul3A_249, %add3A_255 : i32
      %lt3A_257 = arith.cmpi slt, %add3A_256, %select_n3A_63 : i32
      %convert_element_type3A_258 = arith.extui %lt3A_257 : i1 to i32
      %cond3A_259 = arith.constant 0 : i32
      %cond3A_260 = arith.cmpi ne, %convert_element_type3A_258, %cond3A_259 : i32
      scf.if %cond3A_260 {
        %mul3A_345 = arith.constant 16 : i32
        %mul3A_346 = arith.muli %add3A_256, %mul3A_345 : i32
        %get3A = arith.index_cast %mul3A_346 : i32 to index
        %get3A_347 = tpu.vector_load %arg7[%get3A] {strides = array<i32>} : memref<3168xi32, #tpu.memory_space<vmem>>, vector<16xi32>,
        %ge3A = arith.constant 8 : i32
        %ge3A_348 = arith.cmpi sge, %add3A_256, %ge3A : i32
        %convert_element_type3A_349 = arith.extui %ge3A_348 : i1 to i32
        %cond3A_350 = arith.constant 0 : i32
        %cond3A_351 = arith.cmpi ne, %convert_element_type3A_349, %cond3A_350 : i32
        scf.if %cond3A_351 {
          %dma_wait3A = arith.constant 1 : i32
          %dma_wait3A_362 = arith.constant 1 : i32
          %dma_wait3A_363 = arith.constant 0 : i32
          %dma_wait3A_364 = arith.constant 0 : i32
          %dma_wait3A_365 = tpu.memref_slice %arg9[%dma_wait3A, %dma_wait3A_363, %dma_wait3A_364] : memref<8x16x512xf32, #tpu.memory_space<vmem>> -> memref<1x16x512xf32, #tpu.memory_space<vmem>>
          %dma_wait3A_366 = tpu.memref_squeeze %dma_wait3A_365 : memref<1x16x512xf32, #tpu.memory_space<vmem>> -> memref<16x512xf32, #tpu.memory_space<vmem>>
          %dma_wait3A_367 = arith.constant 0 : i32
          %dma_wait3A_368 = arith.constant 0 : i32
          %dma_wait3A_369 = tpu.memref_slice %arg5[%dma_wait3A_367, %dma_wait3A_368] : memref<100000x512xf32, #tpu.memory_space<hbm>> -> memref<100000x512xf32, #tpu.memory_space<hbm>>
          %dma_wait3A_370 = tpu.memref_slice %arg12[%dma_wait3A_362] : memref<8x!tpu.dma_semaphore, #tpu.memory_space<semaphore_mem>> -> memref<1x!tpu.dma_semaphore, #tpu.memory_space<semaphore_mem>>
          %dma_wait3A_371 = tpu.memref_squeeze %dma_wait3A_370 : memref<1x!tpu.dma_semaphore, #tpu.memory_space<semaphore_mem>> -> memref<!tpu.dma_semaphore, #tpu.memory_space<semaphore_mem>>
          tpu.wait_indirect_dma semaphore(%dma_wait3A_371 : memref<!tpu.dma_semaphore, #tpu.memory_space<semaphore_mem>>) src(%dma_wait3A_366 : memref<16x512xf32, #tpu.memory_space<vmem>>) dst(%dma_wait3A_369 : memref<100000x512xf32, #tpu.memory_space<hbm>>)
        } else {
        }
        %dma_start3A = arith.constant 1 : i32
        %dma_start3A_352 = arith.constant 1 : i32
        %dma_start3A_353 = arith.constant 0 : i32
        %dma_start3A_354 = arith.constant 0 : i32
        %dma_start3A_355 = tpu.memref_slice %arg9[%dma_start3A, %dma_start3A_353, %dma_start3A_354] : memref<8x16x512xf32, #tpu.memory_space<vmem>> -> memref<1x16x512xf32, #tpu.memory_space<vmem>>
        %dma_start3A_356 = tpu.memref_squeeze %dma_start3A_355 : memref<1x16x512xf32, #tpu.memory_space<vmem>> -> memref<16x512xf32, #tpu.memory_space<vmem>>
        %dma_start3A_357 = arith.constant 0 : i32
        %dma_start3A_358 = arith.constant 0 : i32
        %dma_start3A_359 = tpu.memref_slice %arg2[%dma_start3A_357, %dma_start3A_358] : memref<100000x512xf32, #tpu.memory_space<hbm>> -> memref<100000x512xf32, #tpu.memory_space<hbm>>
        %dma_start3A_360 = tpu.memref_slice %arg11[%dma_start3A_352] : memref<8x!tpu.dma_semaphore, #tpu.memory_space<semaphore_mem>> -> memref<1x!tpu.dma_semaphore, #tpu.memory_space<semaphore_mem>>
        %dma_start3A_361 = tpu.memref_squeeze %dma_start3A_360 : memref<1x!tpu.dma_semaphore, #tpu.memory_space<semaphore_mem>> -> memref<!tpu.dma_semaphore, #tpu.memory_space<semaphore_mem>>
        tpu.enqueue_indirect_dma source(%dma_start3A_359 : memref<100000x512xf32, #tpu.memory_space<hbm>>) target(%dma_start3A_356 : memref<16x512xf32, #tpu.memory_space<vmem>>) offsets(%get3A_347 : vector<16xi32>) semaphore(%dma_start3A_361 : memref<!tpu.dma_semaphore, #tpu.memory_space<semaphore_mem>>)
      } else {
      }
      %add3A_261 = arith.constant 2 : i32
      %add3A_262 = arith.addi %mul3A_249, %add3A_261 : i32
      %lt3A_263 = arith.cmpi slt, %add3A_262, %select_n3A_63 : i32
      %convert_element_type3A_264 = arith.extui %lt3A_263 : i1 to i32
      %cond3A_265 = arith.constant 0 : i32
      %cond3A_266 = arith.cmpi ne, %convert_element_type3A_264, %cond3A_265 : i32
      scf.if %cond3A_266 {
        %mul3A_345 = arith.constant 16 : i32
        %mul3A_346 = arith.muli %add3A_262, %mul3A_345 : i32
        %get3A = arith.index_cast %mul3A_346 : i32 to index
        %get3A_347 = tpu.vector_load %arg7[%get3A] {strides = array<i32>} : memref<3168xi32, #tpu.memory_space<vmem>>, vector<16xi32>,
        %ge3A = arith.constant 8 : i32
        %ge3A_348 = arith.cmpi sge, %add3A_262, %ge3A : i32
        %convert_element_type3A_349 = arith.extui %ge3A_348 : i1 to i32
        %cond3A_350 = arith.constant 0 : i32
        %cond3A_351 = arith.cmpi ne, %convert_element_type3A_349, %cond3A_350 : i32
        scf.if %cond3A_351 {
          %dma_wait3A = arith.constant 2 : i32
          %dma_wait3A_362 = arith.constant 2 : i32
          %dma_wait3A_363 = arith.constant 0 : i32
          %dma_wait3A_364 = arith.constant 0 : i32
          %dma_wait3A_365 = tpu.memref_slice %arg9[%dma_wait3A, %dma_wait3A_363, %dma_wait3A_364] : memref<8x16x512xf32, #tpu.memory_space<vmem>> -> memref<1x16x512xf32, #tpu.memory_space<vmem>>
          %dma_wait3A_366 = tpu.memref_squeeze %dma_wait3A_365 : memref<1x16x512xf32, #tpu.memory_space<vmem>> -> memref<16x512xf32, #tpu.memory_space<vmem>>
          %dma_wait3A_367 = arith.constant 0 : i32
          %dma_wait3A_368 = arith.constant 0 : i32
          %dma_wait3A_369 = tpu.memref_slice %arg5[%dma_wait3A_367, %dma_wait3A_368] : memref<100000x512xf32, #tpu.memory_space<hbm>> -> memref<100000x512xf32, #tpu.memory_space<hbm>>
          %dma_wait3A_370 = tpu.memref_slice %arg12[%dma_wait3A_362] : memref<8x!tpu.dma_semaphore, #tpu.memory_space<semaphore_mem>> -> memref<1x!tpu.dma_semaphore, #tpu.memory_space<semaphore_mem>>
          %dma_wait3A_371 = tpu.memref_squeeze %dma_wait3A_370 : memref<1x!tpu.dma_semaphore, #tpu.memory_space<semaphore_mem>> -> memref<!tpu.dma_semaphore, #tpu.memory_space<semaphore_mem>>
          tpu.wait_indirect_dma semaphore(%dma_wait3A_371 : memref<!tpu.dma_semaphore, #tpu.memory_space<semaphore_mem>>) src(%dma_wait3A_366 : memref<16x512xf32, #tpu.memory_space<vmem>>) dst(%dma_wait3A_369 : memref<100000x512xf32, #tpu.memory_space<hbm>>)
        } else {
        }
        %dma_start3A = arith.constant 2 : i32
        %dma_start3A_352 = arith.constant 2 : i32
        %dma_start3A_353 = arith.constant 0 : i32
        %dma_start3A_354 = arith.constant 0 : i32
        %dma_start3A_355 = tpu.memref_slice %arg9[%dma_start3A, %dma_start3A_353, %dma_start3A_354] : memref<8x16x512xf32, #tpu.memory_space<vmem>> -> memref<1x16x512xf32, #tpu.memory_space<vmem>>
        %dma_start3A_356 = tpu.memref_squeeze %dma_start3A_355 : memref<1x16x512xf32, #tpu.memory_space<vmem>> -> memref<16x512xf32, #tpu.memory_space<vmem>>
        %dma_start3A_357 = arith.constant 0 : i32
        %dma_start3A_358 = arith.constant 0 : i32
        %dma_start3A_359 = tpu.memref_slice %arg2[%dma_start3A_357, %dma_start3A_358] : memref<100000x512xf32, #tpu.memory_space<hbm>> -> memref<100000x512xf32, #tpu.memory_space<hbm>>
        %dma_start3A_360 = tpu.memref_slice %arg11[%dma_start3A_352] : memref<8x!tpu.dma_semaphore, #tpu.memory_space<semaphore_mem>> -> memref<1x!tpu.dma_semaphore, #tpu.memory_space<semaphore_mem>>
        %dma_start3A_361 = tpu.memref_squeeze %dma_start3A_360 : memref<1x!tpu.dma_semaphore, #tpu.memory_space<semaphore_mem>> -> memref<!tpu.dma_semaphore, #tpu.memory_space<semaphore_mem>>
        tpu.enqueue_indirect_dma source(%dma_start3A_359 : memref<100000x512xf32, #tpu.memory_space<hbm>>) target(%dma_start3A_356 : memref<16x512xf32, #tpu.memory_space<vmem>>) offsets(%get3A_347 : vector<16xi32>) semaphore(%dma_start3A_361 : memref<!tpu.dma_semaphore, #tpu.memory_space<semaphore_mem>>)
      } else {
      }
      %add3A_267 = arith.constant 3 : i32
      %add3A_268 = arith.addi %mul3A_249, %add3A_267 : i32
      %lt3A_269 = arith.cmpi slt, %add3A_268, %select_n3A_63 : i32
      %convert_element_type3A_270 = arith.extui %lt3A_269 : i1 to i32
      %cond3A_271 = arith.constant 0 : i32
      %cond3A_272 = arith.cmpi ne, %convert_element_type3A_270, %cond3A_271 : i32
      scf.if %cond3A_272 {
        %mul3A_345 = arith.constant 16 : i32
        %mul3A_346 = arith.muli %add3A_268, %mul3A_345 : i32
        %get3A = arith.index_cast %mul3A_346 : i32 to index
        %get3A_347 = tpu.vector_load %arg7[%get3A] {strides = array<i32>} : memref<3168xi32, #tpu.memory_space<vmem>>, vector<16xi32>,
        %ge3A = arith.constant 8 : i32
        %ge3A_348 = arith.cmpi sge, %add3A_268, %ge3A : i32
        %convert_element_type3A_349 = arith.extui %ge3A_348 : i1 to i32
        %cond3A_350 = arith.constant 0 : i32
        %cond3A_351 = arith.cmpi ne, %convert_element_type3A_349, %cond3A_350 : i32
        scf.if %cond3A_351 {
          %dma_wait3A = arith.constant 3 : i32
          %dma_wait3A_362 = arith.constant 3 : i32
          %dma_wait3A_363 = arith.constant 0 : i32
          %dma_wait3A_364 = arith.constant 0 : i32
          %dma_wait3A_365 = tpu.memref_slice %arg9[%dma_wait3A, %dma_wait3A_363, %dma_wait3A_364] : memref<8x16x512xf32, #tpu.memory_space<vmem>> -> memref<1x16x512xf32, #tpu.memory_space<vmem>>
          %dma_wait3A_366 = tpu.memref_squeeze %dma_wait3A_365 : memref<1x16x512xf32, #tpu.memory_space<vmem>> -> memref<16x512xf32, #tpu.memory_space<vmem>>
          %dma_wait3A_367 = arith.constant 0 : i32
          %dma_wait3A_368 = arith.constant 0 : i32
          %dma_wait3A_369 = tpu.memref_slice %arg5[%dma_wait3A_367, %dma_wait3A_368] : memref<100000x512xf32, #tpu.memory_space<hbm>> -> memref<100000x512xf32, #tpu.memory_space<hbm>>
          %dma_wait3A_370 = tpu.memref_slice %arg12[%dma_wait3A_362] : memref<8x!tpu.dma_semaphore, #tpu.memory_space<semaphore_mem>> -> memref<1x!tpu.dma_semaphore, #tpu.memory_space<semaphore_mem>>
          %dma_wait3A_371 = tpu.memref_squeeze %dma_wait3A_370 : memref<1x!tpu.dma_semaphore, #tpu.memory_space<semaphore_mem>> -> memref<!tpu.dma_semaphore, #tpu.memory_space<semaphore_mem>>
          tpu.wait_indirect_dma semaphore(%dma_wait3A_371 : memref<!tpu.dma_semaphore, #tpu.memory_space<semaphore_mem>>) src(%dma_wait3A_366 : memref<16x512xf32, #tpu.memory_space<vmem>>) dst(%dma_wait3A_369 : memref<100000x512xf32, #tpu.memory_space<hbm>>)
        } else {
        }
        %dma_start3A = arith.constant 3 : i32
        %dma_start3A_352 = arith.constant 3 : i32
        %dma_start3A_353 = arith.constant 0 : i32
        %dma_start3A_354 = arith.constant 0 : i32
        %dma_start3A_355 = tpu.memref_slice %arg9[%dma_start3A, %dma_start3A_353, %dma_start3A_354] : memref<8x16x512xf32, #tpu.memory_space<vmem>> -> memref<1x16x512xf32, #tpu.memory_space<vmem>>
        %dma_start3A_356 = tpu.memref_squeeze %dma_start3A_355 : memref<1x16x512xf32, #tpu.memory_space<vmem>> -> memref<16x512xf32, #tpu.memory_space<vmem>>
        %dma_start3A_357 = arith.constant 0 : i32
        %dma_start3A_358 = arith.constant 0 : i32
        %dma_start3A_359 = tpu.memref_slice %arg2[%dma_start3A_357, %dma_start3A_358] : memref<100000x512xf32, #tpu.memory_space<hbm>> -> memref<100000x512xf32, #tpu.memory_space<hbm>>
        %dma_start3A_360 = tpu.memref_slice %arg11[%dma_start3A_352] : memref<8x!tpu.dma_semaphore, #tpu.memory_space<semaphore_mem>> -> memref<1x!tpu.dma_semaphore, #tpu.memory_space<semaphore_mem>>
        %dma_start3A_361 = tpu.memref_squeeze %dma_start3A_360 : memref<1x!tpu.dma_semaphore, #tpu.memory_space<semaphore_mem>> -> memref<!tpu.dma_semaphore, #tpu.memory_space<semaphore_mem>>
        tpu.enqueue_indirect_dma source(%dma_start3A_359 : memref<100000x512xf32, #tpu.memory_space<hbm>>) target(%dma_start3A_356 : memref<16x512xf32, #tpu.memory_space<vmem>>) offsets(%get3A_347 : vector<16xi32>) semaphore(%dma_start3A_361 : memref<!tpu.dma_semaphore, #tpu.memory_space<semaphore_mem>>)
      } else {
      }
      %add3A_273 = arith.constant 4 : i32
      %add3A_274 = arith.addi %mul3A_249, %add3A_273 : i32
      %lt3A_275 = arith.cmpi slt, %add3A_274, %select_n3A_63 : i32
      %convert_element_type3A_276 = arith.extui %lt3A_275 : i1 to i32
      %cond3A_277 = arith.constant 0 : i32
      %cond3A_278 = arith.cmpi ne, %convert_element_type3A_276, %cond3A_277 : i32
      scf.if %cond3A_278 {
        %mul3A_345 = arith.constant 16 : i32
        %mul3A_346 = arith.muli %add3A_274, %mul3A_345 : i32
        %get3A = arith.index_cast %mul3A_346 : i32 to index
        %get3A_347 = tpu.vector_load %arg7[%get3A] {strides = array<i32>} : memref<3168xi32, #tpu.memory_space<vmem>>, vector<16xi32>,
        %ge3A = arith.constant 8 : i32
        %ge3A_348 = arith.cmpi sge, %add3A_274, %ge3A : i32
        %convert_element_type3A_349 = arith.extui %ge3A_348 : i1 to i32
        %cond3A_350 = arith.constant 0 : i32
        %cond3A_351 = arith.cmpi ne, %convert_element_type3A_349, %cond3A_350 : i32
        scf.if %cond3A_351 {
          %dma_wait3A = arith.constant 4 : i32
          %dma_wait3A_362 = arith.constant 4 : i32
          %dma_wait3A_363 = arith.constant 0 : i32
          %dma_wait3A_364 = arith.constant 0 : i32
          %dma_wait3A_365 = tpu.memref_slice %arg9[%dma_wait3A, %dma_wait3A_363, %dma_wait3A_364] : memref<8x16x512xf32, #tpu.memory_space<vmem>> -> memref<1x16x512xf32, #tpu.memory_space<vmem>>
          %dma_wait3A_366 = tpu.memref_squeeze %dma_wait3A_365 : memref<1x16x512xf32, #tpu.memory_space<vmem>> -> memref<16x512xf32, #tpu.memory_space<vmem>>
          %dma_wait3A_367 = arith.constant 0 : i32
          %dma_wait3A_368 = arith.constant 0 : i32
          %dma_wait3A_369 = tpu.memref_slice %arg5[%dma_wait3A_367, %dma_wait3A_368] : memref<100000x512xf32, #tpu.memory_space<hbm>> -> memref<100000x512xf32, #tpu.memory_space<hbm>>
          %dma_wait3A_370 = tpu.memref_slice %arg12[%dma_wait3A_362] : memref<8x!tpu.dma_semaphore, #tpu.memory_space<semaphore_mem>> -> memref<1x!tpu.dma_semaphore, #tpu.memory_space<semaphore_mem>>
          %dma_wait3A_371 = tpu.memref_squeeze %dma_wait3A_370 : memref<1x!tpu.dma_semaphore, #tpu.memory_space<semaphore_mem>> -> memref<!tpu.dma_semaphore, #tpu.memory_space<semaphore_mem>>
          tpu.wait_indirect_dma semaphore(%dma_wait3A_371 : memref<!tpu.dma_semaphore, #tpu.memory_space<semaphore_mem>>) src(%dma_wait3A_366 : memref<16x512xf32, #tpu.memory_space<vmem>>) dst(%dma_wait3A_369 : memref<100000x512xf32, #tpu.memory_space<hbm>>)
        } else {
        }
        %dma_start3A = arith.constant 4 : i32
        %dma_start3A_352 = arith.constant 4 : i32
        %dma_start3A_353 = arith.constant 0 : i32
        %dma_start3A_354 = arith.constant 0 : i32
        %dma_start3A_355 = tpu.memref_slice %arg9[%dma_start3A, %dma_start3A_353, %dma_start3A_354] : memref<8x16x512xf32, #tpu.memory_space<vmem>> -> memref<1x16x512xf32, #tpu.memory_space<vmem>>
        %dma_start3A_356 = tpu.memref_squeeze %dma_start3A_355 : memref<1x16x512xf32, #tpu.memory_space<vmem>> -> memref<16x512xf32, #tpu.memory_space<vmem>>
        %dma_start3A_357 = arith.constant 0 : i32
        %dma_start3A_358 = arith.constant 0 : i32
        %dma_start3A_359 = tpu.memref_slice %arg2[%dma_start3A_357, %dma_start3A_358] : memref<100000x512xf32, #tpu.memory_space<hbm>> -> memref<100000x512xf32, #tpu.memory_space<hbm>>
        %dma_start3A_360 = tpu.memref_slice %arg11[%dma_start3A_352] : memref<8x!tpu.dma_semaphore, #tpu.memory_space<semaphore_mem>> -> memref<1x!tpu.dma_semaphore, #tpu.memory_space<semaphore_mem>>
        %dma_start3A_361 = tpu.memref_squeeze %dma_start3A_360 : memref<1x!tpu.dma_semaphore, #tpu.memory_space<semaphore_mem>> -> memref<!tpu.dma_semaphore, #tpu.memory_space<semaphore_mem>>
        tpu.enqueue_indirect_dma source(%dma_start3A_359 : memref<100000x512xf32, #tpu.memory_space<hbm>>) target(%dma_start3A_356 : memref<16x512xf32, #tpu.memory_space<vmem>>) offsets(%get3A_347 : vector<16xi32>) semaphore(%dma_start3A_361 : memref<!tpu.dma_semaphore, #tpu.memory_space<semaphore_mem>>)
      } else {
      }
      %add3A_279 = arith.constant 5 : i32
      %add3A_280 = arith.addi %mul3A_249, %add3A_279 : i32
      %lt3A_281 = arith.cmpi slt, %add3A_280, %select_n3A_63 : i32
      %convert_element_type3A_282 = arith.extui %lt3A_281 : i1 to i32
      %cond3A_283 = arith.constant 0 : i32
      %cond3A_284 = arith.cmpi ne, %convert_element_type3A_282, %cond3A_283 : i32
      scf.if %cond3A_284 {
        %mul3A_345 = arith.constant 16 : i32
        %mul3A_346 = arith.muli %add3A_280, %mul3A_345 : i32
        %get3A = arith.index_cast %mul3A_346 : i32 to index
        %get3A_347 = tpu.vector_load %arg7[%get3A] {strides = array<i32>} : memref<3168xi32, #tpu.memory_space<vmem>>, vector<16xi32>,
        %ge3A = arith.constant 8 : i32
        %ge3A_348 = arith.cmpi sge, %add3A_280, %ge3A : i32
        %convert_element_type3A_349 = arith.extui %ge3A_348 : i1 to i32
        %cond3A_350 = arith.constant 0 : i32
        %cond3A_351 = arith.cmpi ne, %convert_element_type3A_349, %cond3A_350 : i32
        scf.if %cond3A_351 {
          %dma_wait3A = arith.constant 5 : i32
          %dma_wait3A_362 = arith.constant 5 : i32
          %dma_wait3A_363 = arith.constant 0 : i32
          %dma_wait3A_364 = arith.constant 0 : i32
          %dma_wait3A_365 = tpu.memref_slice %arg9[%dma_wait3A, %dma_wait3A_363, %dma_wait3A_364] : memref<8x16x512xf32, #tpu.memory_space<vmem>> -> memref<1x16x512xf32, #tpu.memory_space<vmem>>
          %dma_wait3A_366 = tpu.memref_squeeze %dma_wait3A_365 : memref<1x16x512xf32, #tpu.memory_space<vmem>> -> memref<16x512xf32, #tpu.memory_space<vmem>>
          %dma_wait3A_367 = arith.constant 0 : i32
          %dma_wait3A_368 = arith.constant 0 : i32
          %dma_wait3A_369 = tpu.memref_slice %arg5[%dma_wait3A_367, %dma_wait3A_368] : memref<100000x512xf32, #tpu.memory_space<hbm>> -> memref<100000x512xf32, #tpu.memory_space<hbm>>
          %dma_wait3A_370 = tpu.memref_slice %arg12[%dma_wait3A_362] : memref<8x!tpu.dma_semaphore, #tpu.memory_space<semaphore_mem>> -> memref<1x!tpu.dma_semaphore, #tpu.memory_space<semaphore_mem>>
          %dma_wait3A_371 = tpu.memref_squeeze %dma_wait3A_370 : memref<1x!tpu.dma_semaphore, #tpu.memory_space<semaphore_mem>> -> memref<!tpu.dma_semaphore, #tpu.memory_space<semaphore_mem>>
          tpu.wait_indirect_dma semaphore(%dma_wait3A_371 : memref<!tpu.dma_semaphore, #tpu.memory_space<semaphore_mem>>) src(%dma_wait3A_366 : memref<16x512xf32, #tpu.memory_space<vmem>>) dst(%dma_wait3A_369 : memref<100000x512xf32, #tpu.memory_space<hbm>>)
        } else {
        }
        %dma_start3A = arith.constant 5 : i32
        %dma_start3A_352 = arith.constant 5 : i32
        %dma_start3A_353 = arith.constant 0 : i32
        %dma_start3A_354 = arith.constant 0 : i32
        %dma_start3A_355 = tpu.memref_slice %arg9[%dma_start3A, %dma_start3A_353, %dma_start3A_354] : memref<8x16x512xf32, #tpu.memory_space<vmem>> -> memref<1x16x512xf32, #tpu.memory_space<vmem>>
        %dma_start3A_356 = tpu.memref_squeeze %dma_start3A_355 : memref<1x16x512xf32, #tpu.memory_space<vmem>> -> memref<16x512xf32, #tpu.memory_space<vmem>>
        %dma_start3A_357 = arith.constant 0 : i32
        %dma_start3A_358 = arith.constant 0 : i32
        %dma_start3A_359 = tpu.memref_slice %arg2[%dma_start3A_357, %dma_start3A_358] : memref<100000x512xf32, #tpu.memory_space<hbm>> -> memref<100000x512xf32, #tpu.memory_space<hbm>>
        %dma_start3A_360 = tpu.memref_slice %arg11[%dma_start3A_352] : memref<8x!tpu.dma_semaphore, #tpu.memory_space<semaphore_mem>> -> memref<1x!tpu.dma_semaphore, #tpu.memory_space<semaphore_mem>>
        %dma_start3A_361 = tpu.memref_squeeze %dma_start3A_360 : memref<1x!tpu.dma_semaphore, #tpu.memory_space<semaphore_mem>> -> memref<!tpu.dma_semaphore, #tpu.memory_space<semaphore_mem>>
        tpu.enqueue_indirect_dma source(%dma_start3A_359 : memref<100000x512xf32, #tpu.memory_space<hbm>>) target(%dma_start3A_356 : memref<16x512xf32, #tpu.memory_space<vmem>>) offsets(%get3A_347 : vector<16xi32>) semaphore(%dma_start3A_361 : memref<!tpu.dma_semaphore, #tpu.memory_space<semaphore_mem>>)
      } else {
      }
      %add3A_285 = arith.constant 6 : i32
      %add3A_286 = arith.addi %mul3A_249, %add3A_285 : i32
      %lt3A_287 = arith.cmpi slt, %add3A_286, %select_n3A_63 : i32
      %convert_element_type3A_288 = arith.extui %lt3A_287 : i1 to i32
      %cond3A_289 = arith.constant 0 : i32
      %cond3A_290 = arith.cmpi ne, %convert_element_type3A_288, %cond3A_289 : i32
      scf.if %cond3A_290 {
        %mul3A_345 = arith.constant 16 : i32
        %mul3A_346 = arith.muli %add3A_286, %mul3A_345 : i32
        %get3A = arith.index_cast %mul3A_346 : i32 to index
        %get3A_347 = tpu.vector_load %arg7[%get3A] {strides = array<i32>} : memref<3168xi32, #tpu.memory_space<vmem>>, vector<16xi32>,
        %ge3A = arith.constant 8 : i32
        %ge3A_348 = arith.cmpi sge, %add3A_286, %ge3A : i32
        %convert_element_type3A_349 = arith.extui %ge3A_348 : i1 to i32
        %cond3A_350 = arith.constant 0 : i32
        %cond3A_351 = arith.cmpi ne, %convert_element_type3A_349, %cond3A_350 : i32
        scf.if %cond3A_351 {
          %dma_wait3A = arith.constant 6 : i32
          %dma_wait3A_362 = arith.constant 6 : i32
          %dma_wait3A_363 = arith.constant 0 : i32
          %dma_wait3A_364 = arith.constant 0 : i32
          %dma_wait3A_365 = tpu.memref_slice %arg9[%dma_wait3A, %dma_wait3A_363, %dma_wait3A_364] : memref<8x16x512xf32, #tpu.memory_space<vmem>> -> memref<1x16x512xf32, #tpu.memory_space<vmem>>
          %dma_wait3A_366 = tpu.memref_squeeze %dma_wait3A_365 : memref<1x16x512xf32, #tpu.memory_space<vmem>> -> memref<16x512xf32, #tpu.memory_space<vmem>>
          %dma_wait3A_367 = arith.constant 0 : i32
          %dma_wait3A_368 = arith.constant 0 : i32
          %dma_wait3A_369 = tpu.memref_slice %arg5[%dma_wait3A_367, %dma_wait3A_368] : memref<100000x512xf32, #tpu.memory_space<hbm>> -> memref<100000x512xf32, #tpu.memory_space<hbm>>
          %dma_wait3A_370 = tpu.memref_slice %arg12[%dma_wait3A_362] : memref<8x!tpu.dma_semaphore, #tpu.memory_space<semaphore_mem>> -> memref<1x!tpu.dma_semaphore, #tpu.memory_space<semaphore_mem>>
          %dma_wait3A_371 = tpu.memref_squeeze %dma_wait3A_370 : memref<1x!tpu.dma_semaphore, #tpu.memory_space<semaphore_mem>> -> memref<!tpu.dma_semaphore, #tpu.memory_space<semaphore_mem>>
          tpu.wait_indirect_dma semaphore(%dma_wait3A_371 : memref<!tpu.dma_semaphore, #tpu.memory_space<semaphore_mem>>) src(%dma_wait3A_366 : memref<16x512xf32, #tpu.memory_space<vmem>>) dst(%dma_wait3A_369 : memref<100000x512xf32, #tpu.memory_space<hbm>>)
        } else {
        }
        %dma_start3A = arith.constant 6 : i32
        %dma_start3A_352 = arith.constant 6 : i32
        %dma_start3A_353 = arith.constant 0 : i32
        %dma_start3A_354 = arith.constant 0 : i32
        %dma_start3A_355 = tpu.memref_slice %arg9[%dma_start3A, %dma_start3A_353, %dma_start3A_354] : memref<8x16x512xf32, #tpu.memory_space<vmem>> -> memref<1x16x512xf32, #tpu.memory_space<vmem>>
        %dma_start3A_356 = tpu.memref_squeeze %dma_start3A_355 : memref<1x16x512xf32, #tpu.memory_space<vmem>> -> memref<16x512xf32, #tpu.memory_space<vmem>>
        %dma_start3A_357 = arith.constant 0 : i32
        %dma_start3A_358 = arith.constant 0 : i32
        %dma_start3A_359 = tpu.memref_slice %arg2[%dma_start3A_357, %dma_start3A_358] : memref<100000x512xf32, #tpu.memory_space<hbm>> -> memref<100000x512xf32, #tpu.memory_space<hbm>>
        %dma_start3A_360 = tpu.memref_slice %arg11[%dma_start3A_352] : memref<8x!tpu.dma_semaphore, #tpu.memory_space<semaphore_mem>> -> memref<1x!tpu.dma_semaphore, #tpu.memory_space<semaphore_mem>>
        %dma_start3A_361 = tpu.memref_squeeze %dma_start3A_360 : memref<1x!tpu.dma_semaphore, #tpu.memory_space<semaphore_mem>> -> memref<!tpu.dma_semaphore, #tpu.memory_space<semaphore_mem>>
        tpu.enqueue_indirect_dma source(%dma_start3A_359 : memref<100000x512xf32, #tpu.memory_space<hbm>>) target(%dma_start3A_356 : memref<16x512xf32, #tpu.memory_space<vmem>>) offsets(%get3A_347 : vector<16xi32>) semaphore(%dma_start3A_361 : memref<!tpu.dma_semaphore, #tpu.memory_space<semaphore_mem>>)
      } else {
      }
      %add3A_291 = arith.constant 7 : i32
      %add3A_292 = arith.addi %mul3A_249, %add3A_291 : i32
      %lt3A_293 = arith.cmpi slt, %add3A_292, %select_n3A_63 : i32
      %convert_element_type3A_294 = arith.extui %lt3A_293 : i1 to i32
      %cond3A_295 = arith.constant 0 : i32
      %cond3A_296 = arith.cmpi ne, %convert_element_type3A_294, %cond3A_295 : i32
      scf.if %cond3A_296 {
        %mul3A_345 = arith.constant 16 : i32
        %mul3A_346 = arith.muli %add3A_292, %mul3A_345 : i32
        %get3A = arith.index_cast %mul3A_346 : i32 to index
        %get3A_347 = tpu.vector_load %arg7[%get3A] {strides = array<i32>} : memref<3168xi32, #tpu.memory_space<vmem>>, vector<16xi32>,
        %ge3A = arith.constant 8 : i32
        %ge3A_348 = arith.cmpi sge, %add3A_292, %ge3A : i32
        %convert_element_type3A_349 = arith.extui %ge3A_348 : i1 to i32
        %cond3A_350 = arith.constant 0 : i32
        %cond3A_351 = arith.cmpi ne, %convert_element_type3A_349, %cond3A_350 : i32
        scf.if %cond3A_351 {
          %dma_wait3A = arith.constant 7 : i32
          %dma_wait3A_362 = arith.constant 7 : i32
          %dma_wait3A_363 = arith.constant 0 : i32
          %dma_wait3A_364 = arith.constant 0 : i32
          %dma_wait3A_365 = tpu.memref_slice %arg9[%dma_wait3A, %dma_wait3A_363, %dma_wait3A_364] : memref<8x16x512xf32, #tpu.memory_space<vmem>> -> memref<1x16x512xf32, #tpu.memory_space<vmem>>
          %dma_wait3A_366 = tpu.memref_squeeze %dma_wait3A_365 : memref<1x16x512xf32, #tpu.memory_space<vmem>> -> memref<16x512xf32, #tpu.memory_space<vmem>>
          %dma_wait3A_367 = arith.constant 0 : i32
          %dma_wait3A_368 = arith.constant 0 : i32
          %dma_wait3A_369 = tpu.memref_slice %arg5[%dma_wait3A_367, %dma_wait3A_368] : memref<100000x512xf32, #tpu.memory_space<hbm>> -> memref<100000x512xf32, #tpu.memory_space<hbm>>
          %dma_wait3A_370 = tpu.memref_slice %arg12[%dma_wait3A_362] : memref<8x!tpu.dma_semaphore, #tpu.memory_space<semaphore_mem>> -> memref<1x!tpu.dma_semaphore, #tpu.memory_space<semaphore_mem>>
          %dma_wait3A_371 = tpu.memref_squeeze %dma_wait3A_370 : memref<1x!tpu.dma_semaphore, #tpu.memory_space<semaphore_mem>> -> memref<!tpu.dma_semaphore, #tpu.memory_space<semaphore_mem>>
          tpu.wait_indirect_dma semaphore(%dma_wait3A_371 : memref<!tpu.dma_semaphore, #tpu.memory_space<semaphore_mem>>) src(%dma_wait3A_366 : memref<16x512xf32, #tpu.memory_space<vmem>>) dst(%dma_wait3A_369 : memref<100000x512xf32, #tpu.memory_space<hbm>>)
        } else {
        }
        %dma_start3A = arith.constant 7 : i32
        %dma_start3A_352 = arith.constant 7 : i32
        %dma_start3A_353 = arith.constant 0 : i32
        %dma_start3A_354 = arith.constant 0 : i32
        %dma_start3A_355 = tpu.memref_slice %arg9[%dma_start3A, %dma_start3A_353, %dma_start3A_354] : memref<8x16x512xf32, #tpu.memory_space<vmem>> -> memref<1x16x512xf32, #tpu.memory_space<vmem>>
        %dma_start3A_356 = tpu.memref_squeeze %dma_start3A_355 : memref<1x16x512xf32, #tpu.memory_space<vmem>> -> memref<16x512xf32, #tpu.memory_space<vmem>>
        %dma_start3A_357 = arith.constant 0 : i32
        %dma_start3A_358 = arith.constant 0 : i32
        %dma_start3A_359 = tpu.memref_slice %arg2[%dma_start3A_357, %dma_start3A_358] : memref<100000x512xf32, #tpu.memory_space<hbm>> -> memref<100000x512xf32, #tpu.memory_space<hbm>>
        %dma_start3A_360 = tpu.memref_slice %arg11[%dma_start3A_352] : memref<8x!tpu.dma_semaphore, #tpu.memory_space<semaphore_mem>> -> memref<1x!tpu.dma_semaphore, #tpu.memory_space<semaphore_mem>>
        %dma_start3A_361 = tpu.memref_squeeze %dma_start3A_360 : memref<1x!tpu.dma_semaphore, #tpu.memory_space<semaphore_mem>> -> memref<!tpu.dma_semaphore, #tpu.memory_space<semaphore_mem>>
        tpu.enqueue_indirect_dma source(%dma_start3A_359 : memref<100000x512xf32, #tpu.memory_space<hbm>>) target(%dma_start3A_356 : memref<16x512xf32, #tpu.memory_space<vmem>>) offsets(%get3A_347 : vector<16xi32>) semaphore(%dma_start3A_361 : memref<!tpu.dma_semaphore, #tpu.memory_space<semaphore_mem>>)
      } else {
      }
      %add3A_297 = arith.constant 0 : i32
      %add3A_298 = arith.addi %mul3A_249, %add3A_297 : i32
      %lt3A_299 = arith.cmpi slt, %add3A_298, %select_n3A_63 : i32
      %convert_element_type3A_300 = arith.extui %lt3A_299 : i1 to i32
      %cond3A_301 = arith.constant 0 : i32
      %cond3A_302 = arith.cmpi ne, %convert_element_type3A_300, %cond3A_301 : i32
      scf.if %cond3A_302 {
        %mul3A_345 = arith.constant 16 : i32
        %mul3A_346 = arith.muli %add3A_298, %mul3A_345 : i32
        %get3A = arith.index_cast %mul3A_346 : i32 to index
        %get3A_347 = tpu.vector_load %arg7[%get3A] {strides = array<i32>} : memref<3168xi32, #tpu.memory_space<vmem>>, vector<16xi32>,
        %dma_wait3A = arith.constant 0 : i32
        %dma_wait3A_348 = arith.constant 0 : i32
        %dma_wait3A_349 = arith.constant 0 : i32
        %dma_wait3A_350 = arith.constant 0 : i32
        %dma_wait3A_351 = tpu.memref_slice %arg9[%dma_wait3A, %dma_wait3A_349, %dma_wait3A_350] : memref<8x16x512xf32, #tpu.memory_space<vmem>> -> memref<1x16x512xf32, #tpu.memory_space<vmem>>
        %dma_wait3A_352 = tpu.memref_squeeze %dma_wait3A_351 : memref<1x16x512xf32, #tpu.memory_space<vmem>> -> memref<16x512xf32, #tpu.memory_space<vmem>>
        %dma_wait3A_353 = arith.constant 0 : i32
        %dma_wait3A_354 = arith.constant 0 : i32
        %dma_wait3A_355 = tpu.memref_slice %arg2[%dma_wait3A_353, %dma_wait3A_354] : memref<100000x512xf32, #tpu.memory_space<hbm>> -> memref<100000x512xf32, #tpu.memory_space<hbm>>
        %dma_wait3A_356 = tpu.memref_slice %arg11[%dma_wait3A_348] : memref<8x!tpu.dma_semaphore, #tpu.memory_space<semaphore_mem>> -> memref<1x!tpu.dma_semaphore, #tpu.memory_space<semaphore_mem>>
        %dma_wait3A_357 = tpu.memref_squeeze %dma_wait3A_356 : memref<1x!tpu.dma_semaphore, #tpu.memory_space<semaphore_mem>> -> memref<!tpu.dma_semaphore, #tpu.memory_space<semaphore_mem>>
        tpu.wait_indirect_dma semaphore(%dma_wait3A_357 : memref<!tpu.dma_semaphore, #tpu.memory_space<semaphore_mem>>) src(%dma_wait3A_355 : memref<100000x512xf32, #tpu.memory_space<hbm>>) dst(%dma_wait3A_352 : memref<16x512xf32, #tpu.memory_space<vmem>>)
        %dma_start3A = arith.constant 0 : i32
        %dma_start3A_358 = arith.constant 0 : i32
        %dma_start3A_359 = arith.constant 0 : i32
        %dma_start3A_360 = arith.constant 0 : i32
        %dma_start3A_361 = tpu.memref_slice %arg9[%dma_start3A, %dma_start3A_359, %dma_start3A_360] : memref<8x16x512xf32, #tpu.memory_space<vmem>> -> memref<1x16x512xf32, #tpu.memory_space<vmem>>
        %dma_start3A_362 = tpu.memref_squeeze %dma_start3A_361 : memref<1x16x512xf32, #tpu.memory_space<vmem>> -> memref<16x512xf32, #tpu.memory_space<vmem>>
        %dma_start3A_363 = arith.constant 0 : i32
        %dma_start3A_364 = arith.constant 0 : i32
        %dma_start3A_365 = tpu.memref_slice %arg5[%dma_start3A_363, %dma_start3A_364] : memref<100000x512xf32, #tpu.memory_space<hbm>> -> memref<100000x512xf32, #tpu.memory_space<hbm>>
        %dma_start3A_366 = tpu.memref_slice %arg12[%dma_start3A_358] : memref<8x!tpu.dma_semaphore, #tpu.memory_space<semaphore_mem>> -> memref<1x!tpu.dma_semaphore, #tpu.memory_space<semaphore_mem>>
        %dma_start3A_367 = tpu.memref_squeeze %dma_start3A_366 : memref<1x!tpu.dma_semaphore, #tpu.memory_space<semaphore_mem>> -> memref<!tpu.dma_semaphore, #tpu.memory_space<semaphore_mem>>
        tpu.enqueue_indirect_dma source(%dma_start3A_362 : memref<16x512xf32, #tpu.memory_space<vmem>>) target(%dma_start3A_365 : memref<100000x512xf32, #tpu.memory_space<hbm>>) offsets(%get3A_347 : vector<16xi32>) semaphore(%dma_start3A_367 : memref<!tpu.dma_semaphore, #tpu.memory_space<semaphore_mem>>)
      } else {
      }
      %add3A_303 = arith.constant 1 : i32
      %add3A_304 = arith.addi %mul3A_249, %add3A_303 : i32
      %lt3A_305 = arith.cmpi slt, %add3A_304, %select_n3A_63 : i32
      %convert_element_type3A_306 = arith.extui %lt3A_305 : i1 to i32
      %cond3A_307 = arith.constant 0 : i32
      %cond3A_308 = arith.cmpi ne, %convert_element_type3A_306, %cond3A_307 : i32
      scf.if %cond3A_308 {
        %mul3A_345 = arith.constant 16 : i32
        %mul3A_346 = arith.muli %add3A_304, %mul3A_345 : i32
        %get3A = arith.index_cast %mul3A_346 : i32 to index
        %get3A_347 = tpu.vector_load %arg7[%get3A] {strides = array<i32>} : memref<3168xi32, #tpu.memory_space<vmem>>, vector<16xi32>,
        %dma_wait3A = arith.constant 1 : i32
        %dma_wait3A_348 = arith.constant 1 : i32
        %dma_wait3A_349 = arith.constant 0 : i32
        %dma_wait3A_350 = arith.constant 0 : i32
        %dma_wait3A_351 = tpu.memref_slice %arg9[%dma_wait3A, %dma_wait3A_349, %dma_wait3A_350] : memref<8x16x512xf32, #tpu.memory_space<vmem>> -> memref<1x16x512xf32, #tpu.memory_space<vmem>>
        %dma_wait3A_352 = tpu.memref_squeeze %dma_wait3A_351 : memref<1x16x512xf32, #tpu.memory_space<vmem>> -> memref<16x512xf32, #tpu.memory_space<vmem>>
        %dma_wait3A_353 = arith.constant 0 : i32
        %dma_wait3A_354 = arith.constant 0 : i32
        %dma_wait3A_355 = tpu.memref_slice %arg2[%dma_wait3A_353, %dma_wait3A_354] : memref<100000x512xf32, #tpu.memory_space<hbm>> -> memref<100000x512xf32, #tpu.memory_space<hbm>>
        %dma_wait3A_356 = tpu.memref_slice %arg11[%dma_wait3A_348] : memref<8x!tpu.dma_semaphore, #tpu.memory_space<semaphore_mem>> -> memref<1x!tpu.dma_semaphore, #tpu.memory_space<semaphore_mem>>
        %dma_wait3A_357 = tpu.memref_squeeze %dma_wait3A_356 : memref<1x!tpu.dma_semaphore, #tpu.memory_space<semaphore_mem>> -> memref<!tpu.dma_semaphore, #tpu.memory_space<semaphore_mem>>
        tpu.wait_indirect_dma semaphore(%dma_wait3A_357 : memref<!tpu.dma_semaphore, #tpu.memory_space<semaphore_mem>>) src(%dma_wait3A_355 : memref<100000x512xf32, #tpu.memory_space<hbm>>) dst(%dma_wait3A_352 : memref<16x512xf32, #tpu.memory_space<vmem>>)
        %dma_start3A = arith.constant 1 : i32
        %dma_start3A_358 = arith.constant 1 : i32
        %dma_start3A_359 = arith.constant 0 : i32
        %dma_start3A_360 = arith.constant 0 : i32
        %dma_start3A_361 = tpu.memref_slice %arg9[%dma_start3A, %dma_start3A_359, %dma_start3A_360] : memref<8x16x512xf32, #tpu.memory_space<vmem>> -> memref<1x16x512xf32, #tpu.memory_space<vmem>>
        %dma_start3A_362 = tpu.memref_squeeze %dma_start3A_361 : memref<1x16x512xf32, #tpu.memory_space<vmem>> -> memref<16x512xf32, #tpu.memory_space<vmem>>
        %dma_start3A_363 = arith.constant 0 : i32
        %dma_start3A_364 = arith.constant 0 : i32
        %dma_start3A_365 = tpu.memref_slice %arg5[%dma_start3A_363, %dma_start3A_364] : memref<100000x512xf32, #tpu.memory_space<hbm>> -> memref<100000x512xf32, #tpu.memory_space<hbm>>
        %dma_start3A_366 = tpu.memref_slice %arg12[%dma_start3A_358] : memref<8x!tpu.dma_semaphore, #tpu.memory_space<semaphore_mem>> -> memref<1x!tpu.dma_semaphore, #tpu.memory_space<semaphore_mem>>
        %dma_start3A_367 = tpu.memref_squeeze %dma_start3A_366 : memref<1x!tpu.dma_semaphore, #tpu.memory_space<semaphore_mem>> -> memref<!tpu.dma_semaphore, #tpu.memory_space<semaphore_mem>>
        tpu.enqueue_indirect_dma source(%dma_start3A_362 : memref<16x512xf32, #tpu.memory_space<vmem>>) target(%dma_start3A_365 : memref<100000x512xf32, #tpu.memory_space<hbm>>) offsets(%get3A_347 : vector<16xi32>) semaphore(%dma_start3A_367 : memref<!tpu.dma_semaphore, #tpu.memory_space<semaphore_mem>>)
      } else {
      }
      %add3A_309 = arith.constant 2 : i32
      %add3A_310 = arith.addi %mul3A_249, %add3A_309 : i32
      %lt3A_311 = arith.cmpi slt, %add3A_310, %select_n3A_63 : i32
      %convert_element_type3A_312 = arith.extui %lt3A_311 : i1 to i32
      %cond3A_313 = arith.constant 0 : i32
      %cond3A_314 = arith.cmpi ne, %convert_element_type3A_312, %cond3A_313 : i32
      scf.if %cond3A_314 {
        %mul3A_345 = arith.constant 16 : i32
        %mul3A_346 = arith.muli %add3A_310, %mul3A_345 : i32
        %get3A = arith.index_cast %mul3A_346 : i32 to index
        %get3A_347 = tpu.vector_load %arg7[%get3A] {strides = array<i32>} : memref<3168xi32, #tpu.memory_space<vmem>>, vector<16xi32>,
        %dma_wait3A = arith.constant 2 : i32
        %dma_wait3A_348 = arith.constant 2 : i32
        %dma_wait3A_349 = arith.constant 0 : i32
        %dma_wait3A_350 = arith.constant 0 : i32
        %dma_wait3A_351 = tpu.memref_slice %arg9[%dma_wait3A, %dma_wait3A_349, %dma_wait3A_350] : memref<8x16x512xf32, #tpu.memory_space<vmem>> -> memref<1x16x512xf32, #tpu.memory_space<vmem>>
        %dma_wait3A_352 = tpu.memref_squeeze %dma_wait3A_351 : memref<1x16x512xf32, #tpu.memory_space<vmem>> -> memref<16x512xf32, #tpu.memory_space<vmem>>
        %dma_wait3A_353 = arith.constant 0 : i32
        %dma_wait3A_354 = arith.constant 0 : i32
        %dma_wait3A_355 = tpu.memref_slice %arg2[%dma_wait3A_353, %dma_wait3A_354] : memref<100000x512xf32, #tpu.memory_space<hbm>> -> memref<100000x512xf32, #tpu.memory_space<hbm>>
        %dma_wait3A_356 = tpu.memref_slice %arg11[%dma_wait3A_348] : memref<8x!tpu.dma_semaphore, #tpu.memory_space<semaphore_mem>> -> memref<1x!tpu.dma_semaphore, #tpu.memory_space<semaphore_mem>>
        %dma_wait3A_357 = tpu.memref_squeeze %dma_wait3A_356 : memref<1x!tpu.dma_semaphore, #tpu.memory_space<semaphore_mem>> -> memref<!tpu.dma_semaphore, #tpu.memory_space<semaphore_mem>>
        tpu.wait_indirect_dma semaphore(%dma_wait3A_357 : memref<!tpu.dma_semaphore, #tpu.memory_space<semaphore_mem>>) src(%dma_wait3A_355 : memref<100000x512xf32, #tpu.memory_space<hbm>>) dst(%dma_wait3A_352 : memref<16x512xf32, #tpu.memory_space<vmem>>)
        %dma_start3A = arith.constant 2 : i32
        %dma_start3A_358 = arith.constant 2 : i32
        %dma_start3A_359 = arith.constant 0 : i32
        %dma_start3A_360 = arith.constant 0 : i32
        %dma_start3A_361 = tpu.memref_slice %arg9[%dma_start3A, %dma_start3A_359, %dma_start3A_360] : memref<8x16x512xf32, #tpu.memory_space<vmem>> -> memref<1x16x512xf32, #tpu.memory_space<vmem>>
        %dma_start3A_362 = tpu.memref_squeeze %dma_start3A_361 : memref<1x16x512xf32, #tpu.memory_space<vmem>> -> memref<16x512xf32, #tpu.memory_space<vmem>>
        %dma_start3A_363 = arith.constant 0 : i32
        %dma_start3A_364 = arith.constant 0 : i32
        %dma_start3A_365 = tpu.memref_slice %arg5[%dma_start3A_363, %dma_start3A_364] : memref<100000x512xf32, #tpu.memory_space<hbm>> -> memref<100000x512xf32, #tpu.memory_space<hbm>>
        %dma_start3A_366 = tpu.memref_slice %arg12[%dma_start3A_358] : memref<8x!tpu.dma_semaphore, #tpu.memory_space<semaphore_mem>> -> memref<1x!tpu.dma_semaphore, #tpu.memory_space<semaphore_mem>>
        %dma_start3A_367 = tpu.memref_squeeze %dma_start3A_366 : memref<1x!tpu.dma_semaphore, #tpu.memory_space<semaphore_mem>> -> memref<!tpu.dma_semaphore, #tpu.memory_space<semaphore_mem>>
        tpu.enqueue_indirect_dma source(%dma_start3A_362 : memref<16x512xf32, #tpu.memory_space<vmem>>) target(%dma_start3A_365 : memref<100000x512xf32, #tpu.memory_space<hbm>>) offsets(%get3A_347 : vector<16xi32>) semaphore(%dma_start3A_367 : memref<!tpu.dma_semaphore, #tpu.memory_space<semaphore_mem>>)
      } else {
      }
      %add3A_315 = arith.constant 3 : i32
      %add3A_316 = arith.addi %mul3A_249, %add3A_315 : i32
      %lt3A_317 = arith.cmpi slt, %add3A_316, %select_n3A_63 : i32
      %convert_element_type3A_318 = arith.extui %lt3A_317 : i1 to i32
      %cond3A_319 = arith.constant 0 : i32
      %cond3A_320 = arith.cmpi ne, %convert_element_type3A_318, %cond3A_319 : i32
      scf.if %cond3A_320 {
        %mul3A_345 = arith.constant 16 : i32
        %mul3A_346 = arith.muli %add3A_316, %mul3A_345 : i32
        %get3A = arith.index_cast %mul3A_346 : i32 to index
        %get3A_347 = tpu.vector_load %arg7[%get3A] {strides = array<i32>} : memref<3168xi32, #tpu.memory_space<vmem>>, vector<16xi32>,
        %dma_wait3A = arith.constant 3 : i32
        %dma_wait3A_348 = arith.constant 3 : i32
        %dma_wait3A_349 = arith.constant 0 : i32
        %dma_wait3A_350 = arith.constant 0 : i32
        %dma_wait3A_351 = tpu.memref_slice %arg9[%dma_wait3A, %dma_wait3A_349, %dma_wait3A_350] : memref<8x16x512xf32, #tpu.memory_space<vmem>> -> memref<1x16x512xf32, #tpu.memory_space<vmem>>
        %dma_wait3A_352 = tpu.memref_squeeze %dma_wait3A_351 : memref<1x16x512xf32, #tpu.memory_space<vmem>> -> memref<16x512xf32, #tpu.memory_space<vmem>>
        %dma_wait3A_353 = arith.constant 0 : i32
        %dma_wait3A_354 = arith.constant 0 : i32
        %dma_wait3A_355 = tpu.memref_slice %arg2[%dma_wait3A_353, %dma_wait3A_354] : memref<100000x512xf32, #tpu.memory_space<hbm>> -> memref<100000x512xf32, #tpu.memory_space<hbm>>
        %dma_wait3A_356 = tpu.memref_slice %arg11[%dma_wait3A_348] : memref<8x!tpu.dma_semaphore, #tpu.memory_space<semaphore_mem>> -> memref<1x!tpu.dma_semaphore, #tpu.memory_space<semaphore_mem>>
        %dma_wait3A_357 = tpu.memref_squeeze %dma_wait3A_356 : memref<1x!tpu.dma_semaphore, #tpu.memory_space<semaphore_mem>> -> memref<!tpu.dma_semaphore, #tpu.memory_space<semaphore_mem>>
        tpu.wait_indirect_dma semaphore(%dma_wait3A_357 : memref<!tpu.dma_semaphore, #tpu.memory_space<semaphore_mem>>) src(%dma_wait3A_355 : memref<100000x512xf32, #tpu.memory_space<hbm>>) dst(%dma_wait3A_352 : memref<16x512xf32, #tpu.memory_space<vmem>>)
        %dma_start3A = arith.constant 3 : i32
        %dma_start3A_358 = arith.constant 3 : i32
        %dma_start3A_359 = arith.constant 0 : i32
        %dma_start3A_360 = arith.constant 0 : i32
        %dma_start3A_361 = tpu.memref_slice %arg9[%dma_start3A, %dma_start3A_359, %dma_start3A_360] : memref<8x16x512xf32, #tpu.memory_space<vmem>> -> memref<1x16x512xf32, #tpu.memory_space<vmem>>
        %dma_start3A_362 = tpu.memref_squeeze %dma_start3A_361 : memref<1x16x512xf32, #tpu.memory_space<vmem>> -> memref<16x512xf32, #tpu.memory_space<vmem>>
        %dma_start3A_363 = arith.constant 0 : i32
        %dma_start3A_364 = arith.constant 0 : i32
        %dma_start3A_365 = tpu.memref_slice %arg5[%dma_start3A_363, %dma_start3A_364] : memref<100000x512xf32, #tpu.memory_space<hbm>> -> memref<100000x512xf32, #tpu.memory_space<hbm>>
        %dma_start3A_366 = tpu.memref_slice %arg12[%dma_start3A_358] : memref<8x!tpu.dma_semaphore, #tpu.memory_space<semaphore_mem>> -> memref<1x!tpu.dma_semaphore, #tpu.memory_space<semaphore_mem>>
        %dma_start3A_367 = tpu.memref_squeeze %dma_start3A_366 : memref<1x!tpu.dma_semaphore, #tpu.memory_space<semaphore_mem>> -> memref<!tpu.dma_semaphore, #tpu.memory_space<semaphore_mem>>
        tpu.enqueue_indirect_dma source(%dma_start3A_362 : memref<16x512xf32, #tpu.memory_space<vmem>>) target(%dma_start3A_365 : memref<100000x512xf32, #tpu.memory_space<hbm>>) offsets(%get3A_347 : vector<16xi32>) semaphore(%dma_start3A_367 : memref<!tpu.dma_semaphore, #tpu.memory_space<semaphore_mem>>)
      } else {
      }
      %add3A_321 = arith.constant 4 : i32
      %add3A_322 = arith.addi %mul3A_249, %add3A_321 : i32
      %lt3A_323 = arith.cmpi slt, %add3A_322, %select_n3A_63 : i32
      %convert_element_type3A_324 = arith.extui %lt3A_323 : i1 to i32
      %cond3A_325 = arith.constant 0 : i32
      %cond3A_326 = arith.cmpi ne, %convert_element_type3A_324, %cond3A_325 : i32
      scf.if %cond3A_326 {
        %mul3A_345 = arith.constant 16 : i32
        %mul3A_346 = arith.muli %add3A_322, %mul3A_345 : i32
        %get3A = arith.index_cast %mul3A_346 : i32 to index
        %get3A_347 = tpu.vector_load %arg7[%get3A] {strides = array<i32>} : memref<3168xi32, #tpu.memory_space<vmem>>, vector<16xi32>,
        %dma_wait3A = arith.constant 4 : i32
        %dma_wait3A_348 = arith.constant 4 : i32
        %dma_wait3A_349 = arith.constant 0 : i32
        %dma_wait3A_350 = arith.constant 0 : i32
        %dma_wait3A_351 = tpu.memref_slice %arg9[%dma_wait3A, %dma_wait3A_349, %dma_wait3A_350] : memref<8x16x512xf32, #tpu.memory_space<vmem>> -> memref<1x16x512xf32, #tpu.memory_space<vmem>>
        %dma_wait3A_352 = tpu.memref_squeeze %dma_wait3A_351 : memref<1x16x512xf32, #tpu.memory_space<vmem>> -> memref<16x512xf32, #tpu.memory_space<vmem>>
        %dma_wait3A_353 = arith.constant 0 : i32
        %dma_wait3A_354 = arith.constant 0 : i32
        %dma_wait3A_355 = tpu.memref_slice %arg2[%dma_wait3A_353, %dma_wait3A_354] : memref<100000x512xf32, #tpu.memory_space<hbm>> -> memref<100000x512xf32, #tpu.memory_space<hbm>>
        %dma_wait3A_356 = tpu.memref_slice %arg11[%dma_wait3A_348] : memref<8x!tpu.dma_semaphore, #tpu.memory_space<semaphore_mem>> -> memref<1x!tpu.dma_semaphore, #tpu.memory_space<semaphore_mem>>
        %dma_wait3A_357 = tpu.memref_squeeze %dma_wait3A_356 : memref<1x!tpu.dma_semaphore, #tpu.memory_space<semaphore_mem>> -> memref<!tpu.dma_semaphore, #tpu.memory_space<semaphore_mem>>
        tpu.wait_indirect_dma semaphore(%dma_wait3A_357 : memref<!tpu.dma_semaphore, #tpu.memory_space<semaphore_mem>>) src(%dma_wait3A_355 : memref<100000x512xf32, #tpu.memory_space<hbm>>) dst(%dma_wait3A_352 : memref<16x512xf32, #tpu.memory_space<vmem>>)
        %dma_start3A = arith.constant 4 : i32
        %dma_start3A_358 = arith.constant 4 : i32
        %dma_start3A_359 = arith.constant 0 : i32
        %dma_start3A_360 = arith.constant 0 : i32
        %dma_start3A_361 = tpu.memref_slice %arg9[%dma_start3A, %dma_start3A_359, %dma_start3A_360] : memref<8x16x512xf32, #tpu.memory_space<vmem>> -> memref<1x16x512xf32, #tpu.memory_space<vmem>>
        %dma_start3A_362 = tpu.memref_squeeze %dma_start3A_361 : memref<1x16x512xf32, #tpu.memory_space<vmem>> -> memref<16x512xf32, #tpu.memory_space<vmem>>
        %dma_start3A_363 = arith.constant 0 : i32
        %dma_start3A_364 = arith.constant 0 : i32
        %dma_start3A_365 = tpu.memref_slice %arg5[%dma_start3A_363, %dma_start3A_364] : memref<100000x512xf32, #tpu.memory_space<hbm>> -> memref<100000x512xf32, #tpu.memory_space<hbm>>
        %dma_start3A_366 = tpu.memref_slice %arg12[%dma_start3A_358] : memref<8x!tpu.dma_semaphore, #tpu.memory_space<semaphore_mem>> -> memref<1x!tpu.dma_semaphore, #tpu.memory_space<semaphore_mem>>
        %dma_start3A_367 = tpu.memref_squeeze %dma_start3A_366 : memref<1x!tpu.dma_semaphore, #tpu.memory_space<semaphore_mem>> -> memref<!tpu.dma_semaphore, #tpu.memory_space<semaphore_mem>>
        tpu.enqueue_indirect_dma source(%dma_start3A_362 : memref<16x512xf32, #tpu.memory_space<vmem>>) target(%dma_start3A_365 : memref<100000x512xf32, #tpu.memory_space<hbm>>) offsets(%get3A_347 : vector<16xi32>) semaphore(%dma_start3A_367 : memref<!tpu.dma_semaphore, #tpu.memory_space<semaphore_mem>>)
      } else {
      }
      %add3A_327 = arith.constant 5 : i32
      %add3A_328 = arith.addi %mul3A_249, %add3A_327 : i32
      %lt3A_329 = arith.cmpi slt, %add3A_328, %select_n3A_63 : i32
      %convert_element_type3A_330 = arith.extui %lt3A_329 : i1 to i32
      %cond3A_331 = arith.constant 0 : i32
      %cond3A_332 = arith.cmpi ne, %convert_element_type3A_330, %cond3A_331 : i32
      scf.if %cond3A_332 {
        %mul3A_345 = arith.constant 16 : i32
        %mul3A_346 = arith.muli %add3A_328, %mul3A_345 : i32
        %get3A = arith.index_cast %mul3A_346 : i32 to index
        %get3A_347 = tpu.vector_load %arg7[%get3A] {strides = array<i32>} : memref<3168xi32, #tpu.memory_space<vmem>>, vector<16xi32>,
        %dma_wait3A = arith.constant 5 : i32
        %dma_wait3A_348 = arith.constant 5 : i32
        %dma_wait3A_349 = arith.constant 0 : i32
        %dma_wait3A_350 = arith.constant 0 : i32
        %dma_wait3A_351 = tpu.memref_slice %arg9[%dma_wait3A, %dma_wait3A_349, %dma_wait3A_350] : memref<8x16x512xf32, #tpu.memory_space<vmem>> -> memref<1x16x512xf32, #tpu.memory_space<vmem>>
        %dma_wait3A_352 = tpu.memref_squeeze %dma_wait3A_351 : memref<1x16x512xf32, #tpu.memory_space<vmem>> -> memref<16x512xf32, #tpu.memory_space<vmem>>
        %dma_wait3A_353 = arith.constant 0 : i32
        %dma_wait3A_354 = arith.constant 0 : i32
        %dma_wait3A_355 = tpu.memref_slice %arg2[%dma_wait3A_353, %dma_wait3A_354] : memref<100000x512xf32, #tpu.memory_space<hbm>> -> memref<100000x512xf32, #tpu.memory_space<hbm>>
        %dma_wait3A_356 = tpu.memref_slice %arg11[%dma_wait3A_348] : memref<8x!tpu.dma_semaphore, #tpu.memory_space<semaphore_mem>> -> memref<1x!tpu.dma_semaphore, #tpu.memory_space<semaphore_mem>>
        %dma_wait3A_357 = tpu.memref_squeeze %dma_wait3A_356 : memref<1x!tpu.dma_semaphore, #tpu.memory_space<semaphore_mem>> -> memref<!tpu.dma_semaphore, #tpu.memory_space<semaphore_mem>>
        tpu.wait_indirect_dma semaphore(%dma_wait3A_357 : memref<!tpu.dma_semaphore, #tpu.memory_space<semaphore_mem>>) src(%dma_wait3A_355 : memref<100000x512xf32, #tpu.memory_space<hbm>>) dst(%dma_wait3A_352 : memref<16x512xf32, #tpu.memory_space<vmem>>)
        %dma_start3A = arith.constant 5 : i32
        %dma_start3A_358 = arith.constant 5 : i32
        %dma_start3A_359 = arith.constant 0 : i32
        %dma_start3A_360 = arith.constant 0 : i32
        %dma_start3A_361 = tpu.memref_slice %arg9[%dma_start3A, %dma_start3A_359, %dma_start3A_360] : memref<8x16x512xf32, #tpu.memory_space<vmem>> -> memref<1x16x512xf32, #tpu.memory_space<vmem>>
        %dma_start3A_362 = tpu.memref_squeeze %dma_start3A_361 : memref<1x16x512xf32, #tpu.memory_space<vmem>> -> memref<16x512xf32, #tpu.memory_space<vmem>>
        %dma_start3A_363 = arith.constant 0 : i32
        %dma_start3A_364 = arith.constant 0 : i32
        %dma_start3A_365 = tpu.memref_slice %arg5[%dma_start3A_363, %dma_start3A_364] : memref<100000x512xf32, #tpu.memory_space<hbm>> -> memref<100000x512xf32, #tpu.memory_space<hbm>>
        %dma_start3A_366 = tpu.memref_slice %arg12[%dma_start3A_358] : memref<8x!tpu.dma_semaphore, #tpu.memory_space<semaphore_mem>> -> memref<1x!tpu.dma_semaphore, #tpu.memory_space<semaphore_mem>>
        %dma_start3A_367 = tpu.memref_squeeze %dma_start3A_366 : memref<1x!tpu.dma_semaphore, #tpu.memory_space<semaphore_mem>> -> memref<!tpu.dma_semaphore, #tpu.memory_space<semaphore_mem>>
        tpu.enqueue_indirect_dma source(%dma_start3A_362 : memref<16x512xf32, #tpu.memory_space<vmem>>) target(%dma_start3A_365 : memref<100000x512xf32, #tpu.memory_space<hbm>>) offsets(%get3A_347 : vector<16xi32>) semaphore(%dma_start3A_367 : memref<!tpu.dma_semaphore, #tpu.memory_space<semaphore_mem>>)
      } else {
      }
      %add3A_333 = arith.constant 6 : i32
      %add3A_334 = arith.addi %mul3A_249, %add3A_333 : i32
      %lt3A_335 = arith.cmpi slt, %add3A_334, %select_n3A_63 : i32
      %convert_element_type3A_336 = arith.extui %lt3A_335 : i1 to i32
      %cond3A_337 = arith.constant 0 : i32
      %cond3A_338 = arith.cmpi ne, %convert_element_type3A_336, %cond3A_337 : i32
      scf.if %cond3A_338 {
        %mul3A_345 = arith.constant 16 : i32
        %mul3A_346 = arith.muli %add3A_334, %mul3A_345 : i32
        %get3A = arith.index_cast %mul3A_346 : i32 to index
        %get3A_347 = tpu.vector_load %arg7[%get3A] {strides = array<i32>} : memref<3168xi32, #tpu.memory_space<vmem>>, vector<16xi32>,
        %dma_wait3A = arith.constant 6 : i32
        %dma_wait3A_348 = arith.constant 6 : i32
        %dma_wait3A_349 = arith.constant 0 : i32
        %dma_wait3A_350 = arith.constant 0 : i32
        %dma_wait3A_351 = tpu.memref_slice %arg9[%dma_wait3A, %dma_wait3A_349, %dma_wait3A_350] : memref<8x16x512xf32, #tpu.memory_space<vmem>> -> memref<1x16x512xf32, #tpu.memory_space<vmem>>
        %dma_wait3A_352 = tpu.memref_squeeze %dma_wait3A_351 : memref<1x16x512xf32, #tpu.memory_space<vmem>> -> memref<16x512xf32, #tpu.memory_space<vmem>>
        %dma_wait3A_353 = arith.constant 0 : i32
        %dma_wait3A_354 = arith.constant 0 : i32
        %dma_wait3A_355 = tpu.memref_slice %arg2[%dma_wait3A_353, %dma_wait3A_354] : memref<100000x512xf32, #tpu.memory_space<hbm>> -> memref<100000x512xf32, #tpu.memory_space<hbm>>
        %dma_wait3A_356 = tpu.memref_slice %arg11[%dma_wait3A_348] : memref<8x!tpu.dma_semaphore, #tpu.memory_space<semaphore_mem>> -> memref<1x!tpu.dma_semaphore, #tpu.memory_space<semaphore_mem>>
        %dma_wait3A_357 = tpu.memref_squeeze %dma_wait3A_356 : memref<1x!tpu.dma_semaphore, #tpu.memory_space<semaphore_mem>> -> memref<!tpu.dma_semaphore, #tpu.memory_space<semaphore_mem>>
        tpu.wait_indirect_dma semaphore(%dma_wait3A_357 : memref<!tpu.dma_semaphore, #tpu.memory_space<semaphore_mem>>) src(%dma_wait3A_355 : memref<100000x512xf32, #tpu.memory_space<hbm>>) dst(%dma_wait3A_352 : memref<16x512xf32, #tpu.memory_space<vmem>>)
        %dma_start3A = arith.constant 6 : i32
        %dma_start3A_358 = arith.constant 6 : i32
        %dma_start3A_359 = arith.constant 0 : i32
        %dma_start3A_360 = arith.constant 0 : i32
        %dma_start3A_361 = tpu.memref_slice %arg9[%dma_start3A, %dma_start3A_359, %dma_start3A_360] : memref<8x16x512xf32, #tpu.memory_space<vmem>> -> memref<1x16x512xf32, #tpu.memory_space<vmem>>
        %dma_start3A_362 = tpu.memref_squeeze %dma_start3A_361 : memref<1x16x512xf32, #tpu.memory_space<vmem>> -> memref<16x512xf32, #tpu.memory_space<vmem>>
        %dma_start3A_363 = arith.constant 0 : i32
        %dma_start3A_364 = arith.constant 0 : i32
        %dma_start3A_365 = tpu.memref_slice %arg5[%dma_start3A_363, %dma_start3A_364] : memref<100000x512xf32, #tpu.memory_space<hbm>> -> memref<100000x512xf32, #tpu.memory_space<hbm>>
        %dma_start3A_366 = tpu.memref_slice %arg12[%dma_start3A_358] : memref<8x!tpu.dma_semaphore, #tpu.memory_space<semaphore_mem>> -> memref<1x!tpu.dma_semaphore, #tpu.memory_space<semaphore_mem>>
        %dma_start3A_367 = tpu.memref_squeeze %dma_start3A_366 : memref<1x!tpu.dma_semaphore, #tpu.memory_space<semaphore_mem>> -> memref<!tpu.dma_semaphore, #tpu.memory_space<semaphore_mem>>
        tpu.enqueue_indirect_dma source(%dma_start3A_362 : memref<16x512xf32, #tpu.memory_space<vmem>>) target(%dma_start3A_365 : memref<100000x512xf32, #tpu.memory_space<hbm>>) offsets(%get3A_347 : vector<16xi32>) semaphore(%dma_start3A_367 : memref<!tpu.dma_semaphore, #tpu.memory_space<semaphore_mem>>)
      } else {
      }
      %add3A_339 = arith.constant 7 : i32
      %add3A_340 = arith.addi %mul3A_249, %add3A_339 : i32
      %lt3A_341 = arith.cmpi slt, %add3A_340, %select_n3A_63 : i32
      %convert_element_type3A_342 = arith.extui %lt3A_341 : i1 to i32
      %cond3A_343 = arith.constant 0 : i32
      %cond3A_344 = arith.cmpi ne, %convert_element_type3A_342, %cond3A_343 : i32
      scf.if %cond3A_344 {
        %mul3A_345 = arith.constant 16 : i32
        %mul3A_346 = arith.muli %add3A_340, %mul3A_345 : i32
        %get3A = arith.index_cast %mul3A_346 : i32 to index
        %get3A_347 = tpu.vector_load %arg7[%get3A] {strides = array<i32>} : memref<3168xi32, #tpu.memory_space<vmem>>, vector<16xi32>,
        %dma_wait3A = arith.constant 7 : i32
        %dma_wait3A_348 = arith.constant 7 : i32
        %dma_wait3A_349 = arith.constant 0 : i32
        %dma_wait3A_350 = arith.constant 0 : i32
        %dma_wait3A_351 = tpu.memref_slice %arg9[%dma_wait3A, %dma_wait3A_349, %dma_wait3A_350] : memref<8x16x512xf32, #tpu.memory_space<vmem>> -> memref<1x16x512xf32, #tpu.memory_space<vmem>>
        %dma_wait3A_352 = tpu.memref_squeeze %dma_wait3A_351 : memref<1x16x512xf32, #tpu.memory_space<vmem>> -> memref<16x512xf32, #tpu.memory_space<vmem>>
        %dma_wait3A_353 = arith.constant 0 : i32
        %dma_wait3A_354 = arith.constant 0 : i32
        %dma_wait3A_355 = tpu.memref_slice %arg2[%dma_wait3A_353, %dma_wait3A_354] : memref<100000x512xf32, #tpu.memory_space<hbm>> -> memref<100000x512xf32, #tpu.memory_space<hbm>>
        %dma_wait3A_356 = tpu.memref_slice %arg11[%dma_wait3A_348] : memref<8x!tpu.dma_semaphore, #tpu.memory_space<semaphore_mem>> -> memref<1x!tpu.dma_semaphore, #tpu.memory_space<semaphore_mem>>
        %dma_wait3A_357 = tpu.memref_squeeze %dma_wait3A_356 : memref<1x!tpu.dma_semaphore, #tpu.memory_space<semaphore_mem>> -> memref<!tpu.dma_semaphore, #tpu.memory_space<semaphore_mem>>
        tpu.wait_indirect_dma semaphore(%dma_wait3A_357 : memref<!tpu.dma_semaphore, #tpu.memory_space<semaphore_mem>>) src(%dma_wait3A_355 : memref<100000x512xf32, #tpu.memory_space<hbm>>) dst(%dma_wait3A_352 : memref<16x512xf32, #tpu.memory_space<vmem>>)
        %dma_start3A = arith.constant 7 : i32
        %dma_start3A_358 = arith.constant 7 : i32
        %dma_start3A_359 = arith.constant 0 : i32
        %dma_start3A_360 = arith.constant 0 : i32
        %dma_start3A_361 = tpu.memref_slice %arg9[%dma_start3A, %dma_start3A_359, %dma_start3A_360] : memref<8x16x512xf32, #tpu.memory_space<vmem>> -> memref<1x16x512xf32, #tpu.memory_space<vmem>>
        %dma_start3A_362 = tpu.memref_squeeze %dma_start3A_361 : memref<1x16x512xf32, #tpu.memory_space<vmem>> -> memref<16x512xf32, #tpu.memory_space<vmem>>
        %dma_start3A_363 = arith.constant 0 : i32
        %dma_start3A_364 = arith.constant 0 : i32
        %dma_start3A_365 = tpu.memref_slice %arg5[%dma_start3A_363, %dma_start3A_364] : memref<100000x512xf32, #tpu.memory_space<hbm>> -> memref<100000x512xf32, #tpu.memory_space<hbm>>
        %dma_start3A_366 = tpu.memref_slice %arg12[%dma_start3A_358] : memref<8x!tpu.dma_semaphore, #tpu.memory_space<semaphore_mem>> -> memref<1x!tpu.dma_semaphore, #tpu.memory_space<semaphore_mem>>
        %dma_start3A_367 = tpu.memref_squeeze %dma_start3A_366 : memref<1x!tpu.dma_semaphore, #tpu.memory_space<semaphore_mem>> -> memref<!tpu.dma_semaphore, #tpu.memory_space<semaphore_mem>>
        tpu.enqueue_indirect_dma source(%dma_start3A_362 : memref<16x512xf32, #tpu.memory_space<vmem>>) target(%dma_start3A_365 : memref<100000x512xf32, #tpu.memory_space<hbm>>) offsets(%get3A_347 : vector<16xi32>) semaphore(%dma_start3A_367 : memref<!tpu.dma_semaphore, #tpu.memory_space<semaphore_mem>>)
      } else {
      }
    }
    %add3A_129 = arith.constant 8 : i32
    %add3A_130 = arith.addi %select_n3A_91, %add3A_129 : i32
    %sub3A_131 = arith.constant 1 : i32
    %sub3A_132 = arith.subi %add3A_130, %sub3A_131 : i32
    %jit3A_133 = arith.constant 8 : i32
    %div3A_134 = arith.divsi %sub3A_132, %jit3A_133 : i32
    %sign3A_135 = arith.constant 0 : i32
    %sign3A_136 = arith.cmpi sgt, %sub3A_132, %sign3A_135 : i32
    %sign3A_137 = arith.extui %sign3A_136 : i1 to i32
    %sign3A_138 = arith.constant 0 : i32
    %sign3A_139 = arith.cmpi slt, %sub3A_132, %sign3A_138 : i32
    %sign3A_140 = arith.extui %sign3A_139 : i1 to i32
    %sign3A_141 = arith.subi %sign3A_137, %sign3A_140 : i32
    %sign3A_142 = arith.constant 0 : i32
    %sign3A_143 = arith.cmpi sgt, %jit3A_133, %sign3A_142 : i32
    %sign3A_144 = arith.extui %sign3A_143 : i1 to i32
    %sign3A_145 = arith.constant 0 : i32
    %sign3A_146 = arith.cmpi slt, %jit3A_133, %sign3A_145 : i32
    %sign3A_147 = arith.extui %sign3A_146 : i1 to i32
    %sign3A_148 = arith.subi %sign3A_144, %sign3A_147 : i32
    %ne3A_149 = arith.cmpi ne, %sign3A_141, %sign3A_148 : i32
    %rem3A_150 = arith.remsi %sub3A_132, %jit3A_133 : i32
    %ne3A_151 = arith.constant 0 : i32
    %ne3A_152 = arith.cmpi ne, %rem3A_150, %ne3A_151 : i32
    %and3A_153 = arith.andi %ne3A_149, %ne3A_152 : i1
    %sub3A_154 = arith.constant 1 : i32
    %sub3A_155 = arith.subi %div3A_134, %sub3A_154 : i32
    %select_n3A_156 = arith.select %and3A_153, %sub3A_155, %div3A_134 : i32
    %while3A_157 = arith.constant 0 : i32
    %while3A_158 = arith.constant 0 : i32
    %while3A_159 = arith.subi %select_n3A_156, %while3A_158 : i32
    %while3A_160 = arith.addi %while3A_158, %while3A_159 : i32
    %while3A_161 = arith.constant 1 : i32
    %while3A_162 = arith.divsi %while3A_159, %while3A_161 : i32
    %while3A_163 = arith.muli %while3A_162, %while3A_161 : i32
    %while3A_164 = arith.addi %while3A_158, %while3A_163 : i32
    %while3A_165 = arith.constant 1 : i32
    scf.for %while3A_247 = %while3A_158 to %while3A_164 step %while3A_165  : i32 {
      %mul3A_248 = arith.constant 8 : i32
      %mul3A_249 = arith.muli %while3A_247, %mul3A_248 : i32
      %add3A_250 = arith.constant 0 : i32
      %add3A_251 = arith.addi %mul3A_249, %add3A_250 : i32
      %lt3A = arith.cmpi slt, %add3A_251, %select_n3A_91 : i32
      %convert_element_type3A_252 = arith.extui %lt3A : i1 to i32
      %cond3A_253 = arith.constant 0 : i32
      %cond3A_254 = arith.cmpi ne, %convert_element_type3A_252, %cond3A_253 : i32
      scf.if %cond3A_254 {
        %mul3A_297 = arith.constant 16 : i32
        %mul3A_298 = arith.muli %add3A_251, %mul3A_297 : i32
        %get3A = arith.index_cast %mul3A_298 : i32 to index
        %get3A_299 = tpu.vector_load %arg8[%get3A] {strides = array<i32>} : memref<3168xi32, #tpu.memory_space<vmem>>, vector<16xi32>,
        %ge3A = arith.constant 8 : i32
        %ge3A_300 = arith.cmpi sge, %add3A_251, %ge3A : i32
        %convert_element_type3A_301 = arith.extui %ge3A_300 : i1 to i32
        %cond3A_302 = arith.constant 0 : i32
        %cond3A_303 = arith.cmpi ne, %convert_element_type3A_301, %cond3A_302 : i32
        scf.if %cond3A_303 {
          %dma_wait3A = arith.constant 0 : i32
          %dma_wait3A_309 = arith.constant 0 : i32
          %dma_wait3A_310 = arith.constant 0 : i32
          %dma_wait3A_311 = tpu.memref_slice %arg5[%dma_wait3A_309, %dma_wait3A_310] : memref<100000x512xf32, #tpu.memory_space<hbm>> -> memref<100000x512xf32, #tpu.memory_space<hbm>>
          %dma_wait3A_312 = tpu.memref_slice %arg13[%dma_wait3A] : memref<8x!tpu.dma_semaphore, #tpu.memory_space<semaphore_mem>> -> memref<1x!tpu.dma_semaphore, #tpu.memory_space<semaphore_mem>>
          %dma_wait3A_313 = tpu.memref_squeeze %dma_wait3A_312 : memref<1x!tpu.dma_semaphore, #tpu.memory_space<semaphore_mem>> -> memref<!tpu.dma_semaphore, #tpu.memory_space<semaphore_mem>>
          tpu.wait_indirect_dma semaphore(%dma_wait3A_313 : memref<!tpu.dma_semaphore, #tpu.memory_space<semaphore_mem>>) src(%arg10 : memref<16x512xf32, #tpu.memory_space<vmem>>) dst(%dma_wait3A_311 : memref<100000x512xf32, #tpu.memory_space<hbm>>)
        } else {
        }
        %dma_start3A = arith.constant 0 : i32
        %dma_start3A_304 = arith.constant 0 : i32
        %dma_start3A_305 = arith.constant 0 : i32
        %dma_start3A_306 = tpu.memref_slice %arg5[%dma_start3A_304, %dma_start3A_305] : memref<100000x512xf32, #tpu.memory_space<hbm>> -> memref<100000x512xf32, #tpu.memory_space<hbm>>
        %dma_start3A_307 = tpu.memref_slice %arg13[%dma_start3A] : memref<8x!tpu.dma_semaphore, #tpu.memory_space<semaphore_mem>> -> memref<1x!tpu.dma_semaphore, #tpu.memory_space<semaphore_mem>>
        %dma_start3A_308 = tpu.memref_squeeze %dma_start3A_307 : memref<1x!tpu.dma_semaphore, #tpu.memory_space<semaphore_mem>> -> memref<!tpu.dma_semaphore, #tpu.memory_space<semaphore_mem>>
        tpu.enqueue_indirect_dma source(%arg10 : memref<16x512xf32, #tpu.memory_space<vmem>>) target(%dma_start3A_306 : memref<100000x512xf32, #tpu.memory_space<hbm>>) offsets(%get3A_299 : vector<16xi32>) semaphore(%dma_start3A_308 : memref<!tpu.dma_semaphore, #tpu.memory_space<semaphore_mem>>)
      } else {
      }
      %add3A_255 = arith.constant 1 : i32
      %add3A_256 = arith.addi %mul3A_249, %add3A_255 : i32
      %lt3A_257 = arith.cmpi slt, %add3A_256, %select_n3A_91 : i32
      %convert_element_type3A_258 = arith.extui %lt3A_257 : i1 to i32
      %cond3A_259 = arith.constant 0 : i32
      %cond3A_260 = arith.cmpi ne, %convert_element_type3A_258, %cond3A_259 : i32
      scf.if %cond3A_260 {
        %mul3A_297 = arith.constant 16 : i32
        %mul3A_298 = arith.muli %add3A_256, %mul3A_297 : i32
        %get3A = arith.index_cast %mul3A_298 : i32 to index
        %get3A_299 = tpu.vector_load %arg8[%get3A] {strides = array<i32>} : memref<3168xi32, #tpu.memory_space<vmem>>, vector<16xi32>,
        %ge3A = arith.constant 8 : i32
        %ge3A_300 = arith.cmpi sge, %add3A_256, %ge3A : i32
        %convert_element_type3A_301 = arith.extui %ge3A_300 : i1 to i32
        %cond3A_302 = arith.constant 0 : i32
        %cond3A_303 = arith.cmpi ne, %convert_element_type3A_301, %cond3A_302 : i32
        scf.if %cond3A_303 {
          %dma_wait3A = arith.constant 1 : i32
          %dma_wait3A_309 = arith.constant 0 : i32
          %dma_wait3A_310 = arith.constant 0 : i32
          %dma_wait3A_311 = tpu.memref_slice %arg5[%dma_wait3A_309, %dma_wait3A_310] : memref<100000x512xf32, #tpu.memory_space<hbm>> -> memref<100000x512xf32, #tpu.memory_space<hbm>>
          %dma_wait3A_312 = tpu.memref_slice %arg13[%dma_wait3A] : memref<8x!tpu.dma_semaphore, #tpu.memory_space<semaphore_mem>> -> memref<1x!tpu.dma_semaphore, #tpu.memory_space<semaphore_mem>>
          %dma_wait3A_313 = tpu.memref_squeeze %dma_wait3A_312 : memref<1x!tpu.dma_semaphore, #tpu.memory_space<semaphore_mem>> -> memref<!tpu.dma_semaphore, #tpu.memory_space<semaphore_mem>>
          tpu.wait_indirect_dma semaphore(%dma_wait3A_313 : memref<!tpu.dma_semaphore, #tpu.memory_space<semaphore_mem>>) src(%arg10 : memref<16x512xf32, #tpu.memory_space<vmem>>) dst(%dma_wait3A_311 : memref<100000x512xf32, #tpu.memory_space<hbm>>)
        } else {
        }
        %dma_start3A = arith.constant 1 : i32
        %dma_start3A_304 = arith.constant 0 : i32
        %dma_start3A_305 = arith.constant 0 : i32
        %dma_start3A_306 = tpu.memref_slice %arg5[%dma_start3A_304, %dma_start3A_305] : memref<100000x512xf32, #tpu.memory_space<hbm>> -> memref<100000x512xf32, #tpu.memory_space<hbm>>
        %dma_start3A_307 = tpu.memref_slice %arg13[%dma_start3A] : memref<8x!tpu.dma_semaphore, #tpu.memory_space<semaphore_mem>> -> memref<1x!tpu.dma_semaphore, #tpu.memory_space<semaphore_mem>>
        %dma_start3A_308 = tpu.memref_squeeze %dma_start3A_307 : memref<1x!tpu.dma_semaphore, #tpu.memory_space<semaphore_mem>> -> memref<!tpu.dma_semaphore, #tpu.memory_space<semaphore_mem>>
        tpu.enqueue_indirect_dma source(%arg10 : memref<16x512xf32, #tpu.memory_space<vmem>>) target(%dma_start3A_306 : memref<100000x512xf32, #tpu.memory_space<hbm>>) offsets(%get3A_299 : vector<16xi32>) semaphore(%dma_start3A_308 : memref<!tpu.dma_semaphore, #tpu.memory_space<semaphore_mem>>)
      } else {
      }
      %add3A_261 = arith.constant 2 : i32
      %add3A_262 = arith.addi %mul3A_249, %add3A_261 : i32
      %lt3A_263 = arith.cmpi slt, %add3A_262, %select_n3A_91 : i32
      %convert_element_type3A_264 = arith.extui %lt3A_263 : i1 to i32
      %cond3A_265 = arith.constant 0 : i32
      %cond3A_266 = arith.cmpi ne, %convert_element_type3A_264, %cond3A_265 : i32
      scf.if %cond3A_266 {
        %mul3A_297 = arith.constant 16 : i32
        %mul3A_298 = arith.muli %add3A_262, %mul3A_297 : i32
        %get3A = arith.index_cast %mul3A_298 : i32 to index
        %get3A_299 = tpu.vector_load %arg8[%get3A] {strides = array<i32>} : memref<3168xi32, #tpu.memory_space<vmem>>, vector<16xi32>,
        %ge3A = arith.constant 8 : i32
        %ge3A_300 = arith.cmpi sge, %add3A_262, %ge3A : i32
        %convert_element_type3A_301 = arith.extui %ge3A_300 : i1 to i32
        %cond3A_302 = arith.constant 0 : i32
        %cond3A_303 = arith.cmpi ne, %convert_element_type3A_301, %cond3A_302 : i32
        scf.if %cond3A_303 {
          %dma_wait3A = arith.constant 2 : i32
          %dma_wait3A_309 = arith.constant 0 : i32
          %dma_wait3A_310 = arith.constant 0 : i32
          %dma_wait3A_311 = tpu.memref_slice %arg5[%dma_wait3A_309, %dma_wait3A_310] : memref<100000x512xf32, #tpu.memory_space<hbm>> -> memref<100000x512xf32, #tpu.memory_space<hbm>>
          %dma_wait3A_312 = tpu.memref_slice %arg13[%dma_wait3A] : memref<8x!tpu.dma_semaphore, #tpu.memory_space<semaphore_mem>> -> memref<1x!tpu.dma_semaphore, #tpu.memory_space<semaphore_mem>>
          %dma_wait3A_313 = tpu.memref_squeeze %dma_wait3A_312 : memref<1x!tpu.dma_semaphore, #tpu.memory_space<semaphore_mem>> -> memref<!tpu.dma_semaphore, #tpu.memory_space<semaphore_mem>>
          tpu.wait_indirect_dma semaphore(%dma_wait3A_313 : memref<!tpu.dma_semaphore, #tpu.memory_space<semaphore_mem>>) src(%arg10 : memref<16x512xf32, #tpu.memory_space<vmem>>) dst(%dma_wait3A_311 : memref<100000x512xf32, #tpu.memory_space<hbm>>)
        } else {
        }
        %dma_start3A = arith.constant 2 : i32
        %dma_start3A_304 = arith.constant 0 : i32
        %dma_start3A_305 = arith.constant 0 : i32
        %dma_start3A_306 = tpu.memref_slice %arg5[%dma_start3A_304, %dma_start3A_305] : memref<100000x512xf32, #tpu.memory_space<hbm>> -> memref<100000x512xf32, #tpu.memory_space<hbm>>
        %dma_start3A_307 = tpu.memref_slice %arg13[%dma_start3A] : memref<8x!tpu.dma_semaphore, #tpu.memory_space<semaphore_mem>> -> memref<1x!tpu.dma_semaphore, #tpu.memory_space<semaphore_mem>>
        %dma_start3A_308 = tpu.memref_squeeze %dma_start3A_307 : memref<1x!tpu.dma_semaphore, #tpu.memory_space<semaphore_mem>> -> memref<!tpu.dma_semaphore, #tpu.memory_space<semaphore_mem>>
        tpu.enqueue_indirect_dma source(%arg10 : memref<16x512xf32, #tpu.memory_space<vmem>>) target(%dma_start3A_306 : memref<100000x512xf32, #tpu.memory_space<hbm>>) offsets(%get3A_299 : vector<16xi32>) semaphore(%dma_start3A_308 : memref<!tpu.dma_semaphore, #tpu.memory_space<semaphore_mem>>)
      } else {
      }
      %add3A_267 = arith.constant 3 : i32
      %add3A_268 = arith.addi %mul3A_249, %add3A_267 : i32
      %lt3A_269 = arith.cmpi slt, %add3A_268, %select_n3A_91 : i32
      %convert_element_type3A_270 = arith.extui %lt3A_269 : i1 to i32
      %cond3A_271 = arith.constant 0 : i32
      %cond3A_272 = arith.cmpi ne, %convert_element_type3A_270, %cond3A_271 : i32
      scf.if %cond3A_272 {
        %mul3A_297 = arith.constant 16 : i32
        %mul3A_298 = arith.muli %add3A_268, %mul3A_297 : i32
        %get3A = arith.index_cast %mul3A_298 : i32 to index
        %get3A_299 = tpu.vector_load %arg8[%get3A] {strides = array<i32>} : memref<3168xi32, #tpu.memory_space<vmem>>, vector<16xi32>,
        %ge3A = arith.constant 8 : i32
        %ge3A_300 = arith.cmpi sge, %add3A_268, %ge3A : i32
        %convert_element_type3A_301 = arith.extui %ge3A_300 : i1 to i32
        %cond3A_302 = arith.constant 0 : i32
        %cond3A_303 = arith.cmpi ne, %convert_element_type3A_301, %cond3A_302 : i32
        scf.if %cond3A_303 {
          %dma_wait3A = arith.constant 3 : i32
          %dma_wait3A_309 = arith.constant 0 : i32
          %dma_wait3A_310 = arith.constant 0 : i32
          %dma_wait3A_311 = tpu.memref_slice %arg5[%dma_wait3A_309, %dma_wait3A_310] : memref<100000x512xf32, #tpu.memory_space<hbm>> -> memref<100000x512xf32, #tpu.memory_space<hbm>>
          %dma_wait3A_312 = tpu.memref_slice %arg13[%dma_wait3A] : memref<8x!tpu.dma_semaphore, #tpu.memory_space<semaphore_mem>> -> memref<1x!tpu.dma_semaphore, #tpu.memory_space<semaphore_mem>>
          %dma_wait3A_313 = tpu.memref_squeeze %dma_wait3A_312 : memref<1x!tpu.dma_semaphore, #tpu.memory_space<semaphore_mem>> -> memref<!tpu.dma_semaphore, #tpu.memory_space<semaphore_mem>>
          tpu.wait_indirect_dma semaphore(%dma_wait3A_313 : memref<!tpu.dma_semaphore, #tpu.memory_space<semaphore_mem>>) src(%arg10 : memref<16x512xf32, #tpu.memory_space<vmem>>) dst(%dma_wait3A_311 : memref<100000x512xf32, #tpu.memory_space<hbm>>)
        } else {
        }
        %dma_start3A = arith.constant 3 : i32
        %dma_start3A_304 = arith.constant 0 : i32
        %dma_start3A_305 = arith.constant 0 : i32
        %dma_start3A_306 = tpu.memref_slice %arg5[%dma_start3A_304, %dma_start3A_305] : memref<100000x512xf32, #tpu.memory_space<hbm>> -> memref<100000x512xf32, #tpu.memory_space<hbm>>
        %dma_start3A_307 = tpu.memref_slice %arg13[%dma_start3A] : memref<8x!tpu.dma_semaphore, #tpu.memory_space<semaphore_mem>> -> memref<1x!tpu.dma_semaphore, #tpu.memory_space<semaphore_mem>>
        %dma_start3A_308 = tpu.memref_squeeze %dma_start3A_307 : memref<1x!tpu.dma_semaphore, #tpu.memory_space<semaphore_mem>> -> memref<!tpu.dma_semaphore, #tpu.memory_space<semaphore_mem>>
        tpu.enqueue_indirect_dma source(%arg10 : memref<16x512xf32, #tpu.memory_space<vmem>>) target(%dma_start3A_306 : memref<100000x512xf32, #tpu.memory_space<hbm>>) offsets(%get3A_299 : vector<16xi32>) semaphore(%dma_start3A_308 : memref<!tpu.dma_semaphore, #tpu.memory_space<semaphore_mem>>)
      } else {
      }
      %add3A_273 = arith.constant 4 : i32
      %add3A_274 = arith.addi %mul3A_249, %add3A_273 : i32
      %lt3A_275 = arith.cmpi slt, %add3A_274, %select_n3A_91 : i32
      %convert_element_type3A_276 = arith.extui %lt3A_275 : i1 to i32
      %cond3A_277 = arith.constant 0 : i32
      %cond3A_278 = arith.cmpi ne, %convert_element_type3A_276, %cond3A_277 : i32
      scf.if %cond3A_278 {
        %mul3A_297 = arith.constant 16 : i32
        %mul3A_298 = arith.muli %add3A_274, %mul3A_297 : i32
        %get3A = arith.index_cast %mul3A_298 : i32 to index
        %get3A_299 = tpu.vector_load %arg8[%get3A] {strides = array<i32>} : memref<3168xi32, #tpu.memory_space<vmem>>, vector<16xi32>,
        %ge3A = arith.constant 8 : i32
        %ge3A_300 = arith.cmpi sge, %add3A_274, %ge3A : i32
        %convert_element_type3A_301 = arith.extui %ge3A_300 : i1 to i32
        %cond3A_302 = arith.constant 0 : i32
        %cond3A_303 = arith.cmpi ne, %convert_element_type3A_301, %cond3A_302 : i32
        scf.if %cond3A_303 {
          %dma_wait3A = arith.constant 4 : i32
          %dma_wait3A_309 = arith.constant 0 : i32
          %dma_wait3A_310 = arith.constant 0 : i32
          %dma_wait3A_311 = tpu.memref_slice %arg5[%dma_wait3A_309, %dma_wait3A_310] : memref<100000x512xf32, #tpu.memory_space<hbm>> -> memref<100000x512xf32, #tpu.memory_space<hbm>>
          %dma_wait3A_312 = tpu.memref_slice %arg13[%dma_wait3A] : memref<8x!tpu.dma_semaphore, #tpu.memory_space<semaphore_mem>> -> memref<1x!tpu.dma_semaphore, #tpu.memory_space<semaphore_mem>>
          %dma_wait3A_313 = tpu.memref_squeeze %dma_wait3A_312 : memref<1x!tpu.dma_semaphore, #tpu.memory_space<semaphore_mem>> -> memref<!tpu.dma_semaphore, #tpu.memory_space<semaphore_mem>>
          tpu.wait_indirect_dma semaphore(%dma_wait3A_313 : memref<!tpu.dma_semaphore, #tpu.memory_space<semaphore_mem>>) src(%arg10 : memref<16x512xf32, #tpu.memory_space<vmem>>) dst(%dma_wait3A_311 : memref<100000x512xf32, #tpu.memory_space<hbm>>)
        } else {
        }
        %dma_start3A = arith.constant 4 : i32
        %dma_start3A_304 = arith.constant 0 : i32
        %dma_start3A_305 = arith.constant 0 : i32
        %dma_start3A_306 = tpu.memref_slice %arg5[%dma_start3A_304, %dma_start3A_305] : memref<100000x512xf32, #tpu.memory_space<hbm>> -> memref<100000x512xf32, #tpu.memory_space<hbm>>
        %dma_start3A_307 = tpu.memref_slice %arg13[%dma_start3A] : memref<8x!tpu.dma_semaphore, #tpu.memory_space<semaphore_mem>> -> memref<1x!tpu.dma_semaphore, #tpu.memory_space<semaphore_mem>>
        %dma_start3A_308 = tpu.memref_squeeze %dma_start3A_307 : memref<1x!tpu.dma_semaphore, #tpu.memory_space<semaphore_mem>> -> memref<!tpu.dma_semaphore, #tpu.memory_space<semaphore_mem>>
        tpu.enqueue_indirect_dma source(%arg10 : memref<16x512xf32, #tpu.memory_space<vmem>>) target(%dma_start3A_306 : memref<100000x512xf32, #tpu.memory_space<hbm>>) offsets(%get3A_299 : vector<16xi32>) semaphore(%dma_start3A_308 : memref<!tpu.dma_semaphore, #tpu.memory_space<semaphore_mem>>)
      } else {
      }
      %add3A_279 = arith.constant 5 : i32
      %add3A_280 = arith.addi %mul3A_249, %add3A_279 : i32
      %lt3A_281 = arith.cmpi slt, %add3A_280, %select_n3A_91 : i32
      %convert_element_type3A_282 = arith.extui %lt3A_281 : i1 to i32
      %cond3A_283 = arith.constant 0 : i32
      %cond3A_284 = arith.cmpi ne, %convert_element_type3A_282, %cond3A_283 : i32
      scf.if %cond3A_284 {
        %mul3A_297 = arith.constant 16 : i32
        %mul3A_298 = arith.muli %add3A_280, %mul3A_297 : i32
        %get3A = arith.index_cast %mul3A_298 : i32 to index
        %get3A_299 = tpu.vector_load %arg8[%get3A] {strides = array<i32>} : memref<3168xi32, #tpu.memory_space<vmem>>, vector<16xi32>,
        %ge3A = arith.constant 8 : i32
        %ge3A_300 = arith.cmpi sge, %add3A_280, %ge3A : i32
        %convert_element_type3A_301 = arith.extui %ge3A_300 : i1 to i32
        %cond3A_302 = arith.constant 0 : i32
        %cond3A_303 = arith.cmpi ne, %convert_element_type3A_301, %cond3A_302 : i32
        scf.if %cond3A_303 {
          %dma_wait3A = arith.constant 5 : i32
          %dma_wait3A_309 = arith.constant 0 : i32
          %dma_wait3A_310 = arith.constant 0 : i32
          %dma_wait3A_311 = tpu.memref_slice %arg5[%dma_wait3A_309, %dma_wait3A_310] : memref<100000x512xf32, #tpu.memory_space<hbm>> -> memref<100000x512xf32, #tpu.memory_space<hbm>>
          %dma_wait3A_312 = tpu.memref_slice %arg13[%dma_wait3A] : memref<8x!tpu.dma_semaphore, #tpu.memory_space<semaphore_mem>> -> memref<1x!tpu.dma_semaphore, #tpu.memory_space<semaphore_mem>>
          %dma_wait3A_313 = tpu.memref_squeeze %dma_wait3A_312 : memref<1x!tpu.dma_semaphore, #tpu.memory_space<semaphore_mem>> -> memref<!tpu.dma_semaphore, #tpu.memory_space<semaphore_mem>>
          tpu.wait_indirect_dma semaphore(%dma_wait3A_313 : memref<!tpu.dma_semaphore, #tpu.memory_space<semaphore_mem>>) src(%arg10 : memref<16x512xf32, #tpu.memory_space<vmem>>) dst(%dma_wait3A_311 : memref<100000x512xf32, #tpu.memory_space<hbm>>)
        } else {
        }
        %dma_start3A = arith.constant 5 : i32
        %dma_start3A_304 = arith.constant 0 : i32
        %dma_start3A_305 = arith.constant 0 : i32
        %dma_start3A_306 = tpu.memref_slice %arg5[%dma_start3A_304, %dma_start3A_305] : memref<100000x512xf32, #tpu.memory_space<hbm>> -> memref<100000x512xf32, #tpu.memory_space<hbm>>
        %dma_start3A_307 = tpu.memref_slice %arg13[%dma_start3A] : memref<8x!tpu.dma_semaphore, #tpu.memory_space<semaphore_mem>> -> memref<1x!tpu.dma_semaphore, #tpu.memory_space<semaphore_mem>>
        %dma_start3A_308 = tpu.memref_squeeze %dma_start3A_307 : memref<1x!tpu.dma_semaphore, #tpu.memory_space<semaphore_mem>> -> memref<!tpu.dma_semaphore, #tpu.memory_space<semaphore_mem>>
        tpu.enqueue_indirect_dma source(%arg10 : memref<16x512xf32, #tpu.memory_space<vmem>>) target(%dma_start3A_306 : memref<100000x512xf32, #tpu.memory_space<hbm>>) offsets(%get3A_299 : vector<16xi32>) semaphore(%dma_start3A_308 : memref<!tpu.dma_semaphore, #tpu.memory_space<semaphore_mem>>)
      } else {
      }
      %add3A_285 = arith.constant 6 : i32
      %add3A_286 = arith.addi %mul3A_249, %add3A_285 : i32
      %lt3A_287 = arith.cmpi slt, %add3A_286, %select_n3A_91 : i32
      %convert_element_type3A_288 = arith.extui %lt3A_287 : i1 to i32
      %cond3A_289 = arith.constant 0 : i32
      %cond3A_290 = arith.cmpi ne, %convert_element_type3A_288, %cond3A_289 : i32
      scf.if %cond3A_290 {
        %mul3A_297 = arith.constant 16 : i32
        %mul3A_298 = arith.muli %add3A_286, %mul3A_297 : i32
        %get3A = arith.index_cast %mul3A_298 : i32 to index
        %get3A_299 = tpu.vector_load %arg8[%get3A] {strides = array<i32>} : memref<3168xi32, #tpu.memory_space<vmem>>, vector<16xi32>,
        %ge3A = arith.constant 8 : i32
        %ge3A_300 = arith.cmpi sge, %add3A_286, %ge3A : i32
        %convert_element_type3A_301 = arith.extui %ge3A_300 : i1 to i32
        %cond3A_302 = arith.constant 0 : i32
        %cond3A_303 = arith.cmpi ne, %convert_element_type3A_301, %cond3A_302 : i32
        scf.if %cond3A_303 {
          %dma_wait3A = arith.constant 6 : i32
          %dma_wait3A_309 = arith.constant 0 : i32
          %dma_wait3A_310 = arith.constant 0 : i32
          %dma_wait3A_311 = tpu.memref_slice %arg5[%dma_wait3A_309, %dma_wait3A_310] : memref<100000x512xf32, #tpu.memory_space<hbm>> -> memref<100000x512xf32, #tpu.memory_space<hbm>>
          %dma_wait3A_312 = tpu.memref_slice %arg13[%dma_wait3A] : memref<8x!tpu.dma_semaphore, #tpu.memory_space<semaphore_mem>> -> memref<1x!tpu.dma_semaphore, #tpu.memory_space<semaphore_mem>>
          %dma_wait3A_313 = tpu.memref_squeeze %dma_wait3A_312 : memref<1x!tpu.dma_semaphore, #tpu.memory_space<semaphore_mem>> -> memref<!tpu.dma_semaphore, #tpu.memory_space<semaphore_mem>>
          tpu.wait_indirect_dma semaphore(%dma_wait3A_313 : memref<!tpu.dma_semaphore, #tpu.memory_space<semaphore_mem>>) src(%arg10 : memref<16x512xf32, #tpu.memory_space<vmem>>) dst(%dma_wait3A_311 : memref<100000x512xf32, #tpu.memory_space<hbm>>)
        } else {
        }
        %dma_start3A = arith.constant 6 : i32
        %dma_start3A_304 = arith.constant 0 : i32
        %dma_start3A_305 = arith.constant 0 : i32
        %dma_start3A_306 = tpu.memref_slice %arg5[%dma_start3A_304, %dma_start3A_305] : memref<100000x512xf32, #tpu.memory_space<hbm>> -> memref<100000x512xf32, #tpu.memory_space<hbm>>
        %dma_start3A_307 = tpu.memref_slice %arg13[%dma_start3A] : memref<8x!tpu.dma_semaphore, #tpu.memory_space<semaphore_mem>> -> memref<1x!tpu.dma_semaphore, #tpu.memory_space<semaphore_mem>>
        %dma_start3A_308 = tpu.memref_squeeze %dma_start3A_307 : memref<1x!tpu.dma_semaphore, #tpu.memory_space<semaphore_mem>> -> memref<!tpu.dma_semaphore, #tpu.memory_space<semaphore_mem>>
        tpu.enqueue_indirect_dma source(%arg10 : memref<16x512xf32, #tpu.memory_space<vmem>>) target(%dma_start3A_306 : memref<100000x512xf32, #tpu.memory_space<hbm>>) offsets(%get3A_299 : vector<16xi32>) semaphore(%dma_start3A_308 : memref<!tpu.dma_semaphore, #tpu.memory_space<semaphore_mem>>)
      } else {
      }
      %add3A_291 = arith.constant 7 : i32
      %add3A_292 = arith.addi %mul3A_249, %add3A_291 : i32
      %lt3A_293 = arith.cmpi slt, %add3A_292, %select_n3A_91 : i32
      %convert_element_type3A_294 = arith.extui %lt3A_293 : i1 to i32
      %cond3A_295 = arith.constant 0 : i32
      %cond3A_296 = arith.cmpi ne, %convert_element_type3A_294, %cond3A_295 : i32
      scf.if %cond3A_296 {
        %mul3A_297 = arith.constant 16 : i32
        %mul3A_298 = arith.muli %add3A_292, %mul3A_297 : i32
        %get3A = arith.index_cast %mul3A_298 : i32 to index
        %get3A_299 = tpu.vector_load %arg8[%get3A] {strides = array<i32>} : memref<3168xi32, #tpu.memory_space<vmem>>, vector<16xi32>,
        %ge3A = arith.constant 8 : i32
        %ge3A_300 = arith.cmpi sge, %add3A_292, %ge3A : i32
        %convert_element_type3A_301 = arith.extui %ge3A_300 : i1 to i32
        %cond3A_302 = arith.constant 0 : i32
        %cond3A_303 = arith.cmpi ne, %convert_element_type3A_301, %cond3A_302 : i32
        scf.if %cond3A_303 {
          %dma_wait3A = arith.constant 7 : i32
          %dma_wait3A_309 = arith.constant 0 : i32
          %dma_wait3A_310 = arith.constant 0 : i32
          %dma_wait3A_311 = tpu.memref_slice %arg5[%dma_wait3A_309, %dma_wait3A_310] : memref<100000x512xf32, #tpu.memory_space<hbm>> -> memref<100000x512xf32, #tpu.memory_space<hbm>>
          %dma_wait3A_312 = tpu.memref_slice %arg13[%dma_wait3A] : memref<8x!tpu.dma_semaphore, #tpu.memory_space<semaphore_mem>> -> memref<1x!tpu.dma_semaphore, #tpu.memory_space<semaphore_mem>>
          %dma_wait3A_313 = tpu.memref_squeeze %dma_wait3A_312 : memref<1x!tpu.dma_semaphore, #tpu.memory_space<semaphore_mem>> -> memref<!tpu.dma_semaphore, #tpu.memory_space<semaphore_mem>>
          tpu.wait_indirect_dma semaphore(%dma_wait3A_313 : memref<!tpu.dma_semaphore, #tpu.memory_space<semaphore_mem>>) src(%arg10 : memref<16x512xf32, #tpu.memory_space<vmem>>) dst(%dma_wait3A_311 : memref<100000x512xf32, #tpu.memory_space<hbm>>)
        } else {
        }
        %dma_start3A = arith.constant 7 : i32
        %dma_start3A_304 = arith.constant 0 : i32
        %dma_start3A_305 = arith.constant 0 : i32
        %dma_start3A_306 = tpu.memref_slice %arg5[%dma_start3A_304, %dma_start3A_305] : memref<100000x512xf32, #tpu.memory_space<hbm>> -> memref<100000x512xf32, #tpu.memory_space<hbm>>
        %dma_start3A_307 = tpu.memref_slice %arg13[%dma_start3A] : memref<8x!tpu.dma_semaphore, #tpu.memory_space<semaphore_mem>> -> memref<1x!tpu.dma_semaphore, #tpu.memory_space<semaphore_mem>>
        %dma_start3A_308 = tpu.memref_squeeze %dma_start3A_307 : memref<1x!tpu.dma_semaphore, #tpu.memory_space<semaphore_mem>> -> memref<!tpu.dma_semaphore, #tpu.memory_space<semaphore_mem>>
        tpu.enqueue_indirect_dma source(%arg10 : memref<16x512xf32, #tpu.memory_space<vmem>>) target(%dma_start3A_306 : memref<100000x512xf32, #tpu.memory_space<hbm>>) offsets(%get3A_299 : vector<16xi32>) semaphore(%dma_start3A_308 : memref<!tpu.dma_semaphore, #tpu.memory_space<semaphore_mem>>)
      } else {
      }
    }
    %while3A_166 = arith.constant 1 : i32
    scf.for %while3A_247 = %while3A_164 to %while3A_160 step %while3A_166  : i32 {
      %mul3A_248 = arith.constant 8 : i32
      %mul3A_249 = arith.muli %while3A_247, %mul3A_248 : i32
      %add3A_250 = arith.constant 0 : i32
      %add3A_251 = arith.addi %mul3A_249, %add3A_250 : i32
      %lt3A = arith.cmpi slt, %add3A_251, %select_n3A_91 : i32
      %convert_element_type3A_252 = arith.extui %lt3A : i1 to i32
      %cond3A_253 = arith.constant 0 : i32
      %cond3A_254 = arith.cmpi ne, %convert_element_type3A_252, %cond3A_253 : i32
      scf.if %cond3A_254 {
        %mul3A_297 = arith.constant 16 : i32
        %mul3A_298 = arith.muli %add3A_251, %mul3A_297 : i32
        %get3A = arith.index_cast %mul3A_298 : i32 to index
        %get3A_299 = tpu.vector_load %arg8[%get3A] {strides = array<i32>} : memref<3168xi32, #tpu.memory_space<vmem>>, vector<16xi32>,
        %ge3A = arith.constant 8 : i32
        %ge3A_300 = arith.cmpi sge, %add3A_251, %ge3A : i32
        %convert_element_type3A_301 = arith.extui %ge3A_300 : i1 to i32
        %cond3A_302 = arith.constant 0 : i32
        %cond3A_303 = arith.cmpi ne, %convert_element_type3A_301, %cond3A_302 : i32
        scf.if %cond3A_303 {
          %dma_wait3A = arith.constant 0 : i32
          %dma_wait3A_309 = arith.constant 0 : i32
          %dma_wait3A_310 = arith.constant 0 : i32
          %dma_wait3A_311 = tpu.memref_slice %arg5[%dma_wait3A_309, %dma_wait3A_310] : memref<100000x512xf32, #tpu.memory_space<hbm>> -> memref<100000x512xf32, #tpu.memory_space<hbm>>
          %dma_wait3A_312 = tpu.memref_slice %arg13[%dma_wait3A] : memref<8x!tpu.dma_semaphore, #tpu.memory_space<semaphore_mem>> -> memref<1x!tpu.dma_semaphore, #tpu.memory_space<semaphore_mem>>
          %dma_wait3A_313 = tpu.memref_squeeze %dma_wait3A_312 : memref<1x!tpu.dma_semaphore, #tpu.memory_space<semaphore_mem>> -> memref<!tpu.dma_semaphore, #tpu.memory_space<semaphore_mem>>
          tpu.wait_indirect_dma semaphore(%dma_wait3A_313 : memref<!tpu.dma_semaphore, #tpu.memory_space<semaphore_mem>>) src(%arg10 : memref<16x512xf32, #tpu.memory_space<vmem>>) dst(%dma_wait3A_311 : memref<100000x512xf32, #tpu.memory_space<hbm>>)
        } else {
        }
        %dma_start3A = arith.constant 0 : i32
        %dma_start3A_304 = arith.constant 0 : i32
        %dma_start3A_305 = arith.constant 0 : i32
        %dma_start3A_306 = tpu.memref_slice %arg5[%dma_start3A_304, %dma_start3A_305] : memref<100000x512xf32, #tpu.memory_space<hbm>> -> memref<100000x512xf32, #tpu.memory_space<hbm>>
        %dma_start3A_307 = tpu.memref_slice %arg13[%dma_start3A] : memref<8x!tpu.dma_semaphore, #tpu.memory_space<semaphore_mem>> -> memref<1x!tpu.dma_semaphore, #tpu.memory_space<semaphore_mem>>
        %dma_start3A_308 = tpu.memref_squeeze %dma_start3A_307 : memref<1x!tpu.dma_semaphore, #tpu.memory_space<semaphore_mem>> -> memref<!tpu.dma_semaphore, #tpu.memory_space<semaphore_mem>>
        tpu.enqueue_indirect_dma source(%arg10 : memref<16x512xf32, #tpu.memory_space<vmem>>) target(%dma_start3A_306 : memref<100000x512xf32, #tpu.memory_space<hbm>>) offsets(%get3A_299 : vector<16xi32>) semaphore(%dma_start3A_308 : memref<!tpu.dma_semaphore, #tpu.memory_space<semaphore_mem>>)
      } else {
      }
      %add3A_255 = arith.constant 1 : i32
      %add3A_256 = arith.addi %mul3A_249, %add3A_255 : i32
      %lt3A_257 = arith.cmpi slt, %add3A_256, %select_n3A_91 : i32
      %convert_element_type3A_258 = arith.extui %lt3A_257 : i1 to i32
      %cond3A_259 = arith.constant 0 : i32
      %cond3A_260 = arith.cmpi ne, %convert_element_type3A_258, %cond3A_259 : i32
      scf.if %cond3A_260 {
        %mul3A_297 = arith.constant 16 : i32
        %mul3A_298 = arith.muli %add3A_256, %mul3A_297 : i32
        %get3A = arith.index_cast %mul3A_298 : i32 to index
        %get3A_299 = tpu.vector_load %arg8[%get3A] {strides = array<i32>} : memref<3168xi32, #tpu.memory_space<vmem>>, vector<16xi32>,
        %ge3A = arith.constant 8 : i32
        %ge3A_300 = arith.cmpi sge, %add3A_256, %ge3A : i32
        %convert_element_type3A_301 = arith.extui %ge3A_300 : i1 to i32
        %cond3A_302 = arith.constant 0 : i32
        %cond3A_303 = arith.cmpi ne, %convert_element_type3A_301, %cond3A_302 : i32
        scf.if %cond3A_303 {
          %dma_wait3A = arith.constant 1 : i32
          %dma_wait3A_309 = arith.constant 0 : i32
          %dma_wait3A_310 = arith.constant 0 : i32
          %dma_wait3A_311 = tpu.memref_slice %arg5[%dma_wait3A_309, %dma_wait3A_310] : memref<100000x512xf32, #tpu.memory_space<hbm>> -> memref<100000x512xf32, #tpu.memory_space<hbm>>
          %dma_wait3A_312 = tpu.memref_slice %arg13[%dma_wait3A] : memref<8x!tpu.dma_semaphore, #tpu.memory_space<semaphore_mem>> -> memref<1x!tpu.dma_semaphore, #tpu.memory_space<semaphore_mem>>
          %dma_wait3A_313 = tpu.memref_squeeze %dma_wait3A_312 : memref<1x!tpu.dma_semaphore, #tpu.memory_space<semaphore_mem>> -> memref<!tpu.dma_semaphore, #tpu.memory_space<semaphore_mem>>
          tpu.wait_indirect_dma semaphore(%dma_wait3A_313 : memref<!tpu.dma_semaphore, #tpu.memory_space<semaphore_mem>>) src(%arg10 : memref<16x512xf32, #tpu.memory_space<vmem>>) dst(%dma_wait3A_311 : memref<100000x512xf32, #tpu.memory_space<hbm>>)
        } else {
        }
        %dma_start3A = arith.constant 1 : i32
        %dma_start3A_304 = arith.constant 0 : i32
        %dma_start3A_305 = arith.constant 0 : i32
        %dma_start3A_306 = tpu.memref_slice %arg5[%dma_start3A_304, %dma_start3A_305] : memref<100000x512xf32, #tpu.memory_space<hbm>> -> memref<100000x512xf32, #tpu.memory_space<hbm>>
        %dma_start3A_307 = tpu.memref_slice %arg13[%dma_start3A] : memref<8x!tpu.dma_semaphore, #tpu.memory_space<semaphore_mem>> -> memref<1x!tpu.dma_semaphore, #tpu.memory_space<semaphore_mem>>
        %dma_start3A_308 = tpu.memref_squeeze %dma_start3A_307 : memref<1x!tpu.dma_semaphore, #tpu.memory_space<semaphore_mem>> -> memref<!tpu.dma_semaphore, #tpu.memory_space<semaphore_mem>>
        tpu.enqueue_indirect_dma source(%arg10 : memref<16x512xf32, #tpu.memory_space<vmem>>) target(%dma_start3A_306 : memref<100000x512xf32, #tpu.memory_space<hbm>>) offsets(%get3A_299 : vector<16xi32>) semaphore(%dma_start3A_308 : memref<!tpu.dma_semaphore, #tpu.memory_space<semaphore_mem>>)
      } else {
      }
      %add3A_261 = arith.constant 2 : i32
      %add3A_262 = arith.addi %mul3A_249, %add3A_261 : i32
      %lt3A_263 = arith.cmpi slt, %add3A_262, %select_n3A_91 : i32
      %convert_element_type3A_264 = arith.extui %lt3A_263 : i1 to i32
      %cond3A_265 = arith.constant 0 : i32
      %cond3A_266 = arith.cmpi ne, %convert_element_type3A_264, %cond3A_265 : i32
      scf.if %cond3A_266 {
        %mul3A_297 = arith.constant 16 : i32
        %mul3A_298 = arith.muli %add3A_262, %mul3A_297 : i32
        %get3A = arith.index_cast %mul3A_298 : i32 to index
        %get3A_299 = tpu.vector_load %arg8[%get3A] {strides = array<i32>} : memref<3168xi32, #tpu.memory_space<vmem>>, vector<16xi32>,
        %ge3A = arith.constant 8 : i32
        %ge3A_300 = arith.cmpi sge, %add3A_262, %ge3A : i32
        %convert_element_type3A_301 = arith.extui %ge3A_300 : i1 to i32
        %cond3A_302 = arith.constant 0 : i32
        %cond3A_303 = arith.cmpi ne, %convert_element_type3A_301, %cond3A_302 : i32
        scf.if %cond3A_303 {
          %dma_wait3A = arith.constant 2 : i32
          %dma_wait3A_309 = arith.constant 0 : i32
          %dma_wait3A_310 = arith.constant 0 : i32
          %dma_wait3A_311 = tpu.memref_slice %arg5[%dma_wait3A_309, %dma_wait3A_310] : memref<100000x512xf32, #tpu.memory_space<hbm>> -> memref<100000x512xf32, #tpu.memory_space<hbm>>
          %dma_wait3A_312 = tpu.memref_slice %arg13[%dma_wait3A] : memref<8x!tpu.dma_semaphore, #tpu.memory_space<semaphore_mem>> -> memref<1x!tpu.dma_semaphore, #tpu.memory_space<semaphore_mem>>
          %dma_wait3A_313 = tpu.memref_squeeze %dma_wait3A_312 : memref<1x!tpu.dma_semaphore, #tpu.memory_space<semaphore_mem>> -> memref<!tpu.dma_semaphore, #tpu.memory_space<semaphore_mem>>
          tpu.wait_indirect_dma semaphore(%dma_wait3A_313 : memref<!tpu.dma_semaphore, #tpu.memory_space<semaphore_mem>>) src(%arg10 : memref<16x512xf32, #tpu.memory_space<vmem>>) dst(%dma_wait3A_311 : memref<100000x512xf32, #tpu.memory_space<hbm>>)
        } else {
        }
        %dma_start3A = arith.constant 2 : i32
        %dma_start3A_304 = arith.constant 0 : i32
        %dma_start3A_305 = arith.constant 0 : i32
        %dma_start3A_306 = tpu.memref_slice %arg5[%dma_start3A_304, %dma_start3A_305] : memref<100000x512xf32, #tpu.memory_space<hbm>> -> memref<100000x512xf32, #tpu.memory_space<hbm>>
        %dma_start3A_307 = tpu.memref_slice %arg13[%dma_start3A] : memref<8x!tpu.dma_semaphore, #tpu.memory_space<semaphore_mem>> -> memref<1x!tpu.dma_semaphore, #tpu.memory_space<semaphore_mem>>
        %dma_start3A_308 = tpu.memref_squeeze %dma_start3A_307 : memref<1x!tpu.dma_semaphore, #tpu.memory_space<semaphore_mem>> -> memref<!tpu.dma_semaphore, #tpu.memory_space<semaphore_mem>>
        tpu.enqueue_indirect_dma source(%arg10 : memref<16x512xf32, #tpu.memory_space<vmem>>) target(%dma_start3A_306 : memref<100000x512xf32, #tpu.memory_space<hbm>>) offsets(%get3A_299 : vector<16xi32>) semaphore(%dma_start3A_308 : memref<!tpu.dma_semaphore, #tpu.memory_space<semaphore_mem>>)
      } else {
      }
      %add3A_267 = arith.constant 3 : i32
      %add3A_268 = arith.addi %mul3A_249, %add3A_267 : i32
      %lt3A_269 = arith.cmpi slt, %add3A_268, %select_n3A_91 : i32
      %convert_element_type3A_270 = arith.extui %lt3A_269 : i1 to i32
      %cond3A_271 = arith.constant 0 : i32
      %cond3A_272 = arith.cmpi ne, %convert_element_type3A_270, %cond3A_271 : i32
      scf.if %cond3A_272 {
        %mul3A_297 = arith.constant 16 : i32
        %mul3A_298 = arith.muli %add3A_268, %mul3A_297 : i32
        %get3A = arith.index_cast %mul3A_298 : i32 to index
        %get3A_299 = tpu.vector_load %arg8[%get3A] {strides = array<i32>} : memref<3168xi32, #tpu.memory_space<vmem>>, vector<16xi32>,
        %ge3A = arith.constant 8 : i32
        %ge3A_300 = arith.cmpi sge, %add3A_268, %ge3A : i32
        %convert_element_type3A_301 = arith.extui %ge3A_300 : i1 to i32
        %cond3A_302 = arith.constant 0 : i32
        %cond3A_303 = arith.cmpi ne, %convert_element_type3A_301, %cond3A_302 : i32
        scf.if %cond3A_303 {
          %dma_wait3A = arith.constant 3 : i32
          %dma_wait3A_309 = arith.constant 0 : i32
          %dma_wait3A_310 = arith.constant 0 : i32
          %dma_wait3A_311 = tpu.memref_slice %arg5[%dma_wait3A_309, %dma_wait3A_310] : memref<100000x512xf32, #tpu.memory_space<hbm>> -> memref<100000x512xf32, #tpu.memory_space<hbm>>
          %dma_wait3A_312 = tpu.memref_slice %arg13[%dma_wait3A] : memref<8x!tpu.dma_semaphore, #tpu.memory_space<semaphore_mem>> -> memref<1x!tpu.dma_semaphore, #tpu.memory_space<semaphore_mem>>
          %dma_wait3A_313 = tpu.memref_squeeze %dma_wait3A_312 : memref<1x!tpu.dma_semaphore, #tpu.memory_space<semaphore_mem>> -> memref<!tpu.dma_semaphore, #tpu.memory_space<semaphore_mem>>
          tpu.wait_indirect_dma semaphore(%dma_wait3A_313 : memref<!tpu.dma_semaphore, #tpu.memory_space<semaphore_mem>>) src(%arg10 : memref<16x512xf32, #tpu.memory_space<vmem>>) dst(%dma_wait3A_311 : memref<100000x512xf32, #tpu.memory_space<hbm>>)
        } else {
        }
        %dma_start3A = arith.constant 3 : i32
        %dma_start3A_304 = arith.constant 0 : i32
        %dma_start3A_305 = arith.constant 0 : i32
        %dma_start3A_306 = tpu.memref_slice %arg5[%dma_start3A_304, %dma_start3A_305] : memref<100000x512xf32, #tpu.memory_space<hbm>> -> memref<100000x512xf32, #tpu.memory_space<hbm>>
        %dma_start3A_307 = tpu.memref_slice %arg13[%dma_start3A] : memref<8x!tpu.dma_semaphore, #tpu.memory_space<semaphore_mem>> -> memref<1x!tpu.dma_semaphore, #tpu.memory_space<semaphore_mem>>
        %dma_start3A_308 = tpu.memref_squeeze %dma_start3A_307 : memref<1x!tpu.dma_semaphore, #tpu.memory_space<semaphore_mem>> -> memref<!tpu.dma_semaphore, #tpu.memory_space<semaphore_mem>>
        tpu.enqueue_indirect_dma source(%arg10 : memref<16x512xf32, #tpu.memory_space<vmem>>) target(%dma_start3A_306 : memref<100000x512xf32, #tpu.memory_space<hbm>>) offsets(%get3A_299 : vector<16xi32>) semaphore(%dma_start3A_308 : memref<!tpu.dma_semaphore, #tpu.memory_space<semaphore_mem>>)
      } else {
      }
      %add3A_273 = arith.constant 4 : i32
      %add3A_274 = arith.addi %mul3A_249, %add3A_273 : i32
      %lt3A_275 = arith.cmpi slt, %add3A_274, %select_n3A_91 : i32
      %convert_element_type3A_276 = arith.extui %lt3A_275 : i1 to i32
      %cond3A_277 = arith.constant 0 : i32
      %cond3A_278 = arith.cmpi ne, %convert_element_type3A_276, %cond3A_277 : i32
      scf.if %cond3A_278 {
        %mul3A_297 = arith.constant 16 : i32
        %mul3A_298 = arith.muli %add3A_274, %mul3A_297 : i32
        %get3A = arith.index_cast %mul3A_298 : i32 to index
        %get3A_299 = tpu.vector_load %arg8[%get3A] {strides = array<i32>} : memref<3168xi32, #tpu.memory_space<vmem>>, vector<16xi32>,
        %ge3A = arith.constant 8 : i32
        %ge3A_300 = arith.cmpi sge, %add3A_274, %ge3A : i32
        %convert_element_type3A_301 = arith.extui %ge3A_300 : i1 to i32
        %cond3A_302 = arith.constant 0 : i32
        %cond3A_303 = arith.cmpi ne, %convert_element_type3A_301, %cond3A_302 : i32
        scf.if %cond3A_303 {
          %dma_wait3A = arith.constant 4 : i32
          %dma_wait3A_309 = arith.constant 0 : i32
          %dma_wait3A_310 = arith.constant 0 : i32
          %dma_wait3A_311 = tpu.memref_slice %arg5[%dma_wait3A_309, %dma_wait3A_310] : memref<100000x512xf32, #tpu.memory_space<hbm>> -> memref<100000x512xf32, #tpu.memory_space<hbm>>
          %dma_wait3A_312 = tpu.memref_slice %arg13[%dma_wait3A] : memref<8x!tpu.dma_semaphore, #tpu.memory_space<semaphore_mem>> -> memref<1x!tpu.dma_semaphore, #tpu.memory_space<semaphore_mem>>
          %dma_wait3A_313 = tpu.memref_squeeze %dma_wait3A_312 : memref<1x!tpu.dma_semaphore, #tpu.memory_space<semaphore_mem>> -> memref<!tpu.dma_semaphore, #tpu.memory_space<semaphore_mem>>
          tpu.wait_indirect_dma semaphore(%dma_wait3A_313 : memref<!tpu.dma_semaphore, #tpu.memory_space<semaphore_mem>>) src(%arg10 : memref<16x512xf32, #tpu.memory_space<vmem>>) dst(%dma_wait3A_311 : memref<100000x512xf32, #tpu.memory_space<hbm>>)
        } else {
        }
        %dma_start3A = arith.constant 4 : i32
        %dma_start3A_304 = arith.constant 0 : i32
        %dma_start3A_305 = arith.constant 0 : i32
        %dma_start3A_306 = tpu.memref_slice %arg5[%dma_start3A_304, %dma_start3A_305] : memref<100000x512xf32, #tpu.memory_space<hbm>> -> memref<100000x512xf32, #tpu.memory_space<hbm>>
        %dma_start3A_307 = tpu.memref_slice %arg13[%dma_start3A] : memref<8x!tpu.dma_semaphore, #tpu.memory_space<semaphore_mem>> -> memref<1x!tpu.dma_semaphore, #tpu.memory_space<semaphore_mem>>
        %dma_start3A_308 = tpu.memref_squeeze %dma_start3A_307 : memref<1x!tpu.dma_semaphore, #tpu.memory_space<semaphore_mem>> -> memref<!tpu.dma_semaphore, #tpu.memory_space<semaphore_mem>>
        tpu.enqueue_indirect_dma source(%arg10 : memref<16x512xf32, #tpu.memory_space<vmem>>) target(%dma_start3A_306 : memref<100000x512xf32, #tpu.memory_space<hbm>>) offsets(%get3A_299 : vector<16xi32>) semaphore(%dma_start3A_308 : memref<!tpu.dma_semaphore, #tpu.memory_space<semaphore_mem>>)
      } else {
      }
      %add3A_279 = arith.constant 5 : i32
      %add3A_280 = arith.addi %mul3A_249, %add3A_279 : i32
      %lt3A_281 = arith.cmpi slt, %add3A_280, %select_n3A_91 : i32
      %convert_element_type3A_282 = arith.extui %lt3A_281 : i1 to i32
      %cond3A_283 = arith.constant 0 : i32
      %cond3A_284 = arith.cmpi ne, %convert_element_type3A_282, %cond3A_283 : i32
      scf.if %cond3A_284 {
        %mul3A_297 = arith.constant 16 : i32
        %mul3A_298 = arith.muli %add3A_280, %mul3A_297 : i32
        %get3A = arith.index_cast %mul3A_298 : i32 to index
        %get3A_299 = tpu.vector_load %arg8[%get3A] {strides = array<i32>} : memref<3168xi32, #tpu.memory_space<vmem>>, vector<16xi32>,
        %ge3A = arith.constant 8 : i32
        %ge3A_300 = arith.cmpi sge, %add3A_280, %ge3A : i32
        %convert_element_type3A_301 = arith.extui %ge3A_300 : i1 to i32
        %cond3A_302 = arith.constant 0 : i32
        %cond3A_303 = arith.cmpi ne, %convert_element_type3A_301, %cond3A_302 : i32
        scf.if %cond3A_303 {
          %dma_wait3A = arith.constant 5 : i32
          %dma_wait3A_309 = arith.constant 0 : i32
          %dma_wait3A_310 = arith.constant 0 : i32
          %dma_wait3A_311 = tpu.memref_slice %arg5[%dma_wait3A_309, %dma_wait3A_310] : memref<100000x512xf32, #tpu.memory_space<hbm>> -> memref<100000x512xf32, #tpu.memory_space<hbm>>
          %dma_wait3A_312 = tpu.memref_slice %arg13[%dma_wait3A] : memref<8x!tpu.dma_semaphore, #tpu.memory_space<semaphore_mem>> -> memref<1x!tpu.dma_semaphore, #tpu.memory_space<semaphore_mem>>
          %dma_wait3A_313 = tpu.memref_squeeze %dma_wait3A_312 : memref<1x!tpu.dma_semaphore, #tpu.memory_space<semaphore_mem>> -> memref<!tpu.dma_semaphore, #tpu.memory_space<semaphore_mem>>
          tpu.wait_indirect_dma semaphore(%dma_wait3A_313 : memref<!tpu.dma_semaphore, #tpu.memory_space<semaphore_mem>>) src(%arg10 : memref<16x512xf32, #tpu.memory_space<vmem>>) dst(%dma_wait3A_311 : memref<100000x512xf32, #tpu.memory_space<hbm>>)
        } else {
        }
        %dma_start3A = arith.constant 5 : i32
        %dma_start3A_304 = arith.constant 0 : i32
        %dma_start3A_305 = arith.constant 0 : i32
        %dma_start3A_306 = tpu.memref_slice %arg5[%dma_start3A_304, %dma_start3A_305] : memref<100000x512xf32, #tpu.memory_space<hbm>> -> memref<100000x512xf32, #tpu.memory_space<hbm>>
        %dma_start3A_307 = tpu.memref_slice %arg13[%dma_start3A] : memref<8x!tpu.dma_semaphore, #tpu.memory_space<semaphore_mem>> -> memref<1x!tpu.dma_semaphore, #tpu.memory_space<semaphore_mem>>
        %dma_start3A_308 = tpu.memref_squeeze %dma_start3A_307 : memref<1x!tpu.dma_semaphore, #tpu.memory_space<semaphore_mem>> -> memref<!tpu.dma_semaphore, #tpu.memory_space<semaphore_mem>>
        tpu.enqueue_indirect_dma source(%arg10 : memref<16x512xf32, #tpu.memory_space<vmem>>) target(%dma_start3A_306 : memref<100000x512xf32, #tpu.memory_space<hbm>>) offsets(%get3A_299 : vector<16xi32>) semaphore(%dma_start3A_308 : memref<!tpu.dma_semaphore, #tpu.memory_space<semaphore_mem>>)
      } else {
      }
      %add3A_285 = arith.constant 6 : i32
      %add3A_286 = arith.addi %mul3A_249, %add3A_285 : i32
      %lt3A_287 = arith.cmpi slt, %add3A_286, %select_n3A_91 : i32
      %convert_element_type3A_288 = arith.extui %lt3A_287 : i1 to i32
      %cond3A_289 = arith.constant 0 : i32
      %cond3A_290 = arith.cmpi ne, %convert_element_type3A_288, %cond3A_289 : i32
      scf.if %cond3A_290 {
        %mul3A_297 = arith.constant 16 : i32
        %mul3A_298 = arith.muli %add3A_286, %mul3A_297 : i32
        %get3A = arith.index_cast %mul3A_298 : i32 to index
        %get3A_299 = tpu.vector_load %arg8[%get3A] {strides = array<i32>} : memref<3168xi32, #tpu.memory_space<vmem>>, vector<16xi32>,
        %ge3A = arith.constant 8 : i32
        %ge3A_300 = arith.cmpi sge, %add3A_286, %ge3A : i32
        %convert_element_type3A_301 = arith.extui %ge3A_300 : i1 to i32
        %cond3A_302 = arith.constant 0 : i32
        %cond3A_303 = arith.cmpi ne, %convert_element_type3A_301, %cond3A_302 : i32
        scf.if %cond3A_303 {
          %dma_wait3A = arith.constant 6 : i32
          %dma_wait3A_309 = arith.constant 0 : i32
          %dma_wait3A_310 = arith.constant 0 : i32
          %dma_wait3A_311 = tpu.memref_slice %arg5[%dma_wait3A_309, %dma_wait3A_310] : memref<100000x512xf32, #tpu.memory_space<hbm>> -> memref<100000x512xf32, #tpu.memory_space<hbm>>
          %dma_wait3A_312 = tpu.memref_slice %arg13[%dma_wait3A] : memref<8x!tpu.dma_semaphore, #tpu.memory_space<semaphore_mem>> -> memref<1x!tpu.dma_semaphore, #tpu.memory_space<semaphore_mem>>
          %dma_wait3A_313 = tpu.memref_squeeze %dma_wait3A_312 : memref<1x!tpu.dma_semaphore, #tpu.memory_space<semaphore_mem>> -> memref<!tpu.dma_semaphore, #tpu.memory_space<semaphore_mem>>
          tpu.wait_indirect_dma semaphore(%dma_wait3A_313 : memref<!tpu.dma_semaphore, #tpu.memory_space<semaphore_mem>>) src(%arg10 : memref<16x512xf32, #tpu.memory_space<vmem>>) dst(%dma_wait3A_311 : memref<100000x512xf32, #tpu.memory_space<hbm>>)
        } else {
        }
        %dma_start3A = arith.constant 6 : i32
        %dma_start3A_304 = arith.constant 0 : i32
        %dma_start3A_305 = arith.constant 0 : i32
        %dma_start3A_306 = tpu.memref_slice %arg5[%dma_start3A_304, %dma_start3A_305] : memref<100000x512xf32, #tpu.memory_space<hbm>> -> memref<100000x512xf32, #tpu.memory_space<hbm>>
        %dma_start3A_307 = tpu.memref_slice %arg13[%dma_start3A] : memref<8x!tpu.dma_semaphore, #tpu.memory_space<semaphore_mem>> -> memref<1x!tpu.dma_semaphore, #tpu.memory_space<semaphore_mem>>
        %dma_start3A_308 = tpu.memref_squeeze %dma_start3A_307 : memref<1x!tpu.dma_semaphore, #tpu.memory_space<semaphore_mem>> -> memref<!tpu.dma_semaphore, #tpu.memory_space<semaphore_mem>>
        tpu.enqueue_indirect_dma source(%arg10 : memref<16x512xf32, #tpu.memory_space<vmem>>) target(%dma_start3A_306 : memref<100000x512xf32, #tpu.memory_space<hbm>>) offsets(%get3A_299 : vector<16xi32>) semaphore(%dma_start3A_308 : memref<!tpu.dma_semaphore, #tpu.memory_space<semaphore_mem>>)
      } else {
      }
      %add3A_291 = arith.constant 7 : i32
      %add3A_292 = arith.addi %mul3A_249, %add3A_291 : i32
      %lt3A_293 = arith.cmpi slt, %add3A_292, %select_n3A_91 : i32
      %convert_element_type3A_294 = arith.extui %lt3A_293 : i1 to i32
      %cond3A_295 = arith.constant 0 : i32
      %cond3A_296 = arith.cmpi ne, %convert_element_type3A_294, %cond3A_295 : i32
      scf.if %cond3A_296 {
        %mul3A_297 = arith.constant 16 : i32
        %mul3A_298 = arith.muli %add3A_292, %mul3A_297 : i32
        %get3A = arith.index_cast %mul3A_298 : i32 to index
        %get3A_299 = tpu.vector_load %arg8[%get3A] {strides = array<i32>} : memref<3168xi32, #tpu.memory_space<vmem>>, vector<16xi32>,
        %ge3A = arith.constant 8 : i32
        %ge3A_300 = arith.cmpi sge, %add3A_292, %ge3A : i32
        %convert_element_type3A_301 = arith.extui %ge3A_300 : i1 to i32
        %cond3A_302 = arith.constant 0 : i32
        %cond3A_303 = arith.cmpi ne, %convert_element_type3A_301, %cond3A_302 : i32
        scf.if %cond3A_303 {
          %dma_wait3A = arith.constant 7 : i32
          %dma_wait3A_309 = arith.constant 0 : i32
          %dma_wait3A_310 = arith.constant 0 : i32
          %dma_wait3A_311 = tpu.memref_slice %arg5[%dma_wait3A_309, %dma_wait3A_310] : memref<100000x512xf32, #tpu.memory_space<hbm>> -> memref<100000x512xf32, #tpu.memory_space<hbm>>
          %dma_wait3A_312 = tpu.memref_slice %arg13[%dma_wait3A] : memref<8x!tpu.dma_semaphore, #tpu.memory_space<semaphore_mem>> -> memref<1x!tpu.dma_semaphore, #tpu.memory_space<semaphore_mem>>
          %dma_wait3A_313 = tpu.memref_squeeze %dma_wait3A_312 : memref<1x!tpu.dma_semaphore, #tpu.memory_space<semaphore_mem>> -> memref<!tpu.dma_semaphore, #tpu.memory_space<semaphore_mem>>
          tpu.wait_indirect_dma semaphore(%dma_wait3A_313 : memref<!tpu.dma_semaphore, #tpu.memory_space<semaphore_mem>>) src(%arg10 : memref<16x512xf32, #tpu.memory_space<vmem>>) dst(%dma_wait3A_311 : memref<100000x512xf32, #tpu.memory_space<hbm>>)
        } else {
        }
        %dma_start3A = arith.constant 7 : i32
        %dma_start3A_304 = arith.constant 0 : i32
        %dma_start3A_305 = arith.constant 0 : i32
        %dma_start3A_306 = tpu.memref_slice %arg5[%dma_start3A_304, %dma_start3A_305] : memref<100000x512xf32, #tpu.memory_space<hbm>> -> memref<100000x512xf32, #tpu.memory_space<hbm>>
        %dma_start3A_307 = tpu.memref_slice %arg13[%dma_start3A] : memref<8x!tpu.dma_semaphore, #tpu.memory_space<semaphore_mem>> -> memref<1x!tpu.dma_semaphore, #tpu.memory_space<semaphore_mem>>
        %dma_start3A_308 = tpu.memref_squeeze %dma_start3A_307 : memref<1x!tpu.dma_semaphore, #tpu.memory_space<semaphore_mem>> -> memref<!tpu.dma_semaphore, #tpu.memory_space<semaphore_mem>>
        tpu.enqueue_indirect_dma source(%arg10 : memref<16x512xf32, #tpu.memory_space<vmem>>) target(%dma_start3A_306 : memref<100000x512xf32, #tpu.memory_space<hbm>>) offsets(%get3A_299 : vector<16xi32>) semaphore(%dma_start3A_308 : memref<!tpu.dma_semaphore, #tpu.memory_space<semaphore_mem>>)
      } else {
      }
    }
    %gt3A_167 = arith.constant 0 : i32
    %gt3A_168 = arith.cmpi sgt, %select_n3A_63, %gt3A_167 : i32
    %convert_element_type3A_169 = arith.extui %gt3A_168 : i1 to i32
    %cond3A_170 = arith.constant 0 : i32
    %cond3A_171 = arith.cmpi ne, %convert_element_type3A_169, %cond3A_170 : i32
    scf.if %cond3A_171 {
      %get3A = arith.constant 0 : index
      %get3A_247 = tpu.vector_load %arg7[%get3A] {strides = array<i32>} : memref<3168xi32, #tpu.memory_space<vmem>>, vector<16xi32>,
      %dma_wait3A = arith.constant 0 : i32
      %dma_wait3A_248 = arith.constant 0 : i32
      %dma_wait3A_249 = arith.constant 0 : i32
      %dma_wait3A_250 = arith.constant 0 : i32
      %dma_wait3A_251 = tpu.memref_slice %arg9[%dma_wait3A, %dma_wait3A_249, %dma_wait3A_250] : memref<8x16x512xf32, #tpu.memory_space<vmem>> -> memref<1x16x512xf32, #tpu.memory_space<vmem>>
      %dma_wait3A_252 = tpu.memref_squeeze %dma_wait3A_251 : memref<1x16x512xf32, #tpu.memory_space<vmem>> -> memref<16x512xf32, #tpu.memory_space<vmem>>
      %dma_wait3A_253 = arith.constant 0 : i32
      %dma_wait3A_254 = arith.constant 0 : i32
      %dma_wait3A_255 = tpu.memref_slice %arg5[%dma_wait3A_253, %dma_wait3A_254] : memref<100000x512xf32, #tpu.memory_space<hbm>> -> memref<100000x512xf32, #tpu.memory_space<hbm>>
      %dma_wait3A_256 = tpu.memref_slice %arg12[%dma_wait3A_248] : memref<8x!tpu.dma_semaphore, #tpu.memory_space<semaphore_mem>> -> memref<1x!tpu.dma_semaphore, #tpu.memory_space<semaphore_mem>>
      %dma_wait3A_257 = tpu.memref_squeeze %dma_wait3A_256 : memref<1x!tpu.dma_semaphore, #tpu.memory_space<semaphore_mem>> -> memref<!tpu.dma_semaphore, #tpu.memory_space<semaphore_mem>>
      tpu.wait_indirect_dma semaphore(%dma_wait3A_257 : memref<!tpu.dma_semaphore, #tpu.memory_space<semaphore_mem>>) src(%dma_wait3A_252 : memref<16x512xf32, #tpu.memory_space<vmem>>) dst(%dma_wait3A_255 : memref<100000x512xf32, #tpu.memory_space<hbm>>)
    } else {
    }
    %gt3A_172 = arith.constant 0 : i32
    %gt3A_173 = arith.cmpi sgt, %select_n3A_91, %gt3A_172 : i32
    %convert_element_type3A_174 = arith.extui %gt3A_173 : i1 to i32
    %cond3A_175 = arith.constant 0 : i32
    %cond3A_176 = arith.cmpi ne, %convert_element_type3A_174, %cond3A_175 : i32
    scf.if %cond3A_176 {
      %get3A = arith.constant 0 : index
      %get3A_247 = tpu.vector_load %arg8[%get3A] {strides = array<i32>} : memref<3168xi32, #tpu.memory_space<vmem>>, vector<16xi32>,
      %dma_wait3A = arith.constant 0 : i32
      %dma_wait3A_248 = arith.constant 0 : i32
      %dma_wait3A_249 = arith.constant 0 : i32
      %dma_wait3A_250 = tpu.memref_slice %arg5[%dma_wait3A_248, %dma_wait3A_249] : memref<100000x512xf32, #tpu.memory_space<hbm>> -> memref<100000x512xf32, #tpu.memory_space<hbm>>
      %dma_wait3A_251 = tpu.memref_slice %arg13[%dma_wait3A] : memref<8x!tpu.dma_semaphore, #tpu.memory_space<semaphore_mem>> -> memref<1x!tpu.dma_semaphore, #tpu.memory_space<semaphore_mem>>
      %dma_wait3A_252 = tpu.memref_squeeze %dma_wait3A_251 : memref<1x!tpu.dma_semaphore, #tpu.memory_space<semaphore_mem>> -> memref<!tpu.dma_semaphore, #tpu.memory_space<semaphore_mem>>
      tpu.wait_indirect_dma semaphore(%dma_wait3A_252 : memref<!tpu.dma_semaphore, #tpu.memory_space<semaphore_mem>>) src(%arg10 : memref<16x512xf32, #tpu.memory_space<vmem>>) dst(%dma_wait3A_250 : memref<100000x512xf32, #tpu.memory_space<hbm>>)
    } else {
    }
    %gt3A_177 = arith.constant 1 : i32
    %gt3A_178 = arith.cmpi sgt, %select_n3A_63, %gt3A_177 : i32
    %convert_element_type3A_179 = arith.extui %gt3A_178 : i1 to i32
    %cond3A_180 = arith.constant 0 : i32
    %cond3A_181 = arith.cmpi ne, %convert_element_type3A_179, %cond3A_180 : i32
    scf.if %cond3A_181 {
      %get3A = arith.constant 0 : index
      %get3A_247 = tpu.vector_load %arg7[%get3A] {strides = array<i32>} : memref<3168xi32, #tpu.memory_space<vmem>>, vector<16xi32>,
      %dma_wait3A = arith.constant 1 : i32
      %dma_wait3A_248 = arith.constant 1 : i32
      %dma_wait3A_249 = arith.constant 0 : i32
      %dma_wait3A_250 = arith.constant 0 : i32
      %dma_wait3A_251 = tpu.memref_slice %arg9[%dma_wait3A, %dma_wait3A_249, %dma_wait3A_250] : memref<8x16x512xf32, #tpu.memory_space<vmem>> -> memref<1x16x512xf32, #tpu.memory_space<vmem>>
      %dma_wait3A_252 = tpu.memref_squeeze %dma_wait3A_251 : memref<1x16x512xf32, #tpu.memory_space<vmem>> -> memref<16x512xf32, #tpu.memory_space<vmem>>
      %dma_wait3A_253 = arith.constant 0 : i32
      %dma_wait3A_254 = arith.constant 0 : i32
      %dma_wait3A_255 = tpu.memref_slice %arg5[%dma_wait3A_253, %dma_wait3A_254] : memref<100000x512xf32, #tpu.memory_space<hbm>> -> memref<100000x512xf32, #tpu.memory_space<hbm>>
      %dma_wait3A_256 = tpu.memref_slice %arg12[%dma_wait3A_248] : memref<8x!tpu.dma_semaphore, #tpu.memory_space<semaphore_mem>> -> memref<1x!tpu.dma_semaphore, #tpu.memory_space<semaphore_mem>>
      %dma_wait3A_257 = tpu.memref_squeeze %dma_wait3A_256 : memref<1x!tpu.dma_semaphore, #tpu.memory_space<semaphore_mem>> -> memref<!tpu.dma_semaphore, #tpu.memory_space<semaphore_mem>>
      tpu.wait_indirect_dma semaphore(%dma_wait3A_257 : memref<!tpu.dma_semaphore, #tpu.memory_space<semaphore_mem>>) src(%dma_wait3A_252 : memref<16x512xf32, #tpu.memory_space<vmem>>) dst(%dma_wait3A_255 : memref<100000x512xf32, #tpu.memory_space<hbm>>)
    } else {
    }
    %gt3A_182 = arith.constant 1 : i32
    %gt3A_183 = arith.cmpi sgt, %select_n3A_91, %gt3A_182 : i32
    %convert_element_type3A_184 = arith.extui %gt3A_183 : i1 to i32
    %cond3A_185 = arith.constant 0 : i32
    %cond3A_186 = arith.cmpi ne, %convert_element_type3A_184, %cond3A_185 : i32
    scf.if %cond3A_186 {
      %get3A = arith.constant 0 : index
      %get3A_247 = tpu.vector_load %arg8[%get3A] {strides = array<i32>} : memref<3168xi32, #tpu.memory_space<vmem>>, vector<16xi32>,
      %dma_wait3A = arith.constant 1 : i32
      %dma_wait3A_248 = arith.constant 0 : i32
      %dma_wait3A_249 = arith.constant 0 : i32
      %dma_wait3A_250 = tpu.memref_slice %arg5[%dma_wait3A_248, %dma_wait3A_249] : memref<100000x512xf32, #tpu.memory_space<hbm>> -> memref<100000x512xf32, #tpu.memory_space<hbm>>
      %dma_wait3A_251 = tpu.memref_slice %arg13[%dma_wait3A] : memref<8x!tpu.dma_semaphore, #tpu.memory_space<semaphore_mem>> -> memref<1x!tpu.dma_semaphore, #tpu.memory_space<semaphore_mem>>
      %dma_wait3A_252 = tpu.memref_squeeze %dma_wait3A_251 : memref<1x!tpu.dma_semaphore, #tpu.memory_space<semaphore_mem>> -> memref<!tpu.dma_semaphore, #tpu.memory_space<semaphore_mem>>
      tpu.wait_indirect_dma semaphore(%dma_wait3A_252 : memref<!tpu.dma_semaphore, #tpu.memory_space<semaphore_mem>>) src(%arg10 : memref<16x512xf32, #tpu.memory_space<vmem>>) dst(%dma_wait3A_250 : memref<100000x512xf32, #tpu.memory_space<hbm>>)
    } else {
    }
    %gt3A_187 = arith.constant 2 : i32
    %gt3A_188 = arith.cmpi sgt, %select_n3A_63, %gt3A_187 : i32
    %convert_element_type3A_189 = arith.extui %gt3A_188 : i1 to i32
    %cond3A_190 = arith.constant 0 : i32
    %cond3A_191 = arith.cmpi ne, %convert_element_type3A_189, %cond3A_190 : i32
    scf.if %cond3A_191 {
      %get3A = arith.constant 0 : index
      %get3A_247 = tpu.vector_load %arg7[%get3A] {strides = array<i32>} : memref<3168xi32, #tpu.memory_space<vmem>>, vector<16xi32>,
      %dma_wait3A = arith.constant 2 : i32
      %dma_wait3A_248 = arith.constant 2 : i32
      %dma_wait3A_249 = arith.constant 0 : i32
      %dma_wait3A_250 = arith.constant 0 : i32
      %dma_wait3A_251 = tpu.memref_slice %arg9[%dma_wait3A, %dma_wait3A_249, %dma_wait3A_250] : memref<8x16x512xf32, #tpu.memory_space<vmem>> -> memref<1x16x512xf32, #tpu.memory_space<vmem>>
      %dma_wait3A_252 = tpu.memref_squeeze %dma_wait3A_251 : memref<1x16x512xf32, #tpu.memory_space<vmem>> -> memref<16x512xf32, #tpu.memory_space<vmem>>
      %dma_wait3A_253 = arith.constant 0 : i32
      %dma_wait3A_254 = arith.constant 0 : i32
      %dma_wait3A_255 = tpu.memref_slice %arg5[%dma_wait3A_253, %dma_wait3A_254] : memref<100000x512xf32, #tpu.memory_space<hbm>> -> memref<100000x512xf32, #tpu.memory_space<hbm>>
      %dma_wait3A_256 = tpu.memref_slice %arg12[%dma_wait3A_248] : memref<8x!tpu.dma_semaphore, #tpu.memory_space<semaphore_mem>> -> memref<1x!tpu.dma_semaphore, #tpu.memory_space<semaphore_mem>>
      %dma_wait3A_257 = tpu.memref_squeeze %dma_wait3A_256 : memref<1x!tpu.dma_semaphore, #tpu.memory_space<semaphore_mem>> -> memref<!tpu.dma_semaphore, #tpu.memory_space<semaphore_mem>>
      tpu.wait_indirect_dma semaphore(%dma_wait3A_257 : memref<!tpu.dma_semaphore, #tpu.memory_space<semaphore_mem>>) src(%dma_wait3A_252 : memref<16x512xf32, #tpu.memory_space<vmem>>) dst(%dma_wait3A_255 : memref<100000x512xf32, #tpu.memory_space<hbm>>)
    } else {
    }
    %gt3A_192 = arith.constant 2 : i32
    %gt3A_193 = arith.cmpi sgt, %select_n3A_91, %gt3A_192 : i32
    %convert_element_type3A_194 = arith.extui %gt3A_193 : i1 to i32
    %cond3A_195 = arith.constant 0 : i32
    %cond3A_196 = arith.cmpi ne, %convert_element_type3A_194, %cond3A_195 : i32
    scf.if %cond3A_196 {
      %get3A = arith.constant 0 : index
      %get3A_247 = tpu.vector_load %arg8[%get3A] {strides = array<i32>} : memref<3168xi32, #tpu.memory_space<vmem>>, vector<16xi32>,
      %dma_wait3A = arith.constant 2 : i32
      %dma_wait3A_248 = arith.constant 0 : i32
      %dma_wait3A_249 = arith.constant 0 : i32
      %dma_wait3A_250 = tpu.memref_slice %arg5[%dma_wait3A_248, %dma_wait3A_249] : memref<100000x512xf32, #tpu.memory_space<hbm>> -> memref<100000x512xf32, #tpu.memory_space<hbm>>
      %dma_wait3A_251 = tpu.memref_slice %arg13[%dma_wait3A] : memref<8x!tpu.dma_semaphore, #tpu.memory_space<semaphore_mem>> -> memref<1x!tpu.dma_semaphore, #tpu.memory_space<semaphore_mem>>
      %dma_wait3A_252 = tpu.memref_squeeze %dma_wait3A_251 : memref<1x!tpu.dma_semaphore, #tpu.memory_space<semaphore_mem>> -> memref<!tpu.dma_semaphore, #tpu.memory_space<semaphore_mem>>
      tpu.wait_indirect_dma semaphore(%dma_wait3A_252 : memref<!tpu.dma_semaphore, #tpu.memory_space<semaphore_mem>>) src(%arg10 : memref<16x512xf32, #tpu.memory_space<vmem>>) dst(%dma_wait3A_250 : memref<100000x512xf32, #tpu.memory_space<hbm>>)
    } else {
    }
    %gt3A_197 = arith.constant 3 : i32
    %gt3A_198 = arith.cmpi sgt, %select_n3A_63, %gt3A_197 : i32
    %convert_element_type3A_199 = arith.extui %gt3A_198 : i1 to i32
    %cond3A_200 = arith.constant 0 : i32
    %cond3A_201 = arith.cmpi ne, %convert_element_type3A_199, %cond3A_200 : i32
    scf.if %cond3A_201 {
      %get3A = arith.constant 0 : index
      %get3A_247 = tpu.vector_load %arg7[%get3A] {strides = array<i32>} : memref<3168xi32, #tpu.memory_space<vmem>>, vector<16xi32>,
      %dma_wait3A = arith.constant 3 : i32
      %dma_wait3A_248 = arith.constant 3 : i32
      %dma_wait3A_249 = arith.constant 0 : i32
      %dma_wait3A_250 = arith.constant 0 : i32
      %dma_wait3A_251 = tpu.memref_slice %arg9[%dma_wait3A, %dma_wait3A_249, %dma_wait3A_250] : memref<8x16x512xf32, #tpu.memory_space<vmem>> -> memref<1x16x512xf32, #tpu.memory_space<vmem>>
      %dma_wait3A_252 = tpu.memref_squeeze %dma_wait3A_251 : memref<1x16x512xf32, #tpu.memory_space<vmem>> -> memref<16x512xf32, #tpu.memory_space<vmem>>
      %dma_wait3A_253 = arith.constant 0 : i32
      %dma_wait3A_254 = arith.constant 0 : i32
      %dma_wait3A_255 = tpu.memref_slice %arg5[%dma_wait3A_253, %dma_wait3A_254] : memref<100000x512xf32, #tpu.memory_space<hbm>> -> memref<100000x512xf32, #tpu.memory_space<hbm>>
      %dma_wait3A_256 = tpu.memref_slice %arg12[%dma_wait3A_248] : memref<8x!tpu.dma_semaphore, #tpu.memory_space<semaphore_mem>> -> memref<1x!tpu.dma_semaphore, #tpu.memory_space<semaphore_mem>>
      %dma_wait3A_257 = tpu.memref_squeeze %dma_wait3A_256 : memref<1x!tpu.dma_semaphore, #tpu.memory_space<semaphore_mem>> -> memref<!tpu.dma_semaphore, #tpu.memory_space<semaphore_mem>>
      tpu.wait_indirect_dma semaphore(%dma_wait3A_257 : memref<!tpu.dma_semaphore, #tpu.memory_space<semaphore_mem>>) src(%dma_wait3A_252 : memref<16x512xf32, #tpu.memory_space<vmem>>) dst(%dma_wait3A_255 : memref<100000x512xf32, #tpu.memory_space<hbm>>)
    } else {
    }
    %gt3A_202 = arith.constant 3 : i32
    %gt3A_203 = arith.cmpi sgt, %select_n3A_91, %gt3A_202 : i32
    %convert_element_type3A_204 = arith.extui %gt3A_203 : i1 to i32
    %cond3A_205 = arith.constant 0 : i32
    %cond3A_206 = arith.cmpi ne, %convert_element_type3A_204, %cond3A_205 : i32
    scf.if %cond3A_206 {
      %get3A = arith.constant 0 : index
      %get3A_247 = tpu.vector_load %arg8[%get3A] {strides = array<i32>} : memref<3168xi32, #tpu.memory_space<vmem>>, vector<16xi32>,
      %dma_wait3A = arith.constant 3 : i32
      %dma_wait3A_248 = arith.constant 0 : i32
      %dma_wait3A_249 = arith.constant 0 : i32
      %dma_wait3A_250 = tpu.memref_slice %arg5[%dma_wait3A_248, %dma_wait3A_249] : memref<100000x512xf32, #tpu.memory_space<hbm>> -> memref<100000x512xf32, #tpu.memory_space<hbm>>
      %dma_wait3A_251 = tpu.memref_slice %arg13[%dma_wait3A] : memref<8x!tpu.dma_semaphore, #tpu.memory_space<semaphore_mem>> -> memref<1x!tpu.dma_semaphore, #tpu.memory_space<semaphore_mem>>
      %dma_wait3A_252 = tpu.memref_squeeze %dma_wait3A_251 : memref<1x!tpu.dma_semaphore, #tpu.memory_space<semaphore_mem>> -> memref<!tpu.dma_semaphore, #tpu.memory_space<semaphore_mem>>
      tpu.wait_indirect_dma semaphore(%dma_wait3A_252 : memref<!tpu.dma_semaphore, #tpu.memory_space<semaphore_mem>>) src(%arg10 : memref<16x512xf32, #tpu.memory_space<vmem>>) dst(%dma_wait3A_250 : memref<100000x512xf32, #tpu.memory_space<hbm>>)
    } else {
    }
    %gt3A_207 = arith.constant 4 : i32
    %gt3A_208 = arith.cmpi sgt, %select_n3A_63, %gt3A_207 : i32
    %convert_element_type3A_209 = arith.extui %gt3A_208 : i1 to i32
    %cond3A_210 = arith.constant 0 : i32
    %cond3A_211 = arith.cmpi ne, %convert_element_type3A_209, %cond3A_210 : i32
    scf.if %cond3A_211 {
      %get3A = arith.constant 0 : index
      %get3A_247 = tpu.vector_load %arg7[%get3A] {strides = array<i32>} : memref<3168xi32, #tpu.memory_space<vmem>>, vector<16xi32>,
      %dma_wait3A = arith.constant 4 : i32
      %dma_wait3A_248 = arith.constant 4 : i32
      %dma_wait3A_249 = arith.constant 0 : i32
      %dma_wait3A_250 = arith.constant 0 : i32
      %dma_wait3A_251 = tpu.memref_slice %arg9[%dma_wait3A, %dma_wait3A_249, %dma_wait3A_250] : memref<8x16x512xf32, #tpu.memory_space<vmem>> -> memref<1x16x512xf32, #tpu.memory_space<vmem>>
      %dma_wait3A_252 = tpu.memref_squeeze %dma_wait3A_251 : memref<1x16x512xf32, #tpu.memory_space<vmem>> -> memref<16x512xf32, #tpu.memory_space<vmem>>
      %dma_wait3A_253 = arith.constant 0 : i32
      %dma_wait3A_254 = arith.constant 0 : i32
      %dma_wait3A_255 = tpu.memref_slice %arg5[%dma_wait3A_253, %dma_wait3A_254] : memref<100000x512xf32, #tpu.memory_space<hbm>> -> memref<100000x512xf32, #tpu.memory_space<hbm>>
      %dma_wait3A_256 = tpu.memref_slice %arg12[%dma_wait3A_248] : memref<8x!tpu.dma_semaphore, #tpu.memory_space<semaphore_mem>> -> memref<1x!tpu.dma_semaphore, #tpu.memory_space<semaphore_mem>>
      %dma_wait3A_257 = tpu.memref_squeeze %dma_wait3A_256 : memref<1x!tpu.dma_semaphore, #tpu.memory_space<semaphore_mem>> -> memref<!tpu.dma_semaphore, #tpu.memory_space<semaphore_mem>>
      tpu.wait_indirect_dma semaphore(%dma_wait3A_257 : memref<!tpu.dma_semaphore, #tpu.memory_space<semaphore_mem>>) src(%dma_wait3A_252 : memref<16x512xf32, #tpu.memory_space<vmem>>) dst(%dma_wait3A_255 : memref<100000x512xf32, #tpu.memory_space<hbm>>)
    } else {
    }
    %gt3A_212 = arith.constant 4 : i32
    %gt3A_213 = arith.cmpi sgt, %select_n3A_91, %gt3A_212 : i32
    %convert_element_type3A_214 = arith.extui %gt3A_213 : i1 to i32
    %cond3A_215 = arith.constant 0 : i32
    %cond3A_216 = arith.cmpi ne, %convert_element_type3A_214, %cond3A_215 : i32
    scf.if %cond3A_216 {
      %get3A = arith.constant 0 : index
      %get3A_247 = tpu.vector_load %arg8[%get3A] {strides = array<i32>} : memref<3168xi32, #tpu.memory_space<vmem>>, vector<16xi32>,
      %dma_wait3A = arith.constant 4 : i32
      %dma_wait3A_248 = arith.constant 0 : i32
      %dma_wait3A_249 = arith.constant 0 : i32
      %dma_wait3A_250 = tpu.memref_slice %arg5[%dma_wait3A_248, %dma_wait3A_249] : memref<100000x512xf32, #tpu.memory_space<hbm>> -> memref<100000x512xf32, #tpu.memory_space<hbm>>
      %dma_wait3A_251 = tpu.memref_slice %arg13[%dma_wait3A] : memref<8x!tpu.dma_semaphore, #tpu.memory_space<semaphore_mem>> -> memref<1x!tpu.dma_semaphore, #tpu.memory_space<semaphore_mem>>
      %dma_wait3A_252 = tpu.memref_squeeze %dma_wait3A_251 : memref<1x!tpu.dma_semaphore, #tpu.memory_space<semaphore_mem>> -> memref<!tpu.dma_semaphore, #tpu.memory_space<semaphore_mem>>
      tpu.wait_indirect_dma semaphore(%dma_wait3A_252 : memref<!tpu.dma_semaphore, #tpu.memory_space<semaphore_mem>>) src(%arg10 : memref<16x512xf32, #tpu.memory_space<vmem>>) dst(%dma_wait3A_250 : memref<100000x512xf32, #tpu.memory_space<hbm>>)
    } else {
    }
    %gt3A_217 = arith.constant 5 : i32
    %gt3A_218 = arith.cmpi sgt, %select_n3A_63, %gt3A_217 : i32
    %convert_element_type3A_219 = arith.extui %gt3A_218 : i1 to i32
    %cond3A_220 = arith.constant 0 : i32
    %cond3A_221 = arith.cmpi ne, %convert_element_type3A_219, %cond3A_220 : i32
    scf.if %cond3A_221 {
      %get3A = arith.constant 0 : index
      %get3A_247 = tpu.vector_load %arg7[%get3A] {strides = array<i32>} : memref<3168xi32, #tpu.memory_space<vmem>>, vector<16xi32>,
      %dma_wait3A = arith.constant 5 : i32
      %dma_wait3A_248 = arith.constant 5 : i32
      %dma_wait3A_249 = arith.constant 0 : i32
      %dma_wait3A_250 = arith.constant 0 : i32
      %dma_wait3A_251 = tpu.memref_slice %arg9[%dma_wait3A, %dma_wait3A_249, %dma_wait3A_250] : memref<8x16x512xf32, #tpu.memory_space<vmem>> -> memref<1x16x512xf32, #tpu.memory_space<vmem>>
      %dma_wait3A_252 = tpu.memref_squeeze %dma_wait3A_251 : memref<1x16x512xf32, #tpu.memory_space<vmem>> -> memref<16x512xf32, #tpu.memory_space<vmem>>
      %dma_wait3A_253 = arith.constant 0 : i32
      %dma_wait3A_254 = arith.constant 0 : i32
      %dma_wait3A_255 = tpu.memref_slice %arg5[%dma_wait3A_253, %dma_wait3A_254] : memref<100000x512xf32, #tpu.memory_space<hbm>> -> memref<100000x512xf32, #tpu.memory_space<hbm>>
      %dma_wait3A_256 = tpu.memref_slice %arg12[%dma_wait3A_248] : memref<8x!tpu.dma_semaphore, #tpu.memory_space<semaphore_mem>> -> memref<1x!tpu.dma_semaphore, #tpu.memory_space<semaphore_mem>>
      %dma_wait3A_257 = tpu.memref_squeeze %dma_wait3A_256 : memref<1x!tpu.dma_semaphore, #tpu.memory_space<semaphore_mem>> -> memref<!tpu.dma_semaphore, #tpu.memory_space<semaphore_mem>>
      tpu.wait_indirect_dma semaphore(%dma_wait3A_257 : memref<!tpu.dma_semaphore, #tpu.memory_space<semaphore_mem>>) src(%dma_wait3A_252 : memref<16x512xf32, #tpu.memory_space<vmem>>) dst(%dma_wait3A_255 : memref<100000x512xf32, #tpu.memory_space<hbm>>)
    } else {
    }
    %gt3A_222 = arith.constant 5 : i32
    %gt3A_223 = arith.cmpi sgt, %select_n3A_91, %gt3A_222 : i32
    %convert_element_type3A_224 = arith.extui %gt3A_223 : i1 to i32
    %cond3A_225 = arith.constant 0 : i32
    %cond3A_226 = arith.cmpi ne, %convert_element_type3A_224, %cond3A_225 : i32
    scf.if %cond3A_226 {
      %get3A = arith.constant 0 : index
      %get3A_247 = tpu.vector_load %arg8[%get3A] {strides = array<i32>} : memref<3168xi32, #tpu.memory_space<vmem>>, vector<16xi32>,
      %dma_wait3A = arith.constant 5 : i32
      %dma_wait3A_248 = arith.constant 0 : i32
      %dma_wait3A_249 = arith.constant 0 : i32
      %dma_wait3A_250 = tpu.memref_slice %arg5[%dma_wait3A_248, %dma_wait3A_249] : memref<100000x512xf32, #tpu.memory_space<hbm>> -> memref<100000x512xf32, #tpu.memory_space<hbm>>
      %dma_wait3A_251 = tpu.memref_slice %arg13[%dma_wait3A] : memref<8x!tpu.dma_semaphore, #tpu.memory_space<semaphore_mem>> -> memref<1x!tpu.dma_semaphore, #tpu.memory_space<semaphore_mem>>
      %dma_wait3A_252 = tpu.memref_squeeze %dma_wait3A_251 : memref<1x!tpu.dma_semaphore, #tpu.memory_space<semaphore_mem>> -> memref<!tpu.dma_semaphore, #tpu.memory_space<semaphore_mem>>
      tpu.wait_indirect_dma semaphore(%dma_wait3A_252 : memref<!tpu.dma_semaphore, #tpu.memory_space<semaphore_mem>>) src(%arg10 : memref<16x512xf32, #tpu.memory_space<vmem>>) dst(%dma_wait3A_250 : memref<100000x512xf32, #tpu.memory_space<hbm>>)
    } else {
    }
    %gt3A_227 = arith.constant 6 : i32
    %gt3A_228 = arith.cmpi sgt, %select_n3A_63, %gt3A_227 : i32
    %convert_element_type3A_229 = arith.extui %gt3A_228 : i1 to i32
    %cond3A_230 = arith.constant 0 : i32
    %cond3A_231 = arith.cmpi ne, %convert_element_type3A_229, %cond3A_230 : i32
    scf.if %cond3A_231 {
      %get3A = arith.constant 0 : index
      %get3A_247 = tpu.vector_load %arg7[%get3A] {strides = array<i32>} : memref<3168xi32, #tpu.memory_space<vmem>>, vector<16xi32>,
      %dma_wait3A = arith.constant 6 : i32
      %dma_wait3A_248 = arith.constant 6 : i32
      %dma_wait3A_249 = arith.constant 0 : i32
      %dma_wait3A_250 = arith.constant 0 : i32
      %dma_wait3A_251 = tpu.memref_slice %arg9[%dma_wait3A, %dma_wait3A_249, %dma_wait3A_250] : memref<8x16x512xf32, #tpu.memory_space<vmem>> -> memref<1x16x512xf32, #tpu.memory_space<vmem>>
      %dma_wait3A_252 = tpu.memref_squeeze %dma_wait3A_251 : memref<1x16x512xf32, #tpu.memory_space<vmem>> -> memref<16x512xf32, #tpu.memory_space<vmem>>
      %dma_wait3A_253 = arith.constant 0 : i32
      %dma_wait3A_254 = arith.constant 0 : i32
      %dma_wait3A_255 = tpu.memref_slice %arg5[%dma_wait3A_253, %dma_wait3A_254] : memref<100000x512xf32, #tpu.memory_space<hbm>> -> memref<100000x512xf32, #tpu.memory_space<hbm>>
      %dma_wait3A_256 = tpu.memref_slice %arg12[%dma_wait3A_248] : memref<8x!tpu.dma_semaphore, #tpu.memory_space<semaphore_mem>> -> memref<1x!tpu.dma_semaphore, #tpu.memory_space<semaphore_mem>>
      %dma_wait3A_257 = tpu.memref_squeeze %dma_wait3A_256 : memref<1x!tpu.dma_semaphore, #tpu.memory_space<semaphore_mem>> -> memref<!tpu.dma_semaphore, #tpu.memory_space<semaphore_mem>>
      tpu.wait_indirect_dma semaphore(%dma_wait3A_257 : memref<!tpu.dma_semaphore, #tpu.memory_space<semaphore_mem>>) src(%dma_wait3A_252 : memref<16x512xf32, #tpu.memory_space<vmem>>) dst(%dma_wait3A_255 : memref<100000x512xf32, #tpu.memory_space<hbm>>)
    } else {
    }
    %gt3A_232 = arith.constant 6 : i32
    %gt3A_233 = arith.cmpi sgt, %select_n3A_91, %gt3A_232 : i32
    %convert_element_type3A_234 = arith.extui %gt3A_233 : i1 to i32
    %cond3A_235 = arith.constant 0 : i32
    %cond3A_236 = arith.cmpi ne, %convert_element_type3A_234, %cond3A_235 : i32
    scf.if %cond3A_236 {
      %get3A = arith.constant 0 : index
      %get3A_247 = tpu.vector_load %arg8[%get3A] {strides = array<i32>} : memref<3168xi32, #tpu.memory_space<vmem>>, vector<16xi32>,
      %dma_wait3A = arith.constant 6 : i32
      %dma_wait3A_248 = arith.constant 0 : i32
      %dma_wait3A_249 = arith.constant 0 : i32
      %dma_wait3A_250 = tpu.memref_slice %arg5[%dma_wait3A_248, %dma_wait3A_249] : memref<100000x512xf32, #tpu.memory_space<hbm>> -> memref<100000x512xf32, #tpu.memory_space<hbm>>
      %dma_wait3A_251 = tpu.memref_slice %arg13[%dma_wait3A] : memref<8x!tpu.dma_semaphore, #tpu.memory_space<semaphore_mem>> -> memref<1x!tpu.dma_semaphore, #tpu.memory_space<semaphore_mem>>
      %dma_wait3A_252 = tpu.memref_squeeze %dma_wait3A_251 : memref<1x!tpu.dma_semaphore, #tpu.memory_space<semaphore_mem>> -> memref<!tpu.dma_semaphore, #tpu.memory_space<semaphore_mem>>
      tpu.wait_indirect_dma semaphore(%dma_wait3A_252 : memref<!tpu.dma_semaphore, #tpu.memory_space<semaphore_mem>>) src(%arg10 : memref<16x512xf32, #tpu.memory_space<vmem>>) dst(%dma_wait3A_250 : memref<100000x512xf32, #tpu.memory_space<hbm>>)
    } else {
    }
    %gt3A_237 = arith.constant 7 : i32
    %gt3A_238 = arith.cmpi sgt, %select_n3A_63, %gt3A_237 : i32
    %convert_element_type3A_239 = arith.extui %gt3A_238 : i1 to i32
    %cond3A_240 = arith.constant 0 : i32
    %cond3A_241 = arith.cmpi ne, %convert_element_type3A_239, %cond3A_240 : i32
    scf.if %cond3A_241 {
      %get3A = arith.constant 0 : index
      %get3A_247 = tpu.vector_load %arg7[%get3A] {strides = array<i32>} : memref<3168xi32, #tpu.memory_space<vmem>>, vector<16xi32>,
      %dma_wait3A = arith.constant 7 : i32
      %dma_wait3A_248 = arith.constant 7 : i32
      %dma_wait3A_249 = arith.constant 0 : i32
      %dma_wait3A_250 = arith.constant 0 : i32
      %dma_wait3A_251 = tpu.memref_slice %arg9[%dma_wait3A, %dma_wait3A_249, %dma_wait3A_250] : memref<8x16x512xf32, #tpu.memory_space<vmem>> -> memref<1x16x512xf32, #tpu.memory_space<vmem>>
      %dma_wait3A_252 = tpu.memref_squeeze %dma_wait3A_251 : memref<1x16x512xf32, #tpu.memory_space<vmem>> -> memref<16x512xf32, #tpu.memory_space<vmem>>
      %dma_wait3A_253 = arith.constant 0 : i32
      %dma_wait3A_254 = arith.constant 0 : i32
      %dma_wait3A_255 = tpu.memref_slice %arg5[%dma_wait3A_253, %dma_wait3A_254] : memref<100000x512xf32, #tpu.memory_space<hbm>> -> memref<100000x512xf32, #tpu.memory_space<hbm>>
      %dma_wait3A_256 = tpu.memref_slice %arg12[%dma_wait3A_248] : memref<8x!tpu.dma_semaphore, #tpu.memory_space<semaphore_mem>> -> memref<1x!tpu.dma_semaphore, #tpu.memory_space<semaphore_mem>>
      %dma_wait3A_257 = tpu.memref_squeeze %dma_wait3A_256 : memref<1x!tpu.dma_semaphore, #tpu.memory_space<semaphore_mem>> -> memref<!tpu.dma_semaphore, #tpu.memory_space<semaphore_mem>>
      tpu.wait_indirect_dma semaphore(%dma_wait3A_257 : memref<!tpu.dma_semaphore, #tpu.memory_space<semaphore_mem>>) src(%dma_wait3A_252 : memref<16x512xf32, #tpu.memory_space<vmem>>) dst(%dma_wait3A_255 : memref<100000x512xf32, #tpu.memory_space<hbm>>)
    } else {
    }
    %gt3A_242 = arith.constant 7 : i32
    %gt3A_243 = arith.cmpi sgt, %select_n3A_91, %gt3A_242 : i32
    %convert_element_type3A_244 = arith.extui %gt3A_243 : i1 to i32
    %cond3A_245 = arith.constant 0 : i32
    %cond3A_246 = arith.cmpi ne, %convert_element_type3A_244, %cond3A_245 : i32
    scf.if %cond3A_246 {
      %get3A = arith.constant 0 : index
      %get3A_247 = tpu.vector_load %arg8[%get3A] {strides = array<i32>} : memref<3168xi32, #tpu.memory_space<vmem>>, vector<16xi32>,
      %dma_wait3A = arith.constant 7 : i32
      %dma_wait3A_248 = arith.constant 0 : i32
      %dma_wait3A_249 = arith.constant 0 : i32
      %dma_wait3A_250 = tpu.memref_slice %arg5[%dma_wait3A_248, %dma_wait3A_249] : memref<100000x512xf32, #tpu.memory_space<hbm>> -> memref<100000x512xf32, #tpu.memory_space<hbm>>
      %dma_wait3A_251 = tpu.memref_slice %arg13[%dma_wait3A] : memref<8x!tpu.dma_semaphore, #tpu.memory_space<semaphore_mem>> -> memref<1x!tpu.dma_semaphore, #tpu.memory_space<semaphore_mem>>
      %dma_wait3A_252 = tpu.memref_squeeze %dma_wait3A_251 : memref<1x!tpu.dma_semaphore, #tpu.memory_space<semaphore_mem>> -> memref<!tpu.dma_semaphore, #tpu.memory_space<semaphore_mem>>
      tpu.wait_indirect_dma semaphore(%dma_wait3A_252 : memref<!tpu.dma_semaphore, #tpu.memory_space<semaphore_mem>>) src(%arg10 : memref<16x512xf32, #tpu.memory_space<vmem>>) dst(%dma_wait3A_250 : memref<100000x512xf32, #tpu.memory_space<hbm>>)
    } else {
    }
    return
  }
}

</mosaic_0001>

<sc_bundles>
// kernel: kernel.3.cloned.1.call-start
scs
__scs_entry_jumppad:
0x0: {  	(pc) =	sbr.rel $0x88, $3  }
0x1: {  	(tag) =	ssettag $0x0;
	lr =	simm.s32 $0x1  }
0x2: {  	[smem:$0x3F9F] =	sst lr;
	_ =	strace $0xD0000000  }
0x3: {  	_ = 	snop  }
0x4: {  	_ = 	snop  }
0x5: {  	_ = 	snop  }
0x6: {  	_ = 	snop  }
0x7: {  	_ = 	snop  }
__scs_overlays_trampoline_lowered:
0x8: {  	[smem:$0x3FAE] =	sst s0  }
0x9: {  	[smem:$0x3FAF] =	sst s1  }
0xa: {  	[smem:$0x3FB0] =	sst s2  }
0xb: {  	[smem:$0x3FB1] =	sst s3  }
0xc: {  	[smem:$0x3FB2] =	sst s4  }
0xd: {  	[smem:$0x3FB3] =	sst s5  }
0xe: {  	[smem:$0x3FB4] =	sst s6  }
0xf: {  	[smem:$0x3FB5] =	sst s7  }
0x10: {  	[smem:$0x3FB6] =	sst s8  }
0x11: {  	[smem:$0x3FB7] =	sst s9;
	s0 =	simm.s32 @!p0 $0x0  }
0x12: {  	s1 =	sld [smem:$0x3F9D];
	s0 =	simm.s32 @p0 $0x1  }
0x13: {  	[smem:$0x3FB8] =	sst s0;
	s0 =	simm.s32 @!p1 $0x0  }
0x14: {  	s2 =	sld [smem:$0x3F9C];
	s0 =	simm.s32 @p1 $0x1  }
0x15: {  	[smem:$0x3FB9] =	sst s0;
	s0 =	simm.s32 @!p2 $0x0  }
0x16: {  	s3 =	sld [smem:$0x3FDB];
	s0 =	simm.s32 @p2 $0x1  }
0x17: {  	s4 =	simm.s32 $0x1BF5;
	[smem:$0x3FBB] =	sst s0  }
0x18: {  	s0 =	sld [smem:$0x3F9E];
	_ =	swait.ge [sflag:s4], $0x0  }
0x19: {  	s7 =	sld [smem:$0x3F9F]  }
0x1a: {  	s8 =	sadd.s32 $0xFFFFE003, lr  }
0x1b: {  	s9 =	sadd.s32 $0xFFFFFEF7, lr;
	s5 =	simm.s32 $0xFFFFFFFF;
	p2 =	slt.u32 s8, $0xFFFFF086  }
0x1c: {  	p1 =	slt.u32 s9, $0xF7A;
	s5 =	simm.s32 @!p2 $0x0  }
0x1d: {  	s5 =	simm.s32 @p1 $0x1;
	p0 =	seq.s32 s7, s2  }
0x1e: {  	s7 =	smul.u32 @!p0 $0xF7A, s2;
	p2 =	seq.s32 @!p0 s5, $0x0  }
0x1f: {  	s9 =	smul.u32 $0xF7A, s1;
	s8 =	simm.s32 @!p0 $0x1BF5;
	p2 =	por !p2, p0  }
0x20: {  	[sflag:s8] =	ssyncset.s32 @!p0 $0xFFFFF086;
	s6 =	sadd.s32 @!p0 s3, s7;
	s7 =	simm.s32 @!p0 $0x108  }
0x21: {  	s3 =	sadd.s32 s3, s9;
	s6 =	sadd.s32 @!p0 $0x88, s6;
	s7 =	simm.s32 @p2 $0x1082  }
0x22: {  	[simem:s7], [sflag:s8] =	dma.local @!p0 [hbm:s6], $0xF7A  }
0x23: {  	s9 =	sor.u32 $0xD0000000, s2;
	s6 =	simm.s32 $0x108;
	_ =	swait.ge @!p0 [sflag:s8], $0x0  }
0x24: {  	s3 =	sadd.s32 $0x88, s3;
	s6 =	simm.s32 @!p1 $0x1082;
	[sflag:s4] =	ssyncset.s32 $0xFFFFF086  }
0x25: {  	[simem:s6], [sflag:s4] =	dma.local [hbm:s3], $0xF7A  }
0x26: {  	[smem:$0x3F9F] =	sst s1;
	(tag) =	ssettag s2;
	_ =	strace s9  }
0x27: {  	s1 =	sld [smem:$0x3FAF]  }
0x28: {  	s2 =	sld [smem:$0x3FB0]  }
0x29: {  	s4 =	sld [smem:$0x3FB2]  }
0x2a: {  	p0 =	seq.s32 s5, $0x0;
	s5 =	sld [smem:$0x3FB3]  }
0x2b: {  	s6 =	sld [smem:$0x3FB4]  }
0x2c: {  	s7 =	sld [smem:$0x3FB5]  }
0x2d: {  	s3 =	simm.s32 $0x108;
	s8 =	sld [smem:$0x3FB6]  }
0x2e: {  	s3 =	simm.s32 @!p0 $0x1082;
	s9 =	sld [smem:$0x3FB7]  }
0x2f: {  	lr =	sadd.s32 s0, s3;
	s0 =	sld [smem:$0x3FAE]  }
0x30: {  	s3 =	sld [smem:$0x3FB1]  }
0x31: {  	[smem:$0x3FBA] =	sst s10  }
0x32: {  	s10 =	sld [smem:$0x3FB8];
	_ =	sdelay $0x3  }
0x33: {  	p0 =	seq.s32 s10, $0x1;
	s10 =	sld [smem:$0x3FBA];
	_ =	sdelay $0x3  }
0x34: {  	[smem:$0x3FBA] =	sst s10  }
0x35: {  	s10 =	sld [smem:$0x3FB9];
	_ =	sdelay $0x3  }
0x36: {  	p1 =	seq.s32 s10, $0x1;
	s10 =	sld [smem:$0x3FBA];
	_ =	sdelay $0x3  }
0x37: {  	[smem:$0x3FBA] =	sst s10  }
0x38: {  	s10 =	sld [smem:$0x3FBB]  }
0x39: {  	_ = 	snop;
	(pc) =	sbr.ind lr, $3  }
0x3a: {  	_ = 	snop  }
0x3b: {  	_ = 	snop  }
0x3c: {  	p2 =	seq.s32 s10, $0x1;
	s10 =	sld [smem:$0x3FBA]  }
0x3d: {  	_ =	shalt  }
0x3e: {  	_ =	shalt  }
0x3f: {  	_ =	shalt  }
0x40: {  	_ =	shalt  }
0x41: {  	_ =	shalt  }
0x42: {  	_ =	shalt  }
0x43: {  	_ =	shalt  }
0x44: {  	_ =	shalt  }
0x45: {  	_ =	shalt  }
0x46: {  	_ =	shalt  }
0x47: {  	_ =	shalt  }
0x48: {  	_ =	shalt  }
0x49: {  	_ =	shalt  }
0x4a: {  	_ =	shalt  }
0x4b: {  	_ =	shalt  }
0x4c: {  	_ =	shalt  }
0x4d: {  	_ =	shalt  }
0x4e: {  	_ =	shalt  }
0x4f: {  	_ =	shalt  }
0x50: {  	_ =	shalt  }
0x51: {  	_ =	shalt  }
0x52: {  	_ =	shalt  }
0x53: {  	_ =	shalt  }
0x54: {  	_ =	shalt  }
0x55: {  	_ =	shalt  }
0x56: {  	_ =	shalt  }
0x57: {  	_ =	shalt  }
0x58: {  	_ =	shalt  }
0x59: {  	_ =	shalt  }
0x5a: {  	_ =	shalt  }
0x5b: {  	_ =	shalt  }
0x5c: {  	_ =	shalt  }
0x5d: {  	_ =	shalt  }
0x5e: {  	_ =	shalt  }
0x5f: {  	_ =	shalt  }
0x60: {  	_ =	shalt  }
0x61: {  	_ =	shalt  }
0x62: {  	_ =	shalt  }
0x63: {  	_ =	shalt  }
0x64: {  	_ =	shalt  }
0x65: {  	_ =	shalt  }
0x66: {  	_ =	shalt  }
0x67: {  	_ =	shalt  }
0x68: {  	_ =	shalt  }
0x69: {  	_ =	shalt  }
0x6a: {  	_ =	shalt  }
0x6b: {  	_ =	shalt  }
0x6c: {  	_ =	shalt  }
0x6d: {  	_ =	shalt  }
0x6e: {  	_ =	shalt  }
0x6f: {  	_ =	shalt  }
0x70: {  	_ =	shalt  }
0x71: {  	_ =	shalt  }
0x72: {  	_ =	shalt  }
0x73: {  	_ =	shalt  }
0x74: {  	_ =	shalt  }
0x75: {  	_ =	shalt  }
0x76: {  	_ =	shalt  }
0x77: {  	_ =	shalt  }
0x78: {  	_ =	shalt  }
0x79: {  	_ =	shalt  }
0x7a: {  	_ =	shalt  }
0x7b: {  	_ =	shalt  }
0x7c: {  	_ =	shalt  }
0x7d: {  	_ =	shalt  }
0x7e: {  	_ =	shalt  }
0x7f: {  	_ =	shalt  }
0x80: {  	_ =	shalt  }
0x81: {  	_ =	shalt  }
0x82: {  	_ =	shalt  }
0x83: {  	_ =	shalt  }
0x84: {  	_ =	shalt  }
0x85: {  	_ =	shalt  }
0x86: {  	_ =	shalt  }
0x87: {  	_ =	shalt  }
.Lfunc_end0:
.L_simem_size_0:
called_computation_lowered:
.L_overlay_start_0:
0x88: {  	s2 =	sld [smem:$0x3FD9]  }
0x89: {  	s3 =	sld [smem:$0x3FFE];
	_ =	sdelay $0x1  }
0x8a: {  	s1 =	srdreg.scid  }
0x8b: {  	s0 =	sand.u32 $0x1, s1  }
0x8c: {  	s17 =	sshll.u32 s0, $0xA;
	s2 =	sadd.s32 s3, s2  }
0x8d: {  	s2 =	sadd.s32 s2, s17  }
0x8e: {  	[smem:$0x3FC6] =	sst s2  }
0x8f: {  	_ = 	snop  }
0x90: {  	s2 =	sld [smem:$0x3FC9]  }
0x91: {  	s18 =	sld [smem:$0x3FD0];
	(tm) =	ssettm $0x1  }
0x92: {  	s4 =	sld [smem:$0x3FFB];
	_ =	sdelay $0x3  }
0x93: {  	_ =	strace s4  }
0x94: {  	s4 =	sld [smem:$0x3FFC];
	_ =	sdelay $0x3  }
0x95: {  	_ =	strace s4  }
0x96: {  	s4 =	sld [smem:$0x3FFD];
	_ =	sdelay $0x3  }
0x97: {  	_ =	strace s4  }
0x98: {  	_ =	strace $0x8FFFFFFF  }
0x99: {  	s19 =	sld [smem:$0x3FDB];
	_ =	sdelay $0x1  }
0x9a: {  	s5 =	simm.s32 $_scs_section_size  }
0x9b: {  	s6 =	simm.s32 $_size__tile_overlayer_lowered;
	s7 =	simm.s32 $_tile_overlayer_lowered  }
0x9c: {  	s22 =	simm.s32 $0x1BFF;
	s21 =	sshll.u32 s7, $0x1;
	s4 =	sadd.s32 s5, s19  }
0x9d: {  	s8 =	simm.s32 $0x0;
	s20 =	sshll.u32 s6, $0x1;
	s6 =	sadd.s32 s21, s4  }
0x9e: {  	[timem:s8], [sflag:s22] =	dma.local [hbm:s6], s20  }
0x9f: {  	_ =	swait.ge [sflag:s22], s20  }
0xa0: {  	s5 =	ssub.s32 $0x0, s20;
	[sflag:s22] =	ssyncset.done $0x0  }
0xa1: {  	[sflag:s22] =	ssyncadd.s32 s5;
	_ =	sdelay $0x1  }
0xa2: {  	s23 =	simm.s32 $0x1B8B  }
0xa3: {  	_ =	swait.ge [sflag:s23], $0x1  }
0xa4: {  	[sflag:s23] =	ssyncset.done $0x0  }
0xa5: {  	s25 =	simm.s32 $0x1B8E;
	s24 =	sld [smem:$0x3FFE];
	[sflag:s23] =	ssyncadd.s32 $0xFFFFFFFF  }
0xa6: {  	s26 =	simm.s32 $execute0_lowered;
	[smem:$0x3FD2] =	sst s25  }
0xa7: {  	s6 =	sshll.u32 s26, $0x1;
	_ =	strace $0x80000046;
	[dreg:$0x1] =	wrdreg $0xFFFFFFFF  }
0xa8: {  	s28 =	simm.s32 $_size_execute0_lowered;
	s4 =	sadd.s32 s4, s6;
	[dreg:$0x0] =	wrdreg $0x0  }
0xa9: {  	s6 =	sshll.u32 s28, $0x1;
	[dreg:$0x2] =	wrdreg s4  }
0xaa: {  	[dreg:$0x3] =	wrdreg s6  }
0xab: {  	[dreg:$0x4] =	wrdreg $0xC0  }
0xac: {  	_ =	task [dreg:s8], $0x5FFFF  }
0xad: {  	[dreg:$0x1] =	wrdreg $0xFFFFFFFF  }
0xae: {  	[dreg:$0x0] =	wrdreg $0x60  }
0xaf: {  	[dreg:$0x2] =	wrdreg s2  }
0xb0: {  	[dreg:$0x3] =	wrdreg s24  }
0xb1: {  	[dreg:$0x4] =	wrdreg s18  }
0xb2: {  	[dreg:$0x5] =	wrdreg $0x9  }
0xb3: {  	_ =	task.clear_ibuf [dreg:s8], $0x6FFFF;
	_ =	strace $0x90000046  }
0xb4: {  	s29 =	simm.s32 $0x9;
	_ =	strace $0x80000048  }
0xb5: {  	_ =	swait.ge [sflag:s29], $0x1  }
0xb6: {  	[sflag:s29] =	ssyncadd.s32 $0xFFFFFFFF  }
0xb7: {  	_ =	strace $0x90000048  }
0xb8: {  	_ =	sfence  }
0xb9: {  	s30 =	sld [smem:$0x0];
	_ =	sdelay $0x2  }
0xba: {  	s31 =	sshll.u32 s1, $0xD;
	s1 =	sshrl.u32 s1, $0x2  }
0xbb: {  	s3 =	sand.u32 $0x4000, s31;
	s1 =	sadd.s32 s1, s30  }
0xbc: {  	s0 =	sor.u32 s3, s0;
	s1 =	sshll.u32 s1, $0x11  }
0xbd: {  	s0 =	sor.u32 s1, s0  }
0xbe: {  	s0 =	sadd.s32 $0x8F2B, s0  }
0xbf: {  	[sflag:s0] =	ssyncadd.remote.s32 $0x1  }
0xc0: {  	_ =	sfence.sel $0xFFFF  }
0xc1: {  	[dreg:$0x0] =	wrdreg $0xFFFFFFFF;
	(pc) =	sbr.abs _section_cstart, $3  }
0xc2: {  	[dreg:$0x1] =	wrdreg $0xFFFFFFFF  }
0xc3: {  	_ =	task.clear_ibuf [dreg:s8], $0x2FFFF;
	_ =	strace $0x9FFFFFFF  }
0xc4: {  	(tm) =	ssettm $0x7FFFFFFF  }
0xc5: {  	_ =	shalt  }
tec
execute0_lowered:
.L_overlay_start_1:
0x0: {  	(tag) =	ssettag $0x1  }
0x1: {  	s16 =	rddreg [dreg:$0x0]  }
0x2: {  	s0 =	srdreg.scid;
	s2 =	rddreg [dreg:$0x1]  }
0x3: {  	s6 =	stileid.u32;
	s3 =	rddreg [dreg:$0x2];
	s4 =	simm.s32 $0x0  }
0x4: {  	s0 =	sand.u32 $0x1, s0;
	s1 =	sshll.u32 s6, $0x1;
	s8 =	smul.u32 $0x186A, s6  }
0x5: {  	s1 =	sor.u32 s0, s1;
	s5 =	ssub.s32 $0x2, s0;
	s0 =	smul.u32 $0xC35, s0  }
0x6: {  	[smem:$0x7FF] =	sst s4;
	s1 =	smul.u32 $0xC35, s1  }
0x7: {  	s13 =	simm.s32 $0xC80;
	s14 =	simm.s32 $0x1900;
	_ =	strace $0x80000047  }
0x8: {  	s7 =	sshrl.u32 s5, $0x1;
	s0 =	sadd.s32 s0, s8;
	s29 =	sand.u32 $0x1FFF8, s1  }
0x9: {  	s30 =	ssub.s32 s5, s7;
	s0 =	sand.u32 $0x3FFF8, s0;
	s4 =	smin.u32 s29, $0x17A60  }
.Ltmp0:
0xa: {  	s0 =	smin.u32 s0, $0x17A60;
	s4 =	sshrl.u32 s4, $0x3;
	(pc) =	sbr.rel .LBB2_1-.Ltmp0, $4  }
0xb: {  	[dreg:$0x15] =	wrdreg s0;
	s4 =	sadd.s32 s4, s2;
	s2 =	sadd.s32 $0x3600, s2  }
0xc: {  	s7 =	sadd.s32 $0x100, s16;
	[dreg:$0x12] =	wrdreg s2;
	s4 =	sadd.s32 $0x400, s4  }
0xd: {  	v2 =	vlaneseq.u32;
	s31 =	sadd.s32 $0xC35, s1;
	s2 =	smax.u32 s30, $0x1;
	[dreg:$0x13] =	wrdreg s4  }
0xe: {  	v3 =	vimm.s32 $0x0;
	s8 =	sadd.s32 $0x100, s3;
	v0 =	vmov s1;
	v1 =	vmov s31;
	[dreg:$0x14] =	wrdreg s2;
	s2 =	simm.s32 $0x0  }
.LBB2_9:
0xf: {  	p0 =	slt.s32 s4, $0x1  }
0x10: {  	s0 =	simm.s32 @!p0 $0x9  }
0x11: {  	_ =	swait.ge @!p0 [sflag:s0], $0x2000  }
0x12: {  	p1 =	slt.s32 s17, $0x1;
	[sflag:s0] =	ssyncset.done @!p0 $0x0  }
0x13: {  	[sflag:s0] =	ssyncadd.s32 @!p0 $0xFFFFE000;
	s0 =	simm.s32 @!p1 $0x11  }
0x14: {  	_ =	swait.ge @!p1 [sflag:s0], $0x2000  }
0x15: {  	p0 =	slt.s32 s4, $0x2;
	[sflag:s0] =	ssyncset.done @!p1 $0x0  }
0x16: {  	[sflag:s0] =	ssyncadd.s32 @!p1 $0xFFFFE000;
	s0 =	simm.s32 @!p0 $0xA  }
0x17: {  	_ =	swait.ge @!p0 [sflag:s0], $0x2000  }
0x18: {  	p1 =	slt.s32 s17, $0x2;
	[sflag:s0] =	ssyncset.done @!p0 $0x0  }
0x19: {  	[sflag:s0] =	ssyncadd.s32 @!p0 $0xFFFFE000;
	s0 =	simm.s32 @!p1 $0x12  }
0x1a: {  	_ =	swait.ge @!p1 [sflag:s0], $0x2000  }
0x1b: {  	p0 =	slt.s32 s4, $0x3;
	[sflag:s0] =	ssyncset.done @!p1 $0x0  }
0x1c: {  	[sflag:s0] =	ssyncadd.s32 @!p1 $0xFFFFE000;
	s0 =	simm.s32 @!p0 $0xB  }
0x1d: {  	_ =	swait.ge @!p0 [sflag:s0], $0x2000  }
0x1e: {  	p1 =	slt.s32 s17, $0x3;
	[sflag:s0] =	ssyncset.done @!p0 $0x0  }
0x1f: {  	[sflag:s0] =	ssyncadd.s32 @!p0 $0xFFFFE000;
	s0 =	simm.s32 @!p1 $0x13  }
0x20: {  	_ =	swait.ge @!p1 [sflag:s0], $0x2000  }
0x21: {  	p0 =	slt.s32 s4, $0x4;
	[sflag:s0] =	ssyncset.done @!p1 $0x0  }
0x22: {  	[sflag:s0] =	ssyncadd.s32 @!p1 $0xFFFFE000;
	s0 =	simm.s32 @!p0 $0xC  }
0x23: {  	_ =	swait.ge @!p0 [sflag:s0], $0x2000  }
0x24: {  	p1 =	slt.s32 s17, $0x4;
	[sflag:s0] =	ssyncset.done @!p0 $0x0  }
0x25: {  	[sflag:s0] =	ssyncadd.s32 @!p0 $0xFFFFE000;
	s0 =	simm.s32 @!p1 $0x14  }
0x26: {  	_ =	swait.ge @!p1 [sflag:s0], $0x2000  }
0x27: {  	p0 =	slt.s32 s4, $0x5;
	[sflag:s0] =	ssyncset.done @!p1 $0x0  }
0x28: {  	[sflag:s0] =	ssyncadd.s32 @!p1 $0xFFFFE000;
	s0 =	simm.s32 @!p0 $0xD  }
0x29: {  	_ =	swait.ge @!p0 [sflag:s0], $0x2000  }
0x2a: {  	p1 =	slt.s32 s17, $0x5;
	[sflag:s0] =	ssyncset.done @!p0 $0x0  }
0x2b: {  	[sflag:s0] =	ssyncadd.s32 @!p0 $0xFFFFE000;
	s0 =	simm.s32 @!p1 $0x15  }
0x2c: {  	_ =	swait.ge @!p1 [sflag:s0], $0x2000  }
0x2d: {  	p0 =	slt.s32 s4, $0x6;
	[sflag:s0] =	ssyncset.done @!p1 $0x0  }
0x2e: {  	[sflag:s0] =	ssyncadd.s32 @!p1 $0xFFFFE000;
	s0 =	simm.s32 @!p0 $0xE  }
0x2f: {  	_ =	swait.ge @!p0 [sflag:s0], $0x2000  }
0x30: {  	p1 =	slt.s32 s17, $0x6;
	[sflag:s0] =	ssyncset.done @!p0 $0x0  }
0x31: {  	[sflag:s0] =	ssyncadd.s32 @!p0 $0xFFFFE000;
	s0 =	simm.s32 @!p1 $0x16  }
0x32: {  	_ =	swait.ge @!p1 [sflag:s0], $0x2000  }
0x33: {  	p0 =	slt.s32 s4, $0x7;
	[sflag:s0] =	ssyncset.done @!p1 $0x0  }
0x34: {  	[sflag:s0] =	ssyncadd.s32 @!p1 $0xFFFFE000;
	s0 =	simm.s32 @!p0 $0xF  }
0x35: {  	_ =	swait.ge @!p0 [sflag:s0], $0x2000  }
0x36: {  	p1 =	slt.s32 s17, $0x7;
	[sflag:s0] =	ssyncset.done @!p0 $0x0  }
0x37: {  	[sflag:s0] =	ssyncadd.s32 @!p0 $0xFFFFE000;
	s0 =	simm.s32 @!p1 $0x17  }
0x38: {  	_ =	swait.ge @!p1 [sflag:s0], $0x2000  }
0x39: {  	p0 =	slt.s32 s4, $0x8;
	[sflag:s0] =	ssyncset.done @!p1 $0x0  }
0x3a: {  	[sflag:s0] =	ssyncadd.s32 @!p1 $0xFFFFE000;
	s0 =	simm.s32 @!p0 $0x10  }
0x3b: {  	_ =	swait.ge @!p0 [sflag:s0], $0x2000  }
0x3c: {  	p1 =	slt.s32 s17, $0x8;
	[sflag:s0] =	ssyncset.done @!p0 $0x0  }
0x3d: {  	[sflag:s0] =	ssyncadd.s32 @!p0 $0xFFFFE000;
	s0 =	simm.s32 @!p1 $0x18  }
0x3e: {  	_ =	swait.ge @!p1 [sflag:s0], $0x2000  }
0x3f: {  	s2 =	rddreg [dreg:$0x16]  }
0x40: {  	s1 =	rddreg [dreg:$0x14];
	s2 =	sadd.s32 $0x1, s2  }
0x41: {  	p0 =	sne.s32 s2, s1  }
.Ltmp1:
0x42: {  	_ = 	snop;
	(pc) =	sbr.rel @!p0 .LBB2_10-.Ltmp1, $3  }
0x43: {  	_ =	sdelay $0x1  }
0x44: {  	[sflag:s0] =	ssyncset.done @!p1 $0x0  }
0x45: {  	[sflag:s0] =	ssyncadd.s32 @!p1 $0xFFFFE000  }
.LBB2_1:
0x46: {  	[dreg:$0x16] =	wrdreg s2  }
0x47: {  	s1 =	simm.s32 $0x0;
	s0 =	rddreg [dreg:$0x13];
	s29 =	simm.s32 $0x19  }
0x48: {  	[tilespmem:s1], [sflag:$0x19] =	stream.linear.gather [hbm4b:s0+s1], $0xC40, $0x38;
	[tilespmem:$0x14580] =	vst v63  }
0x49: {  	_ =	swait.ge [sflag:s29], $0xC40  }
0x4a: {  	[sflag:s29] =	ssyncset.done $0x0  }
0x4b: {  	s4 =	simm.s32 $0x12580;
	s30 =	rddreg [dreg:$0x12];
	[sflag:s29] =	ssyncadd.s32 $0xFFFFF3C0  }
0x4c: {  	[tilespmem:s4], [sflag:$0x19] =	stream.linear.gather [hbm4b:s30+s1], $0x2000, $0x38;
	[tilespmem:$0x14580] =	vst v63  }
0x4d: {  	_ =	swait.ge [sflag:s29], $0x2000  }
0x4e: {  	[sflag:s29] =	ssyncset.done $0x0  }
0x4f: {  	s31 =	simm.s32 $0x0;
	[sflag:s29] =	ssyncadd.s32 $0xFFFFE000  }
0x50: {  	v4 =	vld [tilespmem:s31+$0x0];
	_ =	sdelay $0x1  }
0x51: {  	s2 =	rddreg [dreg:$0x15]  }
0x52: {  	v5 =	vadd.s32 s2, v2  }
0x53: {  	vm0 =	vge.u32 v5, v0;
	vm1 =	vlt.u32 v5, v1  }
0x54: {  	vm0 =	vmand vm0, vm1;
	vm15 =	vne.s32 v4, $0x0  }
0x55: {  	vm2 =	veq.s32 v4, $0x0;
	vm1 =	vmand vm0, vm15  }
0x56: {  	vm0 =	vmand vm0, vm2;
	v4 =	vsel vm1, $0x1, v3  }
0x57: {  	v6 =	vsel vm0, $0x1, v3;
	(xrf0) =	vadd.scan.msk.s32 $0xffff, v4  }
0x58: {  	(xrf0) =	vadd.scan.msk.s32 $0xffff, v6;
	_ =	sdelay $0x1  }
0x59: {  	v4 =	vmov s1  }
0x5a: {  	v4 =	vadd.s32 $0xFFFFFFFF, v4  }
0x5b: {  	v4 =	vbroadcast v4, $0x0  }
0x5c: {  	v63, _, _ =	vpop (xrf0)  }
0x5d: {  	v7 =	vadd.s32 v63, v4;
	v8, _, _ =	vpop (xrf0);
	(v2sf) =	vpush v63, $0xF  }
0x5e: {  	v7 =	vnsel vm1, $0xC5F, v7;
	v4 =	vadd.s32 v8, v4;
	(v2sf) =	vpush v8, $0xF  }
0x5f: {  	v4 =	vnsel vm0, $0xC5F, v4;
	_ =	sdelay $0x3  }
0x60: {  	s5 =	simm.s32 $0x10;
	[tilespmem:v7+s13+$0x0] =	vst.idx.msk $0xffff, v5  }
0x61: {  	s0 =	simm.s32 $0x0;
	s4 =	simm.s32 $0x80;
	s1 =	simm.s32 $0x0;
	[tilespmem:v4+s14+$0x0] =	vst.idx.msk $0xffff, v5  }
.LBB2_2:
0x62: {  	p0 =	sne.s32 s4, $0x30C0;
	v4 =	vld [tilespmem:s5+$0x0];
	_ =	sdelay $0x1  }
0x63: {  	s2 =	sadd.s32 $0x10, s2  }
0x64: {  	v5 =	vadd.s32 s2, v2  }
0x65: {  	vm0 =	vge.u32 v5, v0;
	vm1 =	vlt.u32 v5, v1  }
0x66: {  	vm0 =	vmand vm0, vm1;
	vm1 =	vne.s32 v4, $0x0;
	vm2 =	veq.s32 v4, $0x0  }
0x67: {  	vm1 =	vmand vm0, vm1  }
0x68: {  	vm0 =	vmand vm0, vm2;
	v4 =	vsel vm1, $0x1, v3;
	s5 =	spop (v2sf)  }
0x69: {  	v6 =	vsel vm0, $0x1, v3;
	(xrf0) =	vadd.scan.msk.s32 $0xffff, v4;
	s1 =	sadd.s32 s1, s5;
	s5 =	spop (v2sf)  }
0x6a: {  	v4 =	vmov s1;
	(xrf0) =	vadd.scan.msk.s32 $0xffff, v6;
	s0 =	sadd.s32 s0, s5  }
0x6b: {  	v4 =	vadd.s32 $0xFFFFFFFF, v4  }
0x6c: {  	v4 =	vbroadcast v4, $0x0  }
0x6d: {  	v6 =	vmov s0  }
0x6e: {  	v6 =	vadd.s32 $0xFFFFFFFF, v6  }
0x6f: {  	v6 =	vbroadcast v6, $0x0;
	v7, _, _ =	vpop (xrf0)  }
0x70: {  	v4 =	vadd.s32 v7, v4;
	v8, _, _ =	vpop (xrf0);
	(v2sf) =	vpush v7, $0xF  }
0x71: {  	v4 =	vnsel vm1, $0xC5F, v4;
	v6 =	vadd.s32 v8, v6;
	(v2sf) =	vpush v8, $0xF  }
0x72: {  	v6 =	vnsel vm0, $0xC5F, v6  }
.Ltmp2:
0x73: {  	(pc) =	sbr.rel @p0 .LBB2_2-.Ltmp2, $3  }
0x74: {  	_ =	sdelay $0x1  }
0x75: {  	[tilespmem:v4+s13+$0x0] =	vst.idx.msk $0xffff, v5  }
0x76: {  	s5 =	sshra.s32 s4, $0x2;
	s4 =	sadd.s32 $0x40, s4;
	[tilespmem:v6+s14+$0x0] =	vst.idx.msk $0xffff, v5  }
0x77: {  	v4 =	vld [tilespmem:s5+$0x0];
	_ =	sdelay $0x1  }
0x78: {  	s2 =	sadd.s32 $0x10, s2  }
0x79: {  	v5 =	vadd.s32 s2, v2  }
0x7a: {  	vm0 =	vge.u32 v5, v0;
	vm1 =	vlt.u32 v5, v1  }
0x7b: {  	vm0 =	vmand vm0, vm1;
	vm15 =	vne.s32 v4, $0x0  }
0x7c: {  	vm1 =	vmand vm0, vm15  }
0x7d: {  	v6 =	vsel vm1, $0x1, v3  }
0x7e: {  	(xrf0) =	vadd.scan.msk.s32 $0xffff, v6  }
0x7f: {  	vm2 =	veq.s32 v4, $0x0  }
0x80: {  	vm0 =	vmand vm0, vm2  }
0x81: {  	v4 =	vsel vm0, $0x1, v3  }
0x82: {  	(xrf0) =	vadd.scan.msk.s32 $0xffff, v4;
	_ =	sdelay $0x1  }
0x83: {  	v4, _, _ =	vpop (xrf0)  }
0x84: {  	(v2sf) =	vpush v4, $0xF;
	_ =	sdelay $0x2  }
0x85: {  	v63, _, _ =	vpop (xrf0)  }
0x86: {  	(v2sf) =	vpush v63, $0xF;
	_ =	sdelay $0x5  }
0x87: {  	s23 =	spop (v2sf)  }
0x88: {  	s4 =	spop (v2sf);
	s1 =	sadd.s32 s1, s23  }
0x89: {  	v7 =	vmov s1;
	s0 =	sadd.s32 s0, s4  }
0x8a: {  	v7 =	vadd.s32 $0xFFFFFFFF, v7;
	v8 =	vmov s0  }
0x8b: {  	v7 =	vbroadcast v7, $0x0;
	v8 =	vadd.s32 $0xFFFFFFFF, v8  }
0x8c: {  	v8 =	vbroadcast v8, $0x0;
	s24 =	spop (v2sf)  }
0x8d: {  	v4 =	vadd.s32 v4, v7;
	s1 =	sadd.s32 s1, s24  }
0x8e: {  	v4 =	vnsel vm1, $0xC5F, v4;
	v6 =	vadd.s32 v63, v8;
	p1 =	slt.s32 s1, $0x1  }
0x8f: {  	v6 =	vnsel vm0, $0xC5F, v6;
	s2 =	sadd.s32 @!p1 $0xFFFFFFFF, s1  }
0x90: {  	s26 =	spop (v2sf);
	s25 =	sadd.s32 $0xF, s1;
	v7 =	vmov @!p1 s2  }
0x91: {  	s6 =	sadd.s32 s0, s26;
	s28 =	sand.u32 $0xF, s25;
	p0 =	slt.s32 s25, $0x1  }
0x92: {  	s29 =	sshra.s32 s25, $0x1F;
	s4 =	simm.s32 @!p1 $0xC80;
	p2 =	sne.s32 s28, $0x0  }
0x93: {  	[tilespmem:v4+s13+$0x0] =	vst.idx.msk $0xffff, v5;
	s0 =	sshrl.u32 s29, $0x1C;
	s2 =	simm.s32 $0x1;
	p2 =	por !p0, !p2  }
0x94: {  	[tilespmem:v6+s14+$0x0] =	vst.idx.msk $0xffff, v5;
	p0 =	slt.s32 s6, $0x1;
	s0 =	sadd.s32 s0, s25;
	p2 =	por !p2, !p2  }
0x95: {  	s5 =	sadd.s32 @!p0 $0xFFFFFFFF, s6;
	s0 =	sshra.s32 s0, $0x4;
	s2 =	simm.s32 @!p2 $0x0;
	v4 =	vld.idx.msk @!p1 [tilespmem:v7+s4+$0x0], $0xffff  }
0x96: {  	v5 =	vmov @!p0 s5;
	s4 =	ssub.s32 s0, s2  }
0x97: {  	s0 =	sadd.s32 $0x7, s4  }
0x98: {  	s30 =	sand.u32 $0x7, s0  }
0x99: {  	p6 =	slt.s32 s4, $0xFFFFFFFA;
	p5 =	sne.s32 s30, $0x0  }
0x9a: {  	s31 =	sshrl.u32 s0, $0x1D;
	[tilespmem:s1+$0xC80] =	vst @!p1 v4;
	s1 =	simm.s32 @!p0 $0x1900;
	p1 =	por !p6, !p5  }
0x9b: {  	s0 =	sadd.s32 s31, s0;
	v4 =	vld.idx.msk @!p0 [tilespmem:v5+s1+$0x0], $0xffff;
	p1 =	por !p1, !p1;
	s1 =	simm.s32 $0x1  }
0x9c: {  	s0 =	sshra.s32 s0, $0x3;
	s1 =	simm.s32 @!p1 $0x0  }
0x9d: {  	s18 =	ssub.s32 s0, s1  }
0x9e: {  	p1 =	slt.s32 s18, $0x1  }
.Ltmp3:
0x9f: {  	_ = 	snop;
	(pc) =	sbr.rel @p1 .LBB2_6-.Ltmp3, $2  }
0xa0: {  	_ =	sdelay $0x2  }
0xa1: {  	[dreg:$0x17] =	wrdreg s6;
	[tilespmem:s6+$0x1900] =	vst @!p0 v4  }
0xa2: {  	s0 =	sadd.s32 $0xFFFFFFFF, s4  }
0xa3: {  	s25 =	sadd.s32 $0xFFFFFFF9, s4;
	[dreg:$0x4] =	wrdreg s0  }
0xa4: {  	s26 =	sadd.s32 $0xFFFFFFFE, s4;
	[dreg:$0xa] =	wrdreg s25  }
0xa5: {  	s28 =	sadd.s32 $0xFFFFFFFD, s4;
	[dreg:$0x5] =	wrdreg s26  }
0xa6: {  	s29 =	sadd.s32 $0xFFFFFFFC, s4;
	[dreg:$0x6] =	wrdreg s28  }
0xa7: {  	s30 =	sadd.s32 $0xFFFFFFFB, s4;
	[dreg:$0x7] =	wrdreg s29  }
0xa8: {  	s31 =	sadd.s32 $0xFFFFFFFA, s4;
	[dreg:$0x8] =	wrdreg s30  }
0xa9: {  	s19 =	simm.s32 $0x0;
	s20 =	simm.s32 $0xCC0;
	[dreg:$0x9] =	wrdreg s31  }
.LBB2_5:
0xaa: {  	p1 =	sge.s32 s19, s4  }
0xab: {  	v4 =	vld @!p1 [tilespmem:s20+$0xFFFFFFC0];
	_ =	sdelay $0x4  }
0xac: {  	v5 =	vshll.u32 @!p1 v4, $0x2  }
0xad: {  	v6 =	vlaneseq.u32 @!p1;
	v4 =	vand.u32 @!p1 $0x7, v4;
	v5 =	vand.u32 @!p1 $0xFFFFFFE0, v5  }
0xae: {  	v7 =	vor.u32 @!p1 v4, v5;
	v5 =	vand.u32 @!p1 $0x7, v6;
	v4 =	vshrl.u32 @!p1 v6, $0x3  }
0xaf: {  	v8 =	vperm.xlane @!p1 v7, v5;
	v4 =	vmul.u32 @!p1 $0x8, v4  }
0xb0: {  	s0 =	simm.s32 @!p1 $0x0;
	p0 =	seq.s32 @!p1 s19, $0x0  }
0xb1: {  	s0 =	simm.s32 @p1 $0x1;
	p0 =	por p0, p1;
	v8 =	vadd.s32 @!p1 v4, v8  }
0xb2: {  	[smem:$0x7FC] =	sst s0;
	s0 =	simm.s32 @!p0 $0x9  }
0xb3: {  	_ =	swait.ge @!p0 [sflag:s0], $0x2000  }
0xb4: {  	[sflag:s0] =	ssyncset.done @!p0 $0x0;
	v6 =	vor.u32 @!p1 $0x8, v6  }
0xb5: {  	vm0 =	vmmov @!p1 $0xffff;
	s21 =	simm.s32 @!p1 $0x0;
	[sflag:s0] =	ssyncadd.s32 @!p0 $0xFFFFE000;
	s0 =	simm.s32 @!p1 $0x2580;
	v7 =	vperm.xlane @!p1 v7, v6  }
0xb6: {  	[tilespmem:s0], [sflag:$0x1] =	stream.indirect_vreg.gather @!p1 [hbm4b:s16+s21], $0x80, v8, vm0, $0xb8;
	[tilespmem:$0x14580] =	vst v63  }
0xb7: {  	v7 =	vadd.s32 @!p1 v4, v7;
	s0 =	simm.s32 @!p1 $0x2580  }
0xb8: {  	[dreg:$0x18] =	wrdreg s0;
	s0 =	simm.s32 @!p1 $0x2D80  }
0xb9: {  	[tilespmem:s0], [sflag:$0x1] =	stream.indirect_vreg.gather @!p1 [hbm4b:s7+s21], $0x80, v8, vm0, $0xb8;
	[tilespmem:$0x14580] =	vst v63  }
0xba: {  	s0 =	simm.s32 @!p1 $0x2D80  }
0xbb: {  	[dreg:$0x19] =	wrdreg s0;
	s0 =	simm.s32 @!p1 $0x3580  }
0xbc: {  	[tilespmem:s0], [sflag:$0x1] =	stream.indirect_vreg.gather @!p1 [hbm4b:s16+s21], $0x80, v7, vm0, $0xb8;
	[tilespmem:$0x14580] =	vst v63  }
0xbd: {  	s1 =	simm.s32 @!p1 $0x3D80;
	s6 =	rddreg [dreg:$0x4]  }
0xbe: {  	[tilespmem:s1], [sflag:$0x1] =	stream.indirect_vreg.gather @!p1 [hbm4b:s7+s21], $0x80, v7, vm0, $0xb8;
	[tilespmem:$0x14580] =	vst v63  }
0xbf: {  	s0 =	simm.s32 @!p1 $0x3580;
	s1 =	simm.s32 @!p1 $0x3D80;
	p1 =	sge.s32 s19, s6  }
0xc0: {  	v7 =	vld @!p1 [tilespmem:s20+$0xFFFFFFD0];
	_ =	sdelay $0x4  }
0xc1: {  	v8 =	vshll.u32 @!p1 v7, $0x2  }
0xc2: {  	v9 =	vlaneseq.u32 @!p1;
	v7 =	vand.u32 @!p1 $0x7, v7;
	v8 =	vand.u32 @!p1 $0xFFFFFFE0, v8  }
0xc3: {  	v10 =	vor.u32 @!p1 v7, v8;
	v8 =	vand.u32 @!p1 $0x7, v9;
	v7 =	vshrl.u32 @!p1 v9, $0x3  }
0xc4: {  	v11 =	vperm.xlane @!p1 v10, v8;
	v7 =	vmul.u32 @!p1 $0x8, v7  }
0xc5: {  	[dreg:$0x1a] =	wrdreg s0;
	s0 =	simm.s32 @!p1 $0x0;
	p0 =	seq.s32 @!p1 s19, $0x0  }
0xc6: {  	[dreg:$0x1b] =	wrdreg s1;
	s0 =	simm.s32 @p1 $0x1;
	p0 =	por p0, p1;
	v11 =	vadd.s32 @!p1 v7, v11  }
0xc7: {  	[smem:$0x7FD] =	sst s0;
	s0 =	simm.s32 @!p0 $0xA  }
0xc8: {  	_ =	swait.ge @!p0 [sflag:s0], $0x2000;
	v9 =	vor.u32 @!p1 $0x8, v9  }
0xc9: {  	[sflag:s0] =	ssyncset.done @!p0 $0x0;
	v10 =	vperm.xlane @!p1 v10, v9  }
0xca: {  	vm1 =	vmmov @!p1 $0xffff;
	s26 =	simm.s32 @!p1 $0x0;
	[sflag:s0] =	ssyncadd.s32 @!p0 $0xFFFFE000;
	s0 =	simm.s32 @!p1 $0x4580  }
0xcb: {  	v10 =	vadd.s32 @!p1 v7, v10;
	[tilespmem:s0], [sflag:$0x2] =	stream.indirect_vreg.gather @!p1 [hbm4b:s16+s26], $0x80, v11, vm1, $0xb8;
	[tilespmem:$0x14580] =	vst v63  }
0xcc: {  	s0 =	simm.s32 @!p1 $0x4580  }
0xcd: {  	[dreg:$0x1c] =	wrdreg s0;
	s0 =	simm.s32 @!p1 $0x4D80  }
0xce: {  	[tilespmem:s0], [sflag:$0x2] =	stream.indirect_vreg.gather @!p1 [hbm4b:s7+s26], $0x80, v11, vm1, $0xb8;
	[tilespmem:$0x14580] =	vst v63  }
0xcf: {  	s9 =	rddreg [dreg:$0x5];
	s0 =	simm.s32 @!p1 $0x5580  }
0xd0: {  	[tilespmem:s0], [sflag:$0x2] =	stream.indirect_vreg.gather @!p1 [hbm4b:s16+s26], $0x80, v10, vm1, $0xb8;
	[tilespmem:$0x14580] =	vst v63  }
0xd1: {  	s1 =	simm.s32 @!p1 $0x5D80;
	p2 =	sge.s32 s19, s9  }
0xd2: {  	[tilespmem:s1], [sflag:$0x2] =	stream.indirect_vreg.gather @!p1 [hbm4b:s7+s26], $0x80, v10, vm1, $0xb8;
	[tilespmem:$0x14580] =	vst v63  }
0xd3: {  	v10 =	vld @!p2 [tilespmem:s20+$0xFFFFFFE0];
	_ =	sdelay $0x4  }
0xd4: {  	v11 =	vshll.u32 @!p2 v10, $0x2  }
0xd5: {  	v12 =	vlaneseq.u32 @!p2;
	v10 =	vand.u32 @!p2 $0x7, v10;
	v11 =	vand.u32 @!p2 $0xFFFFFFE0, v11  }
0xd6: {  	v13 =	vor.u32 @!p2 v10, v11;
	v11 =	vand.u32 @!p2 $0x7, v12;
	v10 =	vshrl.u32 @!p2 v12, $0x3  }
0xd7: {  	v14 =	vperm.xlane @!p2 v13, v11;
	v10 =	vmul.u32 @!p2 $0x8, v10  }
0xd8: {  	p0 =	seq.s32 @!p2 s19, $0x0  }
0xd9: {  	p0 =	por p0, p2;
	v14 =	vadd.s32 @!p2 v10, v14  }
0xda: {  	s0 =	simm.s32 @!p0 $0xB;
	v12 =	vor.u32 @!p2 $0x8, v12  }
0xdb: {  	_ =	swait.ge @!p0 [sflag:s0], $0x2000;
	v13 =	vperm.xlane @!p2 v13, v12  }
0xdc: {  	[sflag:s0] =	ssyncset.done @!p0 $0x0  }
0xdd: {  	vm2 =	vmmov @!p2 $0xffff;
	s2 =	simm.s32 @!p2 $0x0;
	[sflag:s0] =	ssyncadd.s32 @!p0 $0xFFFFE000;
	s0 =	simm.s32 @!p2 $0x6580;
	v13 =	vadd.s32 @!p2 v10, v13  }
0xde: {  	[tilespmem:s0], [sflag:$0x3] =	stream.indirect_vreg.gather @!p2 [hbm4b:s16+s2], $0x80, v14, vm2, $0xb8;
	[tilespmem:$0x14580] =	vst v63  }
0xdf: {  	s0 =	simm.s32 @!p2 $0x6D80  }
0xe0: {  	[tilespmem:s0], [sflag:$0x3] =	stream.indirect_vreg.gather @!p2 [hbm4b:s7+s2], $0x80, v14, vm2, $0xb8;
	[tilespmem:$0x14580] =	vst v63  }
0xe1: {  	s10 =	rddreg [dreg:$0x6];
	s0 =	simm.s32 @!p2 $0x7580  }
0xe2: {  	[tilespmem:s0], [sflag:$0x3] =	stream.indirect_vreg.gather @!p2 [hbm4b:s16+s2], $0x80, v13, vm2, $0xb8;
	[tilespmem:$0x14580] =	vst v63  }
0xe3: {  	s1 =	simm.s32 @!p2 $0x7D80;
	p3 =	sge.s32 s19, s10  }
0xe4: {  	[tilespmem:s1], [sflag:$0x3] =	stream.indirect_vreg.gather @!p2 [hbm4b:s7+s2], $0x80, v13, vm2, $0xb8;
	[tilespmem:$0x14580] =	vst v63  }
0xe5: {  	v13 =	vld @!p3 [tilespmem:s20+$0xFFFFFFF0];
	_ =	sdelay $0x4  }
0xe6: {  	v14 =	vshll.u32 @!p3 v13, $0x2  }
0xe7: {  	v15 =	vlaneseq.u32 @!p3;
	v13 =	vand.u32 @!p3 $0x7, v13;
	v14 =	vand.u32 @!p3 $0xFFFFFFE0, v14  }
0xe8: {  	v16 =	vor.u32 @!p3 v13, v14;
	v14 =	vand.u32 @!p3 $0x7, v15;
	v13 =	vshrl.u32 @!p3 v15, $0x3  }
0xe9: {  	v17 =	vperm.xlane @!p3 v16, v14;
	v13 =	vmul.u32 @!p3 $0x8, v13  }
0xea: {  	p0 =	seq.s32 @!p3 s19, $0x0  }
0xeb: {  	p0 =	por p0, p3;
	v17 =	vadd.s32 @!p3 v13, v17  }
0xec: {  	s0 =	simm.s32 @!p0 $0xC;
	v15 =	vor.u32 @!p3 $0x8, v15  }
0xed: {  	_ =	swait.ge @!p0 [sflag:s0], $0x2000;
	v16 =	vperm.xlane @!p3 v16, v15  }
0xee: {  	[sflag:s0] =	ssyncset.done @!p0 $0x0  }
0xef: {  	vm3 =	vmmov @!p3 $0xffff;
	s9 =	simm.s32 @!p3 $0x0;
	[sflag:s0] =	ssyncadd.s32 @!p0 $0xFFFFE000;
	s0 =	simm.s32 @!p3 $0x8580;
	v16 =	vadd.s32 @!p3 v13, v16  }
0xf0: {  	[tilespmem:s0], [sflag:$0x4] =	stream.indirect_vreg.gather @!p3 [hbm4b:s16+s9], $0x80, v17, vm3, $0xb8;
	[tilespmem:$0x14580] =	vst v63  }
0xf1: {  	s0 =	simm.s32 @!p3 $0x8D80  }
0xf2: {  	[tilespmem:s0], [sflag:$0x4] =	stream.indirect_vreg.gather @!p3 [hbm4b:s7+s9], $0x80, v17, vm3, $0xb8;
	[tilespmem:$0x14580] =	vst v63  }
0xf3: {  	s11 =	rddreg [dreg:$0x7];
	s0 =	simm.s32 @!p3 $0x9580  }
0xf4: {  	[tilespmem:s0], [sflag:$0x4] =	stream.indirect_vreg.gather @!p3 [hbm4b:s16+s9], $0x80, v16, vm3, $0xb8;
	[tilespmem:$0x14580] =	vst v63  }
0xf5: {  	s1 =	simm.s32 @!p3 $0x9D80;
	p4 =	sge.s32 s19, s11  }
0xf6: {  	[tilespmem:s1], [sflag:$0x4] =	stream.indirect_vreg.gather @!p3 [hbm4b:s7+s9], $0x80, v16, vm3, $0xb8;
	[tilespmem:$0x14580] =	vst v63  }
0xf7: {  	v16 =	vld @!p4 [tilespmem:s20+$0x0];
	_ =	sdelay $0x4  }
0xf8: {  	v17 =	vshll.u32 @!p4 v16, $0x2  }
0xf9: {  	v18 =	vlaneseq.u32 @!p4;
	v16 =	vand.u32 @!p4 $0x7, v16;
	v17 =	vand.u32 @!p4 $0xFFFFFFE0, v17  }
0xfa: {  	v19 =	vor.u32 @!p4 v16, v17;
	v17 =	vand.u32 @!p4 $0x7, v18;
	v16 =	vshrl.u32 @!p4 v18, $0x3  }
0xfb: {  	v20 =	vperm.xlane @!p4 v19, v17;
	v16 =	vmul.u32 @!p4 $0x8, v16  }
0xfc: {  	p0 =	seq.s32 @!p4 s19, $0x0  }
0xfd: {  	p0 =	por p0, p4;
	v20 =	vadd.s32 @!p4 v16, v20  }
0xfe: {  	s0 =	simm.s32 @!p0 $0xD;
	v18 =	vor.u32 @!p4 $0x8, v18  }
0xff: {  	_ =	swait.ge @!p0 [sflag:s0], $0x2000;
	v19 =	vperm.xlane @!p4 v19, v18  }
0x100: {  	[sflag:s0] =	ssyncset.done @!p0 $0x0  }
0x101: {  	vm4 =	vmmov @!p4 $0xffff;
	s17 =	simm.s32 @!p4 $0x0;
	[sflag:s0] =	ssyncadd.s32 @!p0 $0xFFFFE000;
	s0 =	simm.s32 @!p4 $0xA580;
	v19 =	vadd.s32 @!p4 v16, v19  }
0x102: {  	[tilespmem:s0], [sflag:$0x5] =	stream.indirect_vreg.gather @!p4 [hbm4b:s16+s17], $0x80, v20, vm4, $0xb8;
	[tilespmem:$0x14580] =	vst v63  }
0x103: {  	s0 =	simm.s32 @!p4 $0xAD80  }
0x104: {  	[tilespmem:s0], [sflag:$0x5] =	stream.indirect_vreg.gather @!p4 [hbm4b:s7+s17], $0x80, v20, vm4, $0xb8;
	[tilespmem:$0x14580] =	vst v63  }
0x105: {  	s12 =	rddreg [dreg:$0x8];
	s0 =	simm.s32 @!p4 $0xB580  }
0x106: {  	[tilespmem:s0], [sflag:$0x5] =	stream.indirect_vreg.gather @!p4 [hbm4b:s16+s17], $0x80, v19, vm4, $0xb8;
	[tilespmem:$0x14580] =	vst v63  }
0x107: {  	s1 =	simm.s32 @!p4 $0xBD80;
	p5 =	sge.s32 s19, s12  }
0x108: {  	[tilespmem:s1], [sflag:$0x5] =	stream.indirect_vreg.gather @!p4 [hbm4b:s7+s17], $0x80, v19, vm4, $0xb8;
	[tilespmem:$0x14580] =	vst v63  }
0x109: {  	v19 =	vld @!p5 [tilespmem:s20+$0x10];
	_ =	sdelay $0x4  }
0x10a: {  	v20 =	vshll.u32 @!p5 v19, $0x2  }
0x10b: {  	v21 =	vlaneseq.u32 @!p5;
	v19 =	vand.u32 @!p5 $0x7, v19;
	v20 =	vand.u32 @!p5 $0xFFFFFFE0, v20  }
0x10c: {  	v22 =	vor.u32 @!p5 v19, v20;
	v20 =	vand.u32 @!p5 $0x7, v21;
	v19 =	vshrl.u32 @!p5 v21, $0x3  }
0x10d: {  	v23 =	vperm.xlane @!p5 v22, v20;
	v19 =	vmul.u32 @!p5 $0x8, v19  }
0x10e: {  	p0 =	seq.s32 @!p5 s19, $0x0  }
0x10f: {  	p0 =	por p0, p5;
	v23 =	vadd.s32 @!p5 v19, v23  }
0x110: {  	s0 =	simm.s32 @!p0 $0xE;
	v21 =	vor.u32 @!p5 $0x8, v21  }
0x111: {  	_ =	swait.ge @!p0 [sflag:s0], $0x2000;
	v22 =	vperm.xlane @!p5 v22, v21  }
0x112: {  	[sflag:s0] =	ssyncset.done @!p0 $0x0  }
0x113: {  	vm5 =	vmmov @!p5 $0xffff;
	s1 =	simm.s32 @!p5 $0xC580;
	[sflag:s0] =	ssyncadd.s32 @!p0 $0xFFFFE000;
	s0 =	simm.s32 @!p5 $0x0;
	v22 =	vadd.s32 @!p5 v19, v22  }
0x114: {  	[tilespmem:s1], [sflag:$0x6] =	stream.indirect_vreg.gather @!p5 [hbm4b:s16+s0], $0x80, v23, vm5, $0xb8;
	[tilespmem:$0x14580] =	vst v63  }
0x115: {  	s1 =	simm.s32 @!p5 $0xCD80  }
0x116: {  	[tilespmem:s1], [sflag:$0x6] =	stream.indirect_vreg.gather @!p5 [hbm4b:s7+s0], $0x80, v23, vm5, $0xb8;
	[tilespmem:$0x14580] =	vst v63  }
0x117: {  	s10 =	rddreg [dreg:$0x9];
	s1 =	simm.s32 @!p5 $0xD580  }
0x118: {  	[tilespmem:s1], [sflag:$0x6] =	stream.indirect_vreg.gather @!p5 [hbm4b:s16+s0], $0x80, v22, vm5, $0xb8;
	[tilespmem:$0x14580] =	vst v63  }
0x119: {  	s30 =	simm.s32 @!p5 $0xDD80;
	p6 =	sge.s32 s19, s10  }
0x11a: {  	[tilespmem:s30], [sflag:$0x6] =	stream.indirect_vreg.gather @!p5 [hbm4b:s7+s0], $0x80, v22, vm5, $0xb8;
	[tilespmem:$0x14580] =	vst v63  }
0x11b: {  	v22 =	vld @!p6 [tilespmem:s20+$0x20];
	_ =	sdelay $0x4  }
0x11c: {  	v23 =	vshll.u32 @!p6 v22, $0x2  }
0x11d: {  	v24 =	vlaneseq.u32 @!p6;
	v22 =	vand.u32 @!p6 $0x7, v22;
	v23 =	vand.u32 @!p6 $0xFFFFFFE0, v23  }
0x11e: {  	v25 =	vor.u32 @!p6 v22, v23;
	v23 =	vand.u32 @!p6 $0x7, v24;
	v22 =	vshrl.u32 @!p6 v24, $0x3  }
0x11f: {  	v26 =	vperm.xlane @!p6 v25, v23;
	v22 =	vmul.u32 @!p6 $0x8, v22  }
0x120: {  	p0 =	seq.s32 @!p6 s19, $0x0  }
0x121: {  	p0 =	por p0, p6;
	v26 =	vadd.s32 @!p6 v22, v26  }
0x122: {  	s10 =	simm.s32 @!p0 $0xF;
	v24 =	vor.u32 @!p6 $0x8, v24  }
0x123: {  	_ =	swait.ge @!p0 [sflag:s10], $0x2000;
	v25 =	vperm.xlane @!p6 v25, v24  }
0x124: {  	[sflag:s10] =	ssyncset.done @!p0 $0x0  }
0x125: {  	vm6 =	vmmov @!p6 $0xffff;
	s31 =	simm.s32 @!p6 $0x0;
	s25 =	simm.s32 @!p6 $0xE580;
	[sflag:s10] =	ssyncadd.s32 @!p0 $0xFFFFE000;
	v25 =	vadd.s32 @!p6 v22, v25  }
0x126: {  	[tilespmem:s25], [sflag:$0x7] =	stream.indirect_vreg.gather @!p6 [hbm4b:s16+s31], $0x80, v26, vm6, $0xb8;
	[tilespmem:$0x14580] =	vst v63  }
0x127: {  	s24 =	simm.s32 @!p6 $0xED80  }
0x128: {  	[tilespmem:s24], [sflag:$0x7] =	stream.indirect_vreg.gather @!p6 [hbm4b:s7+s31], $0x80, v26, vm6, $0xb8;
	[tilespmem:$0x14580] =	vst v63  }
0x129: {  	s23 =	simm.s32 @!p6 $0xF580;
	s15 =	rddreg [dreg:$0xa]  }
0x12a: {  	[tilespmem:s23], [sflag:$0x7] =	stream.indirect_vreg.gather @!p6 [hbm4b:s16+s31], $0x80, v25, vm6, $0xb8;
	[tilespmem:$0x14580] =	vst v63  }
0x12b: {  	s22 =	simm.s32 @!p6 $0xFD80;
	p0 =	sge.s32 s19, s15  }
0x12c: {  	[tilespmem:s22], [sflag:$0x7] =	stream.indirect_vreg.gather @!p6 [hbm4b:s7+s31], $0x80, v25, vm6, $0xb8;
	[tilespmem:$0x14580] =	vst v63  }
0x12d: {  	v25 =	vld @!p0 [tilespmem:s20+$0x30];
	_ =	sdelay $0x4  }
0x12e: {  	v26 =	vshll.u32 @!p0 v25, $0x2  }
0x12f: {  	v27 =	vlaneseq.u32 @!p0;
	v25 =	vand.u32 @!p0 $0x7, v25;
	v26 =	vand.u32 @!p0 $0xFFFFFFE0, v26  }
0x130: {  	v28 =	vor.u32 @!p0 v25, v26;
	v26 =	vand.u32 @!p0 $0x7, v27;
	v25 =	vshrl.u32 @!p0 v27, $0x3  }
0x131: {  	s29 =	simm.s32 @!p1 $0x4D80;
	v29 =	vperm.xlane @!p0 v28, v26;
	v25 =	vmul.u32 @!p0 $0x8, v25  }
0x132: {  	s28 =	simm.s32 @!p1 $0x5580;
	s5 =	simm.s32 @!p1 $0x5D80;
	p1 =	seq.s32 @!p0 s19, $0x0  }
0x133: {  	p1 =	por p1, p0;
	v29 =	vadd.s32 @!p0 v25, v29  }
0x134: {  	s10 =	simm.s32 @!p1 $0x10;
	v27 =	vor.u32 @!p0 $0x8, v27  }
0x135: {  	_ =	swait.ge @!p1 [sflag:s10], $0x2000;
	v28 =	vperm.xlane @!p0 v28, v27  }
0x136: {  	[sflag:s10] =	ssyncset.done @!p1 $0x0  }
0x137: {  	vm7 =	vmmov @!p0 $0xffff;
	s12 =	simm.s32 @!p0 $0x0;
	[sflag:s10] =	ssyncadd.s32 @!p1 $0xFFFFE000;
	s10 =	simm.s32 @!p0 $0x10580;
	v28 =	vadd.s32 @!p0 v25, v28  }
0x138: {  	[tilespmem:s10], [sflag:$0x8] =	stream.indirect_vreg.gather @!p0 [hbm4b:s16+s12], $0x80, v29, vm7, $0xb8;
	[tilespmem:$0x14580] =	vst v63  }
0x139: {  	s11 =	simm.s32 @!p0 $0x10D80;
	s6 =	sld [smem:$0x7FC]  }
0x13a: {  	[tilespmem:s11], [sflag:$0x8] =	stream.indirect_vreg.gather @!p0 [hbm4b:s7+s12], $0x80, v29, vm7, $0xb8;
	[tilespmem:$0x14580] =	vst v63  }
0x13b: {  	s15 =	simm.s32 @!p0 $0x11580  }
0x13c: {  	[tilespmem:s15], [sflag:$0x8] =	stream.indirect_vreg.gather @!p0 [hbm4b:s16+s12], $0x80, v28, vm7, $0xb8;
	[tilespmem:$0x14580] =	vst v63  }
0x13d: {  	s1 =	simm.s32 @!p0 $0x11D80;
	p1 =	seq.s32 s6, $0x1  }
0x13e: {  	[tilespmem:s1], [sflag:$0x8] =	stream.indirect_vreg.gather @!p0 [hbm4b:s7+s12], $0x80, v28, vm7, $0xb8;
	[tilespmem:$0x14580] =	vst v63  }
0x13f: {  	v28 =	vld @!p1 [tilespmem:s20+$0xFFFFFFC0];
	_ =	sdelay $0x4  }
0x140: {  	v29 =	vshll.u32 @!p1 v28, $0x2  }
0x141: {  	v28 =	vand.u32 @!p1 $0x7, v28;
	v29 =	vand.u32 @!p1 $0xFFFFFFE0, v29  }
0x142: {  	v28 =	vor.u32 @!p1 v28, v29  }
0x143: {  	v5 =	vperm.xlane @!p1 v28, v5;
	_ =	sdelay $0x1  }
0x144: {  	v5 =	vadd.s32 @!p1 v4, v5  }
0x145: {  	s6 =	simm.s32 @!p1 $0x1  }
0x146: {  	_ =	swait.ge @!p1 [sflag:s6], $0x2000;
	v6 =	vperm.xlane @!p1 v28, v6  }
0x147: {  	[sflag:s6] =	ssyncset.done @!p1 $0x0  }
0x148: {  	[sflag:s6] =	ssyncadd.s32 @!p1 $0xFFFFE000;
	s6 =	rddreg [dreg:$0x18];
	v4 =	vadd.s32 @!p1 v4, v6  }
0x149: {  	[hbm4b:s3+s21] =	stream.indirect_vreg.scatter @!p1 [tilespmem:s6], [sflag:$0x9], $0x80, v5, vm0, $0xb8;
	[tilespmem:$0x14580] =	vst v63  }
0x14a: {  	s6 =	rddreg [dreg:$0x19]  }
0x14b: {  	[hbm4b:s8+s21] =	stream.indirect_vreg.scatter @!p1 [tilespmem:s6], [sflag:$0x9], $0x80, v5, vm0, $0xb8;
	[tilespmem:$0x14580] =	vst v63  }
0x14c: {  	s6 =	rddreg [dreg:$0x1a]  }
0x14d: {  	[hbm4b:s3+s21] =	stream.indirect_vreg.scatter @!p1 [tilespmem:s6], [sflag:$0x9], $0x80, v4, vm0, $0xb8;
	[tilespmem:$0x14580] =	vst v63  }
0x14e: {  	s6 =	rddreg [dreg:$0x1b]  }
0x14f: {  	[hbm4b:s8+s21] =	stream.indirect_vreg.scatter @!p1 [tilespmem:s6], [sflag:$0x9], $0x80, v4, vm0, $0xb8;
	[tilespmem:$0x14580] =	vst v63  }
0x150: {  	s21 =	sld [smem:$0x7FD];
	_ =	sdelay $0x2  }
0x151: {  	p1 =	seq.s32 s21, $0x1  }
0x152: {  	v4 =	vld @!p1 [tilespmem:s20+$0xFFFFFFD0];
	_ =	sdelay $0x4  }
0x153: {  	v5 =	vshll.u32 @!p1 v4, $0x2  }
0x154: {  	v4 =	vand.u32 @!p1 $0x7, v4;
	v5 =	vand.u32 @!p1 $0xFFFFFFE0, v5  }
0x155: {  	v4 =	vor.u32 @!p1 v4, v5  }
0x156: {  	v5 =	vperm.xlane @!p1 v4, v8;
	_ =	sdelay $0x1  }
0x157: {  	v5 =	vadd.s32 @!p1 v7, v5  }
0x158: {  	s6 =	simm.s32 @!p1 $0x2  }
0x159: {  	_ =	swait.ge @!p1 [sflag:s6], $0x2000;
	v4 =	vperm.xlane @!p1 v4, v9  }
0x15a: {  	[sflag:s6] =	ssyncset.done @!p1 $0x0  }
0x15b: {  	[sflag:s6] =	ssyncadd.s32 @!p1 $0xFFFFE000;
	s6 =	rddreg [dreg:$0x1c];
	v4 =	vadd.s32 @!p1 v7, v4  }
0x15c: {  	[hbm4b:s3+s26] =	stream.indirect_vreg.scatter @!p1 [tilespmem:s6], [sflag:$0xA], $0x80, v5, vm1, $0xb8;
	[tilespmem:$0x14580] =	vst v63  }
0x15d: {  	_ = 	snop  }
0x15e: {  	[hbm4b:s8+s26] =	stream.indirect_vreg.scatter @!p1 [tilespmem:s29], [sflag:$0xA], $0x80, v5, vm1, $0xb8;
	[tilespmem:$0x14580] =	vst v63  }
0x15f: {  	_ = 	snop  }
0x160: {  	[hbm4b:s3+s26] =	stream.indirect_vreg.scatter @!p1 [tilespmem:s28], [sflag:$0xA], $0x80, v4, vm1, $0xb8;
	[tilespmem:$0x14580] =	vst v63  }
0x161: {  	_ = 	snop  }
0x162: {  	[hbm4b:s8+s26] =	stream.indirect_vreg.scatter @!p1 [tilespmem:s5], [sflag:$0xA], $0x80, v4, vm1, $0xb8;
	[tilespmem:$0x14580] =	vst v63  }
0x163: {  	v4 =	vld @!p2 [tilespmem:s20+$0xFFFFFFE0];
	_ =	sdelay $0x4  }
0x164: {  	v5 =	vshll.u32 @!p2 v4, $0x2  }
0x165: {  	v4 =	vand.u32 @!p2 $0x7, v4;
	v5 =	vand.u32 @!p2 $0xFFFFFFE0, v5  }
0x166: {  	v4 =	vor.u32 @!p2 v4, v5  }
0x167: {  	v5 =	vperm.xlane @!p2 v4, v11;
	_ =	sdelay $0x1  }
0x168: {  	v5 =	vadd.s32 @!p2 v10, v5  }
0x169: {  	s6 =	simm.s32 @!p2 $0x3  }
0x16a: {  	_ =	swait.ge @!p2 [sflag:s6], $0x2000;
	v4 =	vperm.xlane @!p2 v4, v12  }
0x16b: {  	[sflag:s6] =	ssyncset.done @!p2 $0x0  }
0x16c: {  	s5 =	simm.s32 @!p2 $0x6580;
	[sflag:s6] =	ssyncadd.s32 @!p2 $0xFFFFE000;
	v4 =	vadd.s32 @!p2 v10, v4  }
0x16d: {  	[hbm4b:s3+s2] =	stream.indirect_vreg.scatter @!p2 [tilespmem:s5], [sflag:$0xB], $0x80, v5, vm2, $0xb8;
	[tilespmem:$0x14580] =	vst v63  }
0x16e: {  	s5 =	simm.s32 @!p2 $0x6D80  }
0x16f: {  	[hbm4b:s8+s2] =	stream.indirect_vreg.scatter @!p2 [tilespmem:s5], [sflag:$0xB], $0x80, v5, vm2, $0xb8;
	[tilespmem:$0x14580] =	vst v63  }
0x170: {  	s5 =	simm.s32 @!p2 $0x7580  }
0x171: {  	[hbm4b:s3+s2] =	stream.indirect_vreg.scatter @!p2 [tilespmem:s5], [sflag:$0xB], $0x80, v4, vm2, $0xb8;
	[tilespmem:$0x14580] =	vst v63  }
0x172: {  	s5 =	simm.s32 @!p2 $0x7D80  }
0x173: {  	[hbm4b:s8+s2] =	stream.indirect_vreg.scatter @!p2 [tilespmem:s5], [sflag:$0xB], $0x80, v4, vm2, $0xb8;
	[tilespmem:$0x14580] =	vst v63  }
0x174: {  	v4 =	vld @!p3 [tilespmem:s20+$0xFFFFFFF0];
	_ =	sdelay $0x4  }
0x175: {  	v5 =	vshll.u32 @!p3 v4, $0x2  }
0x176: {  	v4 =	vand.u32 @!p3 $0x7, v4;
	v5 =	vand.u32 @!p3 $0xFFFFFFE0, v5  }
0x177: {  	v4 =	vor.u32 @!p3 v4, v5  }
0x178: {  	v5 =	vperm.xlane @!p3 v4, v14;
	_ =	sdelay $0x1  }
0x179: {  	v5 =	vadd.s32 @!p3 v13, v5  }
0x17a: {  	s2 =	simm.s32 @!p3 $0x4  }
0x17b: {  	_ =	swait.ge @!p3 [sflag:s2], $0x2000;
	v4 =	vperm.xlane @!p3 v4, v15  }
0x17c: {  	[sflag:s2] =	ssyncset.done @!p3 $0x0  }
0x17d: {  	[sflag:s2] =	ssyncadd.s32 @!p3 $0xFFFFE000;
	s2 =	simm.s32 @!p3 $0x8580;
	v4 =	vadd.s32 @!p3 v13, v4  }
0x17e: {  	[hbm4b:s3+s9] =	stream.indirect_vreg.scatter @!p3 [tilespmem:s2], [sflag:$0xC], $0x80, v5, vm3, $0xb8;
	[tilespmem:$0x14580] =	vst v63  }
0x17f: {  	s2 =	simm.s32 @!p3 $0x8D80  }
0x180: {  	[hbm4b:s8+s9] =	stream.indirect_vreg.scatter @!p3 [tilespmem:s2], [sflag:$0xC], $0x80, v5, vm3, $0xb8;
	[tilespmem:$0x14580] =	vst v63  }
0x181: {  	s2 =	simm.s32 @!p3 $0x9580  }
0x182: {  	[hbm4b:s3+s9] =	stream.indirect_vreg.scatter @!p3 [tilespmem:s2], [sflag:$0xC], $0x80, v4, vm3, $0xb8;
	[tilespmem:$0x14580] =	vst v63  }
0x183: {  	s2 =	simm.s32 @!p3 $0x9D80  }
0x184: {  	[hbm4b:s8+s9] =	stream.indirect_vreg.scatter @!p3 [tilespmem:s2], [sflag:$0xC], $0x80, v4, vm3, $0xb8;
	[tilespmem:$0x14580] =	vst v63  }
0x185: {  	v4 =	vld @!p4 [tilespmem:s20+$0x0];
	_ =	sdelay $0x4  }
0x186: {  	v5 =	vshll.u32 @!p4 v4, $0x2  }
0x187: {  	v4 =	vand.u32 @!p4 $0x7, v4;
	v5 =	vand.u32 @!p4 $0xFFFFFFE0, v5  }
0x188: {  	v4 =	vor.u32 @!p4 v4, v5  }
0x189: {  	v5 =	vperm.xlane @!p4 v4, v17;
	_ =	sdelay $0x1  }
0x18a: {  	v5 =	vadd.s32 @!p4 v16, v5  }
0x18b: {  	s2 =	simm.s32 @!p4 $0x5  }
0x18c: {  	_ =	swait.ge @!p4 [sflag:s2], $0x2000;
	v4 =	vperm.xlane @!p4 v4, v18  }
0x18d: {  	[sflag:s2] =	ssyncset.done @!p4 $0x0  }
0x18e: {  	[sflag:s2] =	ssyncadd.s32 @!p4 $0xFFFFE000;
	s2 =	simm.s32 @!p4 $0xA580;
	v4 =	vadd.s32 @!p4 v16, v4  }
0x18f: {  	[hbm4b:s3+s17] =	stream.indirect_vreg.scatter @!p4 [tilespmem:s2], [sflag:$0xD], $0x80, v5, vm4, $0xb8;
	[tilespmem:$0x14580] =	vst v63  }
0x190: {  	s2 =	simm.s32 @!p4 $0xAD80  }
0x191: {  	[hbm4b:s8+s17] =	stream.indirect_vreg.scatter @!p4 [tilespmem:s2], [sflag:$0xD], $0x80, v5, vm4, $0xb8;
	[tilespmem:$0x14580] =	vst v63  }
0x192: {  	s2 =	simm.s32 @!p4 $0xB580  }
0x193: {  	[hbm4b:s3+s17] =	stream.indirect_vreg.scatter @!p4 [tilespmem:s2], [sflag:$0xD], $0x80, v4, vm4, $0xb8;
	[tilespmem:$0x14580] =	vst v63  }
0x194: {  	s2 =	simm.s32 @!p4 $0xBD80  }
0x195: {  	[hbm4b:s8+s17] =	stream.indirect_vreg.scatter @!p4 [tilespmem:s2], [sflag:$0xD], $0x80, v4, vm4, $0xb8;
	[tilespmem:$0x14580] =	vst v63  }
0x196: {  	v4 =	vld @!p5 [tilespmem:s20+$0x10];
	_ =	sdelay $0x4  }
0x197: {  	v5 =	vshll.u32 @!p5 v4, $0x2  }
0x198: {  	v4 =	vand.u32 @!p5 $0x7, v4;
	v5 =	vand.u32 @!p5 $0xFFFFFFE0, v5  }
0x199: {  	v4 =	vor.u32 @!p5 v4, v5  }
0x19a: {  	v5 =	vperm.xlane @!p5 v4, v20;
	_ =	sdelay $0x1  }
0x19b: {  	v5 =	vadd.s32 @!p5 v19, v5  }
0x19c: {  	s2 =	simm.s32 @!p5 $0x6  }
0x19d: {  	_ =	swait.ge @!p5 [sflag:s2], $0x2000;
	v4 =	vperm.xlane @!p5 v4, v21  }
0x19e: {  	[sflag:s2] =	ssyncset.done @!p5 $0x0  }
0x19f: {  	[sflag:s2] =	ssyncadd.s32 @!p5 $0xFFFFE000;
	s2 =	simm.s32 @!p5 $0xC580;
	v4 =	vadd.s32 @!p5 v19, v4  }
0x1a0: {  	[hbm4b:s3+s0] =	stream.indirect_vreg.scatter @!p5 [tilespmem:s2], [sflag:$0xE], $0x80, v5, vm5, $0xb8;
	[tilespmem:$0x14580] =	vst v63  }
0x1a1: {  	s2 =	simm.s32 @!p5 $0xCD80  }
0x1a2: {  	[hbm4b:s8+s0] =	stream.indirect_vreg.scatter @!p5 [tilespmem:s2], [sflag:$0xE], $0x80, v5, vm5, $0xb8;
	[tilespmem:$0x14580] =	vst v63  }
0x1a3: {  	s2 =	simm.s32 @!p5 $0xD580  }
0x1a4: {  	[hbm4b:s3+s0] =	stream.indirect_vreg.scatter @!p5 [tilespmem:s2], [sflag:$0xE], $0x80, v4, vm5, $0xb8;
	[tilespmem:$0x14580] =	vst v63  }
0x1a5: {  	_ = 	snop  }
0x1a6: {  	[hbm4b:s8+s0] =	stream.indirect_vreg.scatter @!p5 [tilespmem:s30], [sflag:$0xE], $0x80, v4, vm5, $0xb8;
	[tilespmem:$0x14580] =	vst v63  }
0x1a7: {  	v4 =	vld @!p6 [tilespmem:s20+$0x20];
	_ =	sdelay $0x4  }
0x1a8: {  	v5 =	vshll.u32 @!p6 v4, $0x2  }
0x1a9: {  	v4 =	vand.u32 @!p6 $0x7, v4;
	v5 =	vand.u32 @!p6 $0xFFFFFFE0, v5  }
0x1aa: {  	v4 =	vor.u32 @!p6 v4, v5  }
0x1ab: {  	v5 =	vperm.xlane @!p6 v4, v23;
	_ =	sdelay $0x1  }
0x1ac: {  	v5 =	vadd.s32 @!p6 v22, v5  }
0x1ad: {  	s0 =	simm.s32 @!p6 $0x7  }
0x1ae: {  	_ =	swait.ge @!p6 [sflag:s0], $0x2000;
	v4 =	vperm.xlane @!p6 v4, v24  }
0x1af: {  	[sflag:s0] =	ssyncset.done @!p6 $0x0  }
0x1b0: {  	[sflag:s0] =	ssyncadd.s32 @!p6 $0xFFFFE000;
	v4 =	vadd.s32 @!p6 v22, v4  }
0x1b1: {  	[hbm4b:s3+s31] =	stream.indirect_vreg.scatter @!p6 [tilespmem:s25], [sflag:$0xF], $0x80, v5, vm6, $0xb8;
	[tilespmem:$0x14580] =	vst v63  }
0x1b2: {  	_ = 	snop  }
0x1b3: {  	[hbm4b:s8+s31] =	stream.indirect_vreg.scatter @!p6 [tilespmem:s24], [sflag:$0xF], $0x80, v5, vm6, $0xb8;
	[tilespmem:$0x14580] =	vst v63  }
0x1b4: {  	_ = 	snop  }
0x1b5: {  	[hbm4b:s3+s31] =	stream.indirect_vreg.scatter @!p6 [tilespmem:s23], [sflag:$0xF], $0x80, v4, vm6, $0xb8;
	[tilespmem:$0x14580] =	vst v63  }
0x1b6: {  	_ = 	snop  }
0x1b7: {  	[hbm4b:s8+s31] =	stream.indirect_vreg.scatter @!p6 [tilespmem:s22], [sflag:$0xF], $0x80, v4, vm6, $0xb8;
	[tilespmem:$0x14580] =	vst v63  }
0x1b8: {  	v4 =	vld @!p0 [tilespmem:s20+$0x30];
	_ =	sdelay $0x4  }
0x1b9: {  	v5 =	vshll.u32 @!p0 v4, $0x2  }
0x1ba: {  	v4 =	vand.u32 @!p0 $0x7, v4;
	v5 =	vand.u32 @!p0 $0xFFFFFFE0, v5  }
0x1bb: {  	v4 =	vor.u32 @!p0 v4, v5  }
0x1bc: {  	v5 =	vperm.xlane @!p0 v4, v26;
	_ =	sdelay $0x1  }
0x1bd: {  	v5 =	vadd.s32 @!p0 v25, v5  }
0x1be: {  	s0 =	simm.s32 @!p0 $0x8  }
0x1bf: {  	_ =	swait.ge @!p0 [sflag:s0], $0x2000;
	v4 =	vperm.xlane @!p0 v4, v27  }
0x1c0: {  	[sflag:s0] =	ssyncset.done @!p0 $0x0  }
0x1c1: {  	[sflag:s0] =	ssyncadd.s32 @!p0 $0xFFFFE000;
	v4 =	vadd.s32 @!p0 v25, v4  }
0x1c2: {  	[hbm4b:s3+s12] =	stream.indirect_vreg.scatter @!p0 [tilespmem:s10], [sflag:$0x10], $0x80, v5, vm7, $0xb8;
	[tilespmem:$0x14580] =	vst v63  }
0x1c3: {  	_ = 	snop  }
0x1c4: {  	[hbm4b:s8+s12] =	stream.indirect_vreg.scatter @!p0 [tilespmem:s11], [sflag:$0x10], $0x80, v5, vm7, $0xb8;
	[tilespmem:$0x14580] =	vst v63  }
0x1c5: {  	_ = 	snop  }
0x1c6: {  	[hbm4b:s3+s12] =	stream.indirect_vreg.scatter @!p0 [tilespmem:s15], [sflag:$0x10], $0x80, v4, vm7, $0xb8;
	[tilespmem:$0x14580] =	vst v63  }
0x1c7: {  	s18 =	sadd.s32 $0xFFFFFFFF, s18  }
0x1c8: {  	[hbm4b:s8+s12] =	stream.indirect_vreg.scatter @!p0 [tilespmem:s1], [sflag:$0x10], $0x80, v4, vm7, $0xb8;
	[tilespmem:$0x14580] =	vst v63  }
0x1c9: {  	p0 =	sne.s32 s18, $0x0  }
.Ltmp4:
0x1ca: {  	_ = 	snop;
	(pc) =	sbr.rel @p0 .LBB2_5-.Ltmp4, $2  }
0x1cb: {  	_ =	sdelay $0x2  }
0x1cc: {  	s19 =	sadd.s32 $0x8, s19;
	s20 =	sadd.s32 $0x80, s20  }
.LBB2_6:
0x1cd: {  	s0 =	rddreg [dreg:$0x17]  }
0x1ce: {  	s0 =	sadd.s32 $0xF, s0  }
0x1cf: {  	s1 =	sand.u32 $0xF, s0  }
0x1d0: {  	s2 =	sshra.s32 s0, $0x1F;
	p0 =	slt.s32 s0, $0x1;
	p1 =	sne.s32 s1, $0x0  }
0x1d1: {  	s29 =	sshrl.u32 s2, $0x1C;
	p0 =	por !p0, !p1  }
0x1d2: {  	s1 =	simm.s32 $0x1;
	s0 =	sadd.s32 s29, s0;
	p0 =	por !p0, !p0  }
0x1d3: {  	s0 =	sshra.s32 s0, $0x4;
	s1 =	simm.s32 @!p0 $0x0  }
0x1d4: {  	s17 =	ssub.s32 s0, s1  }
0x1d5: {  	s0 =	sadd.s32 $0x7, s17  }
0x1d6: {  	s30 =	sand.u32 $0x7, s0  }
0x1d7: {  	p5 =	slt.s32 s17, $0xFFFFFFFA;
	p6 =	sne.s32 s30, $0x0  }
0x1d8: {  	s31 =	sshrl.u32 s0, $0x1D;
	p0 =	por !p5, !p6  }
0x1d9: {  	s1 =	simm.s32 $0x1;
	s0 =	sadd.s32 s31, s0;
	p0 =	por !p0, !p0  }
0x1da: {  	s0 =	sshra.s32 s0, $0x3;
	s1 =	simm.s32 @!p0 $0x0  }
0x1db: {  	s18 =	ssub.s32 s0, s1  }
0x1dc: {  	p0 =	slt.s32 s18, $0x1  }
.Ltmp5:
0x1dd: {  	_ = 	snop;
	(pc) =	sbr.rel @p0 .LBB2_9-.Ltmp5, $1  }
0x1de: {  	_ =	sdelay $0x3  }
0x1df: {  	s0 =	sadd.s32 $0xFFFFFFFF, s17  }
0x1e0: {  	s25 =	sadd.s32 $0xFFFFFFF9, s17;
	[dreg:$0xb] =	wrdreg s0  }
0x1e1: {  	s26 =	sadd.s32 $0xFFFFFFFE, s17;
	[dreg:$0x11] =	wrdreg s25  }
0x1e2: {  	s28 =	sadd.s32 $0xFFFFFFFD, s17;
	[dreg:$0xc] =	wrdreg s26  }
0x1e3: {  	s29 =	sadd.s32 $0xFFFFFFFC, s17;
	[dreg:$0xd] =	wrdreg s28  }
0x1e4: {  	s30 =	sadd.s32 $0xFFFFFFFB, s17;
	[dreg:$0xe] =	wrdreg s29  }
0x1e5: {  	s31 =	sadd.s32 $0xFFFFFFFA, s17;
	[dreg:$0xf] =	wrdreg s30  }
0x1e6: {  	s19 =	simm.s32 $0x0;
	s20 =	simm.s32 $0x1940;
	[dreg:$0x10] =	wrdreg s31  }
.LBB2_8:
0x1e7: {  	p0 =	sge.s32 s19, s17  }
0x1e8: {  	v4 =	vld @!p0 [tilespmem:s20+$0xFFFFFFC0];
	_ =	sdelay $0x4  }
0x1e9: {  	v5 =	vshll.u32 @!p0 v4, $0x2  }
0x1ea: {  	v6 =	vlaneseq.u32 @!p0;
	v4 =	vand.u32 @!p0 $0x7, v4;
	v5 =	vand.u32 @!p0 $0xFFFFFFE0, v5  }
0x1eb: {  	v7 =	vshrl.u32 @!p0 v6, $0x3;
	v4 =	vor.u32 @!p0 v4, v5;
	v5 =	vand.u32 @!p0 $0x7, v6  }
0x1ec: {  	v7 =	vmul.u32 @!p0 $0x8, v7;
	v5 =	vperm.xlane @!p0 v4, v5  }
0x1ed: {  	p1 =	seq.s32 @!p0 s19, $0x0  }
0x1ee: {  	p1 =	por p1, p0;
	v5 =	vadd.s32 @!p0 v7, v5  }
0x1ef: {  	s0 =	simm.s32 @!p1 $0x11;
	v6 =	vor.u32 @!p0 $0x8, v6  }
0x1f0: {  	_ =	swait.ge @!p1 [sflag:s0], $0x2000;
	v4 =	vperm.xlane @!p0 v4, v6  }
0x1f1: {  	[sflag:s0] =	ssyncset.done @!p1 $0x0  }
0x1f2: {  	vm0 =	vmmov @!p0 $0xffff;
	s1 =	simm.s32 @!p0 $0x12580;
	[sflag:s0] =	ssyncadd.s32 @!p1 $0xFFFFE000;
	s0 =	simm.s32 @!p0 $0x0;
	v4 =	vadd.s32 @!p0 v7, v4  }
0x1f3: {  	[hbm4b:s3+s0] =	stream.indirect_vreg.scatter @!p0 [tilespmem:s1], [sflag:$0x11], $0x80, v5, vm0, $0xb8;
	[tilespmem:$0x14580] =	vst v63  }
0x1f4: {  	s1 =	simm.s32 @!p0 $0x12D80  }
0x1f5: {  	[hbm4b:s8+s0] =	stream.indirect_vreg.scatter @!p0 [tilespmem:s1], [sflag:$0x11], $0x80, v5, vm0, $0xb8;
	[tilespmem:$0x14580] =	vst v63  }
0x1f6: {  	s1 =	simm.s32 @!p0 $0x13580  }
0x1f7: {  	[hbm4b:s3+s0] =	stream.indirect_vreg.scatter @!p0 [tilespmem:s1], [sflag:$0x11], $0x80, v4, vm0, $0xb8;
	[tilespmem:$0x14580] =	vst v63  }
0x1f8: {  	s2 =	simm.s32 @!p0 $0x13D80;
	s24 =	rddreg [dreg:$0xb]  }
0x1f9: {  	[hbm4b:s8+s0] =	stream.indirect_vreg.scatter @!p0 [tilespmem:s2], [sflag:$0x11], $0x80, v4, vm0, $0xb8;
	[tilespmem:$0x14580] =	vst v63  }
0x1fa: {  	p0 =	sge.s32 s19, s24  }
0x1fb: {  	v4 =	vld @!p0 [tilespmem:s20+$0xFFFFFFD0];
	_ =	sdelay $0x4  }
0x1fc: {  	v5 =	vshll.u32 @!p0 v4, $0x2  }
0x1fd: {  	v6 =	vlaneseq.u32 @!p0;
	v4 =	vand.u32 @!p0 $0x7, v4;
	v5 =	vand.u32 @!p0 $0xFFFFFFE0, v5  }
0x1fe: {  	v7 =	vshrl.u32 @!p0 v6, $0x3;
	v4 =	vor.u32 @!p0 v4, v5;
	v5 =	vand.u32 @!p0 $0x7, v6  }
0x1ff: {  	v7 =	vmul.u32 @!p0 $0x8, v7;
	v5 =	vperm.xlane @!p0 v4, v5  }
0x200: {  	p1 =	seq.s32 @!p0 s19, $0x0  }
0x201: {  	p1 =	por p1, p0;
	v5 =	vadd.s32 @!p0 v7, v5  }
0x202: {  	s0 =	simm.s32 @!p1 $0x12;
	v6 =	vor.u32 @!p0 $0x8, v6  }
0x203: {  	_ =	swait.ge @!p1 [sflag:s0], $0x2000;
	v4 =	vperm.xlane @!p0 v4, v6  }
0x204: {  	[sflag:s0] =	ssyncset.done @!p1 $0x0  }
0x205: {  	vm0 =	vmmov @!p0 $0xffff;
	s1 =	simm.s32 @!p0 $0x12580;
	[sflag:s0] =	ssyncadd.s32 @!p1 $0xFFFFE000;
	s0 =	simm.s32 @!p0 $0x0;
	v4 =	vadd.s32 @!p0 v7, v4  }
0x206: {  	[hbm4b:s3+s0] =	stream.indirect_vreg.scatter @!p0 [tilespmem:s1], [sflag:$0x12], $0x80, v5, vm0, $0xb8;
	[tilespmem:$0x14580] =	vst v63  }
0x207: {  	s1 =	simm.s32 @!p0 $0x12D80  }
0x208: {  	[hbm4b:s8+s0] =	stream.indirect_vreg.scatter @!p0 [tilespmem:s1], [sflag:$0x12], $0x80, v5, vm0, $0xb8;
	[tilespmem:$0x14580] =	vst v63  }
0x209: {  	s1 =	simm.s32 @!p0 $0x13580  }
0x20a: {  	[hbm4b:s3+s0] =	stream.indirect_vreg.scatter @!p0 [tilespmem:s1], [sflag:$0x12], $0x80, v4, vm0, $0xb8;
	[tilespmem:$0x14580] =	vst v63  }
0x20b: {  	s2 =	simm.s32 @!p0 $0x13D80;
	s25 =	rddreg [dreg:$0xc]  }
0x20c: {  	[hbm4b:s8+s0] =	stream.indirect_vreg.scatter @!p0 [tilespmem:s2], [sflag:$0x12], $0x80, v4, vm0, $0xb8;
	[tilespmem:$0x14580] =	vst v63  }
0x20d: {  	p0 =	sge.s32 s19, s25  }
0x20e: {  	v4 =	vld @!p0 [tilespmem:s20+$0xFFFFFFE0];
	_ =	sdelay $0x4  }
0x20f: {  	v5 =	vshll.u32 @!p0 v4, $0x2  }
0x210: {  	v6 =	vlaneseq.u32 @!p0;
	v4 =	vand.u32 @!p0 $0x7, v4;
	v5 =	vand.u32 @!p0 $0xFFFFFFE0, v5  }
0x211: {  	v7 =	vshrl.u32 @!p0 v6, $0x3;
	v4 =	vor.u32 @!p0 v4, v5;
	v5 =	vand.u32 @!p0 $0x7, v6  }
0x212: {  	v7 =	vmul.u32 @!p0 $0x8, v7;
	v5 =	vperm.xlane @!p0 v4, v5  }
0x213: {  	p1 =	seq.s32 @!p0 s19, $0x0  }
0x214: {  	p1 =	por p1, p0;
	v5 =	vadd.s32 @!p0 v7, v5  }
0x215: {  	s0 =	simm.s32 @!p1 $0x13;
	v6 =	vor.u32 @!p0 $0x8, v6  }
0x216: {  	_ =	swait.ge @!p1 [sflag:s0], $0x2000;
	v4 =	vperm.xlane @!p0 v4, v6  }
0x217: {  	[sflag:s0] =	ssyncset.done @!p1 $0x0  }
0x218: {  	vm0 =	vmmov @!p0 $0xffff;
	s1 =	simm.s32 @!p0 $0x12580;
	[sflag:s0] =	ssyncadd.s32 @!p1 $0xFFFFE000;
	s0 =	simm.s32 @!p0 $0x0;
	v4 =	vadd.s32 @!p0 v7, v4  }
0x219: {  	[hbm4b:s3+s0] =	stream.indirect_vreg.scatter @!p0 [tilespmem:s1], [sflag:$0x13], $0x80, v5, vm0, $0xb8;
	[tilespmem:$0x14580] =	vst v63  }
0x21a: {  	s1 =	simm.s32 @!p0 $0x12D80  }
0x21b: {  	[hbm4b:s8+s0] =	stream.indirect_vreg.scatter @!p0 [tilespmem:s1], [sflag:$0x13], $0x80, v5, vm0, $0xb8;
	[tilespmem:$0x14580] =	vst v63  }
0x21c: {  	s1 =	simm.s32 @!p0 $0x13580  }
0x21d: {  	[hbm4b:s3+s0] =	stream.indirect_vreg.scatter @!p0 [tilespmem:s1], [sflag:$0x13], $0x80, v4, vm0, $0xb8;
	[tilespmem:$0x14580] =	vst v63  }
0x21e: {  	s2 =	simm.s32 @!p0 $0x13D80;
	s26 =	rddreg [dreg:$0xd]  }
0x21f: {  	[hbm4b:s8+s0] =	stream.indirect_vreg.scatter @!p0 [tilespmem:s2], [sflag:$0x13], $0x80, v4, vm0, $0xb8;
	[tilespmem:$0x14580] =	vst v63  }
0x220: {  	p0 =	sge.s32 s19, s26  }
0x221: {  	v4 =	vld @!p0 [tilespmem:s20+$0xFFFFFFF0];
	_ =	sdelay $0x4  }
0x222: {  	v5 =	vshll.u32 @!p0 v4, $0x2  }
0x223: {  	v6 =	vlaneseq.u32 @!p0;
	v4 =	vand.u32 @!p0 $0x7, v4;
	v5 =	vand.u32 @!p0 $0xFFFFFFE0, v5  }
0x224: {  	v7 =	vshrl.u32 @!p0 v6, $0x3;
	v4 =	vor.u32 @!p0 v4, v5;
	v5 =	vand.u32 @!p0 $0x7, v6  }
0x225: {  	v7 =	vmul.u32 @!p0 $0x8, v7;
	v5 =	vperm.xlane @!p0 v4, v5  }
0x226: {  	p1 =	seq.s32 @!p0 s19, $0x0  }
0x227: {  	p1 =	por p1, p0;
	v5 =	vadd.s32 @!p0 v7, v5  }
0x228: {  	s0 =	simm.s32 @!p1 $0x14;
	v6 =	vor.u32 @!p0 $0x8, v6  }
0x229: {  	_ =	swait.ge @!p1 [sflag:s0], $0x2000;
	v4 =	vperm.xlane @!p0 v4, v6  }
0x22a: {  	[sflag:s0] =	ssyncset.done @!p1 $0x0  }
0x22b: {  	vm0 =	vmmov @!p0 $0xffff;
	s1 =	simm.s32 @!p0 $0x12580;
	[sflag:s0] =	ssyncadd.s32 @!p1 $0xFFFFE000;
	s0 =	simm.s32 @!p0 $0x0;
	v4 =	vadd.s32 @!p0 v7, v4  }
0x22c: {  	[hbm4b:s3+s0] =	stream.indirect_vreg.scatter @!p0 [tilespmem:s1], [sflag:$0x14], $0x80, v5, vm0, $0xb8;
	[tilespmem:$0x14580] =	vst v63  }
0x22d: {  	s1 =	simm.s32 @!p0 $0x12D80  }
0x22e: {  	[hbm4b:s8+s0] =	stream.indirect_vreg.scatter @!p0 [tilespmem:s1], [sflag:$0x14], $0x80, v5, vm0, $0xb8;
	[tilespmem:$0x14580] =	vst v63  }
0x22f: {  	s1 =	simm.s32 @!p0 $0x13580  }
0x230: {  	[hbm4b:s3+s0] =	stream.indirect_vreg.scatter @!p0 [tilespmem:s1], [sflag:$0x14], $0x80, v4, vm0, $0xb8;
	[tilespmem:$0x14580] =	vst v63  }
0x231: {  	s2 =	simm.s32 @!p0 $0x13D80;
	s28 =	rddreg [dreg:$0xe]  }
0x232: {  	[hbm4b:s8+s0] =	stream.indirect_vreg.scatter @!p0 [tilespmem:s2], [sflag:$0x14], $0x80, v4, vm0, $0xb8;
	[tilespmem:$0x14580] =	vst v63  }
0x233: {  	p0 =	sge.s32 s19, s28  }
0x234: {  	v4 =	vld @!p0 [tilespmem:s20+$0x0];
	_ =	sdelay $0x4  }
0x235: {  	v5 =	vshll.u32 @!p0 v4, $0x2  }
0x236: {  	v6 =	vlaneseq.u32 @!p0;
	v4 =	vand.u32 @!p0 $0x7, v4;
	v5 =	vand.u32 @!p0 $0xFFFFFFE0, v5  }
0x237: {  	v7 =	vshrl.u32 @!p0 v6, $0x3;
	v4 =	vor.u32 @!p0 v4, v5;
	v5 =	vand.u32 @!p0 $0x7, v6  }
0x238: {  	v7 =	vmul.u32 @!p0 $0x8, v7;
	v5 =	vperm.xlane @!p0 v4, v5  }
0x239: {  	p1 =	seq.s32 @!p0 s19, $0x0  }
0x23a: {  	p1 =	por p1, p0;
	v5 =	vadd.s32 @!p0 v7, v5  }
0x23b: {  	s0 =	simm.s32 @!p1 $0x15;
	v6 =	vor.u32 @!p0 $0x8, v6  }
0x23c: {  	_ =	swait.ge @!p1 [sflag:s0], $0x2000;
	v4 =	vperm.xlane @!p0 v4, v6  }
0x23d: {  	[sflag:s0] =	ssyncset.done @!p1 $0x0  }
0x23e: {  	vm0 =	vmmov @!p0 $0xffff;
	s1 =	simm.s32 @!p0 $0x12580;
	[sflag:s0] =	ssyncadd.s32 @!p1 $0xFFFFE000;
	s0 =	simm.s32 @!p0 $0x0;
	v4 =	vadd.s32 @!p0 v7, v4  }
0x23f: {  	[hbm4b:s3+s0] =	stream.indirect_vreg.scatter @!p0 [tilespmem:s1], [sflag:$0x15], $0x80, v5, vm0, $0xb8;
	[tilespmem:$0x14580] =	vst v63  }
0x240: {  	s1 =	simm.s32 @!p0 $0x12D80  }
0x241: {  	[hbm4b:s8+s0] =	stream.indirect_vreg.scatter @!p0 [tilespmem:s1], [sflag:$0x15], $0x80, v5, vm0, $0xb8;
	[tilespmem:$0x14580] =	vst v63  }
0x242: {  	s1 =	simm.s32 @!p0 $0x13580  }
0x243: {  	[hbm4b:s3+s0] =	stream.indirect_vreg.scatter @!p0 [tilespmem:s1], [sflag:$0x15], $0x80, v4, vm0, $0xb8;
	[tilespmem:$0x14580] =	vst v63  }
0x244: {  	s2 =	simm.s32 @!p0 $0x13D80;
	s29 =	rddreg [dreg:$0xf]  }
0x245: {  	[hbm4b:s8+s0] =	stream.indirect_vreg.scatter @!p0 [tilespmem:s2], [sflag:$0x15], $0x80, v4, vm0, $0xb8;
	[tilespmem:$0x14580] =	vst v63  }
0x246: {  	p0 =	sge.s32 s19, s29  }
0x247: {  	v4 =	vld @!p0 [tilespmem:s20+$0x10];
	_ =	sdelay $0x4  }
0x248: {  	v5 =	vshll.u32 @!p0 v4, $0x2  }
0x249: {  	v6 =	vlaneseq.u32 @!p0;
	v4 =	vand.u32 @!p0 $0x7, v4;
	v5 =	vand.u32 @!p0 $0xFFFFFFE0, v5  }
0x24a: {  	v7 =	vshrl.u32 @!p0 v6, $0x3;
	v4 =	vor.u32 @!p0 v4, v5;
	v5 =	vand.u32 @!p0 $0x7, v6  }
0x24b: {  	v7 =	vmul.u32 @!p0 $0x8, v7;
	v5 =	vperm.xlane @!p0 v4, v5  }
0x24c: {  	p1 =	seq.s32 @!p0 s19, $0x0  }
0x24d: {  	p1 =	por p1, p0;
	v5 =	vadd.s32 @!p0 v7, v5  }
0x24e: {  	s0 =	simm.s32 @!p1 $0x16;
	v6 =	vor.u32 @!p0 $0x8, v6  }
0x24f: {  	_ =	swait.ge @!p1 [sflag:s0], $0x2000;
	v4 =	vperm.xlane @!p0 v4, v6  }
0x250: {  	[sflag:s0] =	ssyncset.done @!p1 $0x0  }
0x251: {  	vm0 =	vmmov @!p0 $0xffff;
	s1 =	simm.s32 @!p0 $0x12580;
	[sflag:s0] =	ssyncadd.s32 @!p1 $0xFFFFE000;
	s0 =	simm.s32 @!p0 $0x0;
	v4 =	vadd.s32 @!p0 v7, v4  }
0x252: {  	[hbm4b:s3+s0] =	stream.indirect_vreg.scatter @!p0 [tilespmem:s1], [sflag:$0x16], $0x80, v5, vm0, $0xb8;
	[tilespmem:$0x14580] =	vst v63  }
0x253: {  	s1 =	simm.s32 @!p0 $0x12D80  }
0x254: {  	[hbm4b:s8+s0] =	stream.indirect_vreg.scatter @!p0 [tilespmem:s1], [sflag:$0x16], $0x80, v5, vm0, $0xb8;
	[tilespmem:$0x14580] =	vst v63  }
0x255: {  	s1 =	simm.s32 @!p0 $0x13580  }
0x256: {  	[hbm4b:s3+s0] =	stream.indirect_vreg.scatter @!p0 [tilespmem:s1], [sflag:$0x16], $0x80, v4, vm0, $0xb8;
	[tilespmem:$0x14580] =	vst v63  }
0x257: {  	s2 =	simm.s32 @!p0 $0x13D80;
	s30 =	rddreg [dreg:$0x10]  }
0x258: {  	[hbm4b:s8+s0] =	stream.indirect_vreg.scatter @!p0 [tilespmem:s2], [sflag:$0x16], $0x80, v4, vm0, $0xb8;
	[tilespmem:$0x14580] =	vst v63  }
0x259: {  	p0 =	sge.s32 s19, s30  }
0x25a: {  	v4 =	vld @!p0 [tilespmem:s20+$0x20];
	_ =	sdelay $0x4  }
0x25b: {  	v5 =	vshll.u32 @!p0 v4, $0x2  }
0x25c: {  	v6 =	vlaneseq.u32 @!p0;
	v4 =	vand.u32 @!p0 $0x7, v4;
	v5 =	vand.u32 @!p0 $0xFFFFFFE0, v5  }
0x25d: {  	v7 =	vshrl.u32 @!p0 v6, $0x3;
	v4 =	vor.u32 @!p0 v4, v5;
	v5 =	vand.u32 @!p0 $0x7, v6  }
0x25e: {  	v7 =	vmul.u32 @!p0 $0x8, v7;
	v5 =	vperm.xlane @!p0 v4, v5  }
0x25f: {  	p1 =	seq.s32 @!p0 s19, $0x0  }
0x260: {  	p1 =	por p1, p0;
	v5 =	vadd.s32 @!p0 v7, v5  }
0x261: {  	s0 =	simm.s32 @!p1 $0x17;
	v6 =	vor.u32 @!p0 $0x8, v6  }
0x262: {  	_ =	swait.ge @!p1 [sflag:s0], $0x2000;
	v4 =	vperm.xlane @!p0 v4, v6  }
0x263: {  	[sflag:s0] =	ssyncset.done @!p1 $0x0  }
0x264: {  	vm0 =	vmmov @!p0 $0xffff;
	s1 =	simm.s32 @!p0 $0x12580;
	[sflag:s0] =	ssyncadd.s32 @!p1 $0xFFFFE000;
	s0 =	simm.s32 @!p0 $0x0;
	v4 =	vadd.s32 @!p0 v7, v4  }
0x265: {  	[hbm4b:s3+s0] =	stream.indirect_vreg.scatter @!p0 [tilespmem:s1], [sflag:$0x17], $0x80, v5, vm0, $0xb8;
	[tilespmem:$0x14580] =	vst v63  }
0x266: {  	s1 =	simm.s32 @!p0 $0x12D80  }
0x267: {  	[hbm4b:s8+s0] =	stream.indirect_vreg.scatter @!p0 [tilespmem:s1], [sflag:$0x17], $0x80, v5, vm0, $0xb8;
	[tilespmem:$0x14580] =	vst v63  }
0x268: {  	s1 =	simm.s32 @!p0 $0x13580  }
0x269: {  	[hbm4b:s3+s0] =	stream.indirect_vreg.scatter @!p0 [tilespmem:s1], [sflag:$0x17], $0x80, v4, vm0, $0xb8;
	[tilespmem:$0x14580] =	vst v63  }
0x26a: {  	s2 =	simm.s32 @!p0 $0x13D80;
	s31 =	rddreg [dreg:$0x11]  }
0x26b: {  	[hbm4b:s8+s0] =	stream.indirect_vreg.scatter @!p0 [tilespmem:s2], [sflag:$0x17], $0x80, v4, vm0, $0xb8;
	[tilespmem:$0x14580] =	vst v63  }
0x26c: {  	p0 =	sge.s32 s19, s31  }
0x26d: {  	v4 =	vld @!p0 [tilespmem:s20+$0x30];
	_ =	sdelay $0x4  }
0x26e: {  	v5 =	vshll.u32 @!p0 v4, $0x2  }
0x26f: {  	v6 =	vlaneseq.u32 @!p0;
	v4 =	vand.u32 @!p0 $0x7, v4;
	v5 =	vand.u32 @!p0 $0xFFFFFFE0, v5  }
0x270: {  	v7 =	vshrl.u32 @!p0 v6, $0x3;
	v4 =	vor.u32 @!p0 v4, v5;
	v5 =	vand.u32 @!p0 $0x7, v6  }
0x271: {  	v7 =	vmul.u32 @!p0 $0x8, v7;
	v5 =	vperm.xlane @!p0 v4, v5  }
0x272: {  	p1 =	seq.s32 @!p0 s19, $0x0  }
0x273: {  	p1 =	por p1, p0;
	v5 =	vadd.s32 @!p0 v7, v5  }
0x274: {  	s0 =	simm.s32 @!p1 $0x18;
	v6 =	vor.u32 @!p0 $0x8, v6  }
0x275: {  	_ =	swait.ge @!p1 [sflag:s0], $0x2000;
	v4 =	vperm.xlane @!p0 v4, v6  }
0x276: {  	[sflag:s0] =	ssyncset.done @!p1 $0x0  }
0x277: {  	vm0 =	vmmov @!p0 $0xffff;
	s1 =	simm.s32 @!p0 $0x12580;
	[sflag:s0] =	ssyncadd.s32 @!p1 $0xFFFFE000;
	s0 =	simm.s32 @!p0 $0x0;
	v4 =	vadd.s32 @!p0 v7, v4  }
0x278: {  	[hbm4b:s3+s0] =	stream.indirect_vreg.scatter @!p0 [tilespmem:s1], [sflag:$0x18], $0x80, v5, vm0, $0xb8;
	[tilespmem:$0x14580] =	vst v63  }
0x279: {  	s1 =	simm.s32 @!p0 $0x12D80  }
0x27a: {  	[hbm4b:s8+s0] =	stream.indirect_vreg.scatter @!p0 [tilespmem:s1], [sflag:$0x18], $0x80, v5, vm0, $0xb8;
	[tilespmem:$0x14580] =	vst v63  }
0x27b: {  	s1 =	simm.s32 @!p0 $0x13580  }
0x27c: {  	[hbm4b:s3+s0] =	stream.indirect_vreg.scatter @!p0 [tilespmem:s1], [sflag:$0x18], $0x80, v4, vm0, $0xb8;
	[tilespmem:$0x14580] =	vst v63  }
0x27d: {  	s18 =	sadd.s32 $0xFFFFFFFF, s18;
	s1 =	simm.s32 @!p0 $0x13D80  }
0x27e: {  	[hbm4b:s8+s0] =	stream.indirect_vreg.scatter @!p0 [tilespmem:s1], [sflag:$0x18], $0x80, v4, vm0, $0xb8;
	[tilespmem:$0x14580] =	vst v63  }
0x27f: {  	p0 =	sne.s32 s18, $0x0  }
.Ltmp6:
0x280: {  	_ = 	snop;
	(pc) =	sbr.rel @p0 .LBB2_8-.Ltmp6, $2  }
0x281: {  	_ =	sdelay $0x2  }
0x282: {  	s19 =	sadd.s32 $0x8, s19;
	s20 =	sadd.s32 $0x80, s20  }
.Ltmp7:
0x283: {  	_ = 	snop;
	(pc) =	sbr.rel .LBB2_9-.Ltmp7, $1  }
0x284: {  	_ =	sdelay $0x3  }
.LBB2_10:
0x285: {  	_ =	sfence.sel $0x180000  }
0x286: {  	[bflag:$0x0] =	sbarrier.arrive $0xFFFF  }
0x287: {  	_ =	strace $0x90000047  }
0x288: {  	s0 =	stileid.u32;
	[bflag:$0x2] =	sbarrier.arrive $0xFFFF  }
0x289: {  	p0 =	sne.s32 s0, $0x0;
	s0 =	rddreg [dreg:$0x3]  }
0x28a: {  	s0 =	sadd.s32 @!p0 $0x100000, s0  }
0x28b: {  	[sflag:s0] =	ssyncadd.tile.s32 @!p0 $0x1;
	_ =	shalt  }
.Lfunc_end2:
_tile_overlayer_lowered:
.L_overlay_start_2:
0x28c: {  	(tag) =	ssettag $0x2  }
0x28d: {  	s0 =	rddreg [dreg:$0x0];
	s2 =	stileid.u32  }
0x28e: {  	s1 =	rddreg [dreg:$0x1];
	p0 =	sne.s32 s2, $0x0  }
0x28f: {  	s3 =	rddreg [dreg:$0x2];
	[bflag:$0x3] =	sbarrier.arrive $0xFFFF;
	s2 =	simm.s32 @!p0 $0x1C19  }
0x290: {  	[timem:s3], [sflag:s2] =	dma.local @!p0 [hbm:s0], s1  }
0x291: {  	s0 =	simm.s32 @!p0 $0x19  }
0x292: {  	_ =	swait.ge @!p0 [sflag:s0], s1  }
0x293: {  	s1 =	ssub.s32 @!p0 $0x0, s1;
	[sflag:s0] =	ssyncset.done @!p0 $0x0  }
0x294: {  	[sflag:s0] =	ssyncadd.s32 @!p0 s1  }
0x295: {  	[bflag:$0x3] =	sbarrier.arrive $0xFFFF  }
0x296: {  	_ =	shalt  }

</sc_bundles>
